<compile_context>
chip_gen: v7x
topology: tpu7x:2x2x1
jax: 0.10.2.dev20260603
libtpu: 0.0.44.dev20260713+nightly
codegen_flags: <defaults>
</compile_context>

<pallas_src>
import math

import jax
import jax.numpy as jnp
from jax import lax
from jax.experimental import pallas as pl
from jax.experimental.pallas import tpu as pltpu
from jax.experimental.pallas import tpu_sc as plsc

D_MODEL = 128
_SCALE = math.sqrt(float(D_MODEL))

_NC = 2
_NS = 16
_NW = _NC * _NS

_NROWS = 4096
_K = 50
_CPW = _NROWS // _NW
_CH = 64
_NCHUNK = _K * _CPW // _CH
_NBUF = 10

_mesh = plsc.VectorSubcoreMesh(core_axis_name="c", subcore_axis_name="s")


@pl.kernel(
    out_type=jax.ShapeDtypeStruct((_K, _NROWS, D_MODEL), jnp.float32),
    mesh=_mesh,
    scratch_types=(
        [pltpu.VMEM((_K, _CPW), jnp.int32)]
        + [pltpu.VMEM((_CH, D_MODEL), jnp.float32) for _ in range(_NBUF)]
        + [pltpu.SemaphoreType.DMA for _ in range(2 * _NBUF)]
    ),
    compiler_params=pltpu.CompilerParams(use_tc_tiling_on_sc=True),
)
def _gather_scale(idx_hbm, table_hbm, out_hbm, idx_v, *bs):
    bufs = bs[:_NBUF]
    gsems = bs[_NBUF:2 * _NBUF]
    ssems = bs[2 * _NBUF:]
    wid = lax.axis_index("s") * _NC + lax.axis_index("c")
    base_col = wid * _CPW
    scale = jnp.float32(_SCALE)

    pltpu.sync_copy(
        idx_hbm.at[pl.ds(0, _K), pl.ds(base_col, _CPW)], idx_v)

    def start_gather(c, b):
        kk = c >> 1
        half = (c & 1) * _CH
        pltpu.async_copy(
            table_hbm.at[idx_v.at[kk, pl.ds(half, _CH)]], bufs[b], gsems[b])

    def wait_gather(b):
        pltpu.make_async_copy(
            table_hbm.at[idx_v.at[0, pl.ds(0, _CH)]], bufs[b], gsems[b]).wait()

    def wait_store(b):
        pltpu.make_async_copy(
            bufs[b], out_hbm.at[0, pl.ds(base_col, _CH)], ssems[b]).wait()

    for c in range(_NBUF - 1):
        start_gather(c, c)

    @pl.loop(0, _NCHUNK, step=_NBUF)
    def _chunks(j):
        for b in range(_NBUF):
            c = j + b
            nb = (b + _NBUF - 1) % _NBUF
            @pl.when(c + _NBUF - 1 < _NCHUNK)
            def _():
                @pl.when(c >= 1)
                def _():
                    wait_store(nb)
                start_gather(c + _NBUF - 1, nb)

            wait_gather(b)

            @plsc.parallel_loop(0, _CH, unroll=2)
            def _rows(i):
                for q in range(D_MODEL // 16):
                    sl = pl.ds(q * 16, 16)
                    bufs[b][i, sl] = bufs[b][i, sl] * scale

            kk = c >> 1
            half = (c & 1) * _CH
            pltpu.async_copy(
                bufs[b],
                out_hbm.at[kk, pl.ds(base_col + half, _CH)],
                ssems[b])

    for c in range(_NCHUNK - _NBUF, _NCHUNK):
        wait_store(c % _NBUF)


def kernel(idxs, emb_table):
    out_t = _gather_scale(idxs.T.astype(jnp.int32), emb_table)
    return out_t.transpose(1, 0, 2)

# --- scband reference (transcript-rebuilt; emitter-appended) ---
"""Pipeline reference for scband-embeddings-58025008169244 (READ-ONLY COPY).

The authoritative reference and input builder live on the scoring server;
editing this copy changes nothing except your own understanding.
"""

import math
import jax, jax.numpy as jnp
import numpy as np

VOCAB = 100000
D_MODEL = 128

def setup_inputs(seed: int = 0) -> dict:
    key = jax.random.key(seed)
    k_idx, k_tab = jax.random.split(key)
    idxs = jax.random.randint(k_idx, (4096, 50), 0, VOCAB, dtype=jnp.int64 if jax.config.jax_enable_x64 else jnp.int32)
    emb_table = jax.random.normal(k_tab, (VOCAB, D_MODEL), dtype=jnp.float32)
    return {"idxs": idxs, "emb_table": emb_table}

def reference(idxs, emb_table):
    # Embedding lookup (gather) followed by sqrt(d_model) scaling,
    # faithful to nn.Embedding(vocab, d) + * math.sqrt(d_model)
    out = jnp.take(emb_table, idxs, axis=0)
    return out * math.sqrt(D_MODEL)

if __name__ == "__main__":
    import jax
    _d = setup_inputs()
    print(jax.jit(kernel)(*tuple(_d.values())))

</pallas_src>

<mosaic_0001>
#map = affine_map<(d0, d1) -> (0, 0)>
#map1 = affine_map<(d0, d1) -> (0, 0, 0)>
module attributes {stable_mosaic.version = 14 : i64} {
  func.func @_gather_scale(%arg0: i32, %arg1: i32, %arg2: memref<50x4096xi32, #tpu.memory_space<hbm>>, %arg3: memref<100000x128xf32, #tpu.memory_space<hbm>>, %arg4: memref<50x4096x128xf32, #tpu.memory_space<hbm>>, %arg5: memref<50x128xi32, #tpu.memory_space<vmem>>, %arg6: memref<64x128xf32, #tpu.memory_space<vmem>>, %arg7: memref<64x128xf32, #tpu.memory_space<vmem>>, %arg8: memref<64x128xf32, #tpu.memory_space<vmem>>, %arg9: memref<64x128xf32, #tpu.memory_space<vmem>>, %arg10: memref<64x128xf32, #tpu.memory_space<vmem>>, %arg11: memref<64x128xf32, #tpu.memory_space<vmem>>, %arg12: memref<64x128xf32, #tpu.memory_space<vmem>>, %arg13: memref<64x128xf32, #tpu.memory_space<vmem>>, %arg14: memref<64x128xf32, #tpu.memory_space<vmem>>, %arg15: memref<64x128xf32, #tpu.memory_space<vmem>>, %arg16: memref<!tpu.dma_semaphore, #tpu.memory_space<semaphore_mem>>, %arg17: memref<!tpu.dma_semaphore, #tpu.memory_space<semaphore_mem>>, %arg18: memref<!tpu.dma_semaphore, #tpu.memory_space<semaphore_mem>>, %arg19: memref<!tpu.dma_semaphore, #tpu.memory_space<semaphore_mem>>, %arg20: memref<!tpu.dma_semaphore, #tpu.memory_space<semaphore_mem>>, %arg21: memref<!tpu.dma_semaphore, #tpu.memory_space<semaphore_mem>>, %arg22: memref<!tpu.dma_semaphore, #tpu.memory_space<semaphore_mem>>, %arg23: memref<!tpu.dma_semaphore, #tpu.memory_space<semaphore_mem>>, %arg24: memref<!tpu.dma_semaphore, #tpu.memory_space<semaphore_mem>>, %arg25: memref<!tpu.dma_semaphore, #tpu.memory_space<semaphore_mem>>, %arg26: memref<!tpu.dma_semaphore, #tpu.memory_space<semaphore_mem>>, %arg27: memref<!tpu.dma_semaphore, #tpu.memory_space<semaphore_mem>>, %arg28: memref<!tpu.dma_semaphore, #tpu.memory_space<semaphore_mem>>, %arg29: memref<!tpu.dma_semaphore, #tpu.memory_space<semaphore_mem>>, %arg30: memref<!tpu.dma_semaphore, #tpu.memory_space<semaphore_mem>>, %arg31: memref<!tpu.dma_semaphore, #tpu.memory_space<semaphore_mem>>, %arg32: memref<!tpu.dma_semaphore, #tpu.memory_space<semaphore_mem>>, %arg33: memref<!tpu.dma_semaphore, #tpu.memory_space<semaphore_mem>>, %arg34: memref<!tpu.dma_semaphore, #tpu.memory_space<semaphore_mem>>, %arg35: memref<!tpu.dma_semaphore, #tpu.memory_space<semaphore_mem>>) attributes {dimension_semantics = [#tpu.dimension_semantics<core_parallel>, #tpu.dimension_semantics<subcore_parallel>], iteration_bounds = array<i64: 2, 16>, scalar_prefetch = 0 : i64, scratch_operands = 31 : i64, tpu.core_type = #tpu.core_type<sc_vector_subcore>, window_params = [{transform_indices = #map}, {transform_indices = #map}, {transform_indices = #map1}]} {
    %mul3A = arith.constant 2 : i32
    %mul3A_0 = arith.muli %arg1, %mul3A : i32
    %add3A = arith.addi %mul3A_0, %arg0 : i32
    %mul3A_1 = arith.constant 128 : i32
    %mul3A_2 = arith.muli %add3A, %mul3A_1 : i32
    "tpu.region"() ({
      %run_scoped3A = tpu.sem_alloc : memref<!tpu.dma_semaphore, #tpu.memory_space<semaphore_mem>>
      %dma_start3A_139 = arith.constant 0 : i32
      %dma_start3A_140 = tpu.memref_slice %arg2[%dma_start3A_139, %mul3A_2] : memref<50x4096xi32, #tpu.memory_space<hbm>> -> memref<50x128xi32, #tpu.memory_space<hbm>>
      %dma_start3A_141 = arith.constant 0 : i32
      %dma_start3A_142 = tpu.memref_slice %arg2[%dma_start3A_141, %mul3A_2] : memref<50x4096xi32, #tpu.memory_space<hbm>> -> memref<50x128xi32, #tpu.memory_space<hbm>>
      tpu.enqueue_dma source(%dma_start3A_142 : memref<50x128xi32, #tpu.memory_space<hbm>>) target(%arg5 : memref<50x128xi32, #tpu.memory_space<vmem>>) target_semaphore(%run_scoped3A : memref<!tpu.dma_semaphore, #tpu.memory_space<semaphore_mem>>)
      %dma_wait3A_143 = arith.constant 0 : i32
      %dma_wait3A_144 = tpu.memref_slice %arg2[%dma_wait3A_143, %mul3A_2] : memref<50x4096xi32, #tpu.memory_space<hbm>> -> memref<50x128xi32, #tpu.memory_space<hbm>>
      %dma_wait3A_145 = arith.constant 0 : i32
      %dma_wait3A_146 = tpu.memref_slice %arg2[%dma_wait3A_145, %mul3A_2] : memref<50x4096xi32, #tpu.memory_space<hbm>> -> memref<50x128xi32, #tpu.memory_space<hbm>>
      tpu.wait_dma2 semaphore(%run_scoped3A : memref<!tpu.dma_semaphore, #tpu.memory_space<semaphore_mem>>) src(%dma_wait3A_146 : memref<50x128xi32, #tpu.memory_space<hbm>>) dst(%arg5 : memref<50x128xi32, #tpu.memory_space<vmem>>)
      tpu.yield
    }) : () -> ()
    %dma_start3A = arith.constant 0 : i32
    %dma_start3A_3 = arith.constant 0 : i32
    %dma_start3A_4 = tpu.memref_slice %arg5[%dma_start3A, %dma_start3A_3] : memref<50x128xi32, #tpu.memory_space<vmem>> -> memref<1x64xi32, #tpu.memory_space<vmem>>
    %dma_start3A_5 = tpu.memref_squeeze %dma_start3A_4 : memref<1x64xi32, #tpu.memory_space<vmem>> -> memref<64xi32, #tpu.memory_space<vmem>>
    %dma_start3A_6 = arith.constant 0 : i32
    %dma_start3A_7 = arith.constant 0 : i32
    %dma_start3A_8 = tpu.memref_slice %arg3[%dma_start3A_6, %dma_start3A_7] : memref<100000x128xf32, #tpu.memory_space<hbm>> -> memref<100000x128xf32, #tpu.memory_space<hbm>>
    tpu.enqueue_indirect_dma source(%dma_start3A_8 : memref<100000x128xf32, #tpu.memory_space<hbm>>) target(%arg6 : memref<64x128xf32, #tpu.memory_space<vmem>>) offsets(%dma_start3A_5 : memref<64xi32, #tpu.memory_space<vmem>>) semaphore(%arg16 : memref<!tpu.dma_semaphore, #tpu.memory_space<semaphore_mem>>)
    %dma_start3A_9 = arith.constant 0 : i32
    %dma_start3A_10 = arith.constant 64 : i32
    %dma_start3A_11 = tpu.memref_slice %arg5[%dma_start3A_9, %dma_start3A_10] : memref<50x128xi32, #tpu.memory_space<vmem>> -> memref<1x64xi32, #tpu.memory_space<vmem>>
    %dma_start3A_12 = tpu.memref_squeeze %dma_start3A_11 : memref<1x64xi32, #tpu.memory_space<vmem>> -> memref<64xi32, #tpu.memory_space<vmem>>
    %dma_start3A_13 = arith.constant 0 : i32
    %dma_start3A_14 = arith.constant 0 : i32
    %dma_start3A_15 = tpu.memref_slice %arg3[%dma_start3A_13, %dma_start3A_14] : memref<100000x128xf32, #tpu.memory_space<hbm>> -> memref<100000x128xf32, #tpu.memory_space<hbm>>
    tpu.enqueue_indirect_dma source(%dma_start3A_15 : memref<100000x128xf32, #tpu.memory_space<hbm>>) target(%arg7 : memref<64x128xf32, #tpu.memory_space<vmem>>) offsets(%dma_start3A_12 : memref<64xi32, #tpu.memory_space<vmem>>) semaphore(%arg17 : memref<!tpu.dma_semaphore, #tpu.memory_space<semaphore_mem>>)
    %dma_start3A_16 = arith.constant 1 : i32
    %dma_start3A_17 = arith.constant 0 : i32
    %dma_start3A_18 = tpu.memref_slice %arg5[%dma_start3A_16, %dma_start3A_17] : memref<50x128xi32, #tpu.memory_space<vmem>> -> memref<1x64xi32, #tpu.memory_space<vmem>>
    %dma_start3A_19 = tpu.memref_squeeze %dma_start3A_18 : memref<1x64xi32, #tpu.memory_space<vmem>> -> memref<64xi32, #tpu.memory_space<vmem>>
    %dma_start3A_20 = arith.constant 0 : i32
    %dma_start3A_21 = arith.constant 0 : i32
    %dma_start3A_22 = tpu.memref_slice %arg3[%dma_start3A_20, %dma_start3A_21] : memref<100000x128xf32, #tpu.memory_space<hbm>> -> memref<100000x128xf32, #tpu.memory_space<hbm>>
    tpu.enqueue_indirect_dma source(%dma_start3A_22 : memref<100000x128xf32, #tpu.memory_space<hbm>>) target(%arg8 : memref<64x128xf32, #tpu.memory_space<vmem>>) offsets(%dma_start3A_19 : memref<64xi32, #tpu.memory_space<vmem>>) semaphore(%arg18 : memref<!tpu.dma_semaphore, #tpu.memory_space<semaphore_mem>>)
    %dma_start3A_23 = arith.constant 1 : i32
    %dma_start3A_24 = arith.constant 64 : i32
    %dma_start3A_25 = tpu.memref_slice %arg5[%dma_start3A_23, %dma_start3A_24] : memref<50x128xi32, #tpu.memory_space<vmem>> -> memref<1x64xi32, #tpu.memory_space<vmem>>
    %dma_start3A_26 = tpu.memref_squeeze %dma_start3A_25 : memref<1x64xi32, #tpu.memory_space<vmem>> -> memref<64xi32, #tpu.memory_space<vmem>>
    %dma_start3A_27 = arith.constant 0 : i32
    %dma_start3A_28 = arith.constant 0 : i32
    %dma_start3A_29 = tpu.memref_slice %arg3[%dma_start3A_27, %dma_start3A_28] : memref<100000x128xf32, #tpu.memory_space<hbm>> -> memref<100000x128xf32, #tpu.memory_space<hbm>>
    tpu.enqueue_indirect_dma source(%dma_start3A_29 : memref<100000x128xf32, #tpu.memory_space<hbm>>) target(%arg9 : memref<64x128xf32, #tpu.memory_space<vmem>>) offsets(%dma_start3A_26 : memref<64xi32, #tpu.memory_space<vmem>>) semaphore(%arg19 : memref<!tpu.dma_semaphore, #tpu.memory_space<semaphore_mem>>)
    %dma_start3A_30 = arith.constant 2 : i32
    %dma_start3A_31 = arith.constant 0 : i32
    %dma_start3A_32 = tpu.memref_slice %arg5[%dma_start3A_30, %dma_start3A_31] : memref<50x128xi32, #tpu.memory_space<vmem>> -> memref<1x64xi32, #tpu.memory_space<vmem>>
    %dma_start3A_33 = tpu.memref_squeeze %dma_start3A_32 : memref<1x64xi32, #tpu.memory_space<vmem>> -> memref<64xi32, #tpu.memory_space<vmem>>
    %dma_start3A_34 = arith.constant 0 : i32
    %dma_start3A_35 = arith.constant 0 : i32
    %dma_start3A_36 = tpu.memref_slice %arg3[%dma_start3A_34, %dma_start3A_35] : memref<100000x128xf32, #tpu.memory_space<hbm>> -> memref<100000x128xf32, #tpu.memory_space<hbm>>
    tpu.enqueue_indirect_dma source(%dma_start3A_36 : memref<100000x128xf32, #tpu.memory_space<hbm>>) target(%arg10 : memref<64x128xf32, #tpu.memory_space<vmem>>) offsets(%dma_start3A_33 : memref<64xi32, #tpu.memory_space<vmem>>) semaphore(%arg20 : memref<!tpu.dma_semaphore, #tpu.memory_space<semaphore_mem>>)
    %dma_start3A_37 = arith.constant 2 : i32
    %dma_start3A_38 = arith.constant 64 : i32
    %dma_start3A_39 = tpu.memref_slice %arg5[%dma_start3A_37, %dma_start3A_38] : memref<50x128xi32, #tpu.memory_space<vmem>> -> memref<1x64xi32, #tpu.memory_space<vmem>>
    %dma_start3A_40 = tpu.memref_squeeze %dma_start3A_39 : memref<1x64xi32, #tpu.memory_space<vmem>> -> memref<64xi32, #tpu.memory_space<vmem>>
    %dma_start3A_41 = arith.constant 0 : i32
    %dma_start3A_42 = arith.constant 0 : i32
    %dma_start3A_43 = tpu.memref_slice %arg3[%dma_start3A_41, %dma_start3A_42] : memref<100000x128xf32, #tpu.memory_space<hbm>> -> memref<100000x128xf32, #tpu.memory_space<hbm>>
    tpu.enqueue_indirect_dma source(%dma_start3A_43 : memref<100000x128xf32, #tpu.memory_space<hbm>>) target(%arg11 : memref<64x128xf32, #tpu.memory_space<vmem>>) offsets(%dma_start3A_40 : memref<64xi32, #tpu.memory_space<vmem>>) semaphore(%arg21 : memref<!tpu.dma_semaphore, #tpu.memory_space<semaphore_mem>>)
    %dma_start3A_44 = arith.constant 3 : i32
    %dma_start3A_45 = arith.constant 0 : i32
    %dma_start3A_46 = tpu.memref_slice %arg5[%dma_start3A_44, %dma_start3A_45] : memref<50x128xi32, #tpu.memory_space<vmem>> -> memref<1x64xi32, #tpu.memory_space<vmem>>
    %dma_start3A_47 = tpu.memref_squeeze %dma_start3A_46 : memref<1x64xi32, #tpu.memory_space<vmem>> -> memref<64xi32, #tpu.memory_space<vmem>>
    %dma_start3A_48 = arith.constant 0 : i32
    %dma_start3A_49 = arith.constant 0 : i32
    %dma_start3A_50 = tpu.memref_slice %arg3[%dma_start3A_48, %dma_start3A_49] : memref<100000x128xf32, #tpu.memory_space<hbm>> -> memref<100000x128xf32, #tpu.memory_space<hbm>>
    tpu.enqueue_indirect_dma source(%dma_start3A_50 : memref<100000x128xf32, #tpu.memory_space<hbm>>) target(%arg12 : memref<64x128xf32, #tpu.memory_space<vmem>>) offsets(%dma_start3A_47 : memref<64xi32, #tpu.memory_space<vmem>>) semaphore(%arg22 : memref<!tpu.dma_semaphore, #tpu.memory_space<semaphore_mem>>)
    %dma_start3A_51 = arith.constant 3 : i32
    %dma_start3A_52 = arith.constant 64 : i32
    %dma_start3A_53 = tpu.memref_slice %arg5[%dma_start3A_51, %dma_start3A_52] : memref<50x128xi32, #tpu.memory_space<vmem>> -> memref<1x64xi32, #tpu.memory_space<vmem>>
    %dma_start3A_54 = tpu.memref_squeeze %dma_start3A_53 : memref<1x64xi32, #tpu.memory_space<vmem>> -> memref<64xi32, #tpu.memory_space<vmem>>
    %dma_start3A_55 = arith.constant 0 : i32
    %dma_start3A_56 = arith.constant 0 : i32
    %dma_start3A_57 = tpu.memref_slice %arg3[%dma_start3A_55, %dma_start3A_56] : memref<100000x128xf32, #tpu.memory_space<hbm>> -> memref<100000x128xf32, #tpu.memory_space<hbm>>
    tpu.enqueue_indirect_dma source(%dma_start3A_57 : memref<100000x128xf32, #tpu.memory_space<hbm>>) target(%arg13 : memref<64x128xf32, #tpu.memory_space<vmem>>) offsets(%dma_start3A_54 : memref<64xi32, #tpu.memory_space<vmem>>) semaphore(%arg23 : memref<!tpu.dma_semaphore, #tpu.memory_space<semaphore_mem>>)
    %dma_start3A_58 = arith.constant 4 : i32
    %dma_start3A_59 = arith.constant 0 : i32
    %dma_start3A_60 = tpu.memref_slice %arg5[%dma_start3A_58, %dma_start3A_59] : memref<50x128xi32, #tpu.memory_space<vmem>> -> memref<1x64xi32, #tpu.memory_space<vmem>>
    %dma_start3A_61 = tpu.memref_squeeze %dma_start3A_60 : memref<1x64xi32, #tpu.memory_space<vmem>> -> memref<64xi32, #tpu.memory_space<vmem>>
    %dma_start3A_62 = arith.constant 0 : i32
    %dma_start3A_63 = arith.constant 0 : i32
    %dma_start3A_64 = tpu.memref_slice %arg3[%dma_start3A_62, %dma_start3A_63] : memref<100000x128xf32, #tpu.memory_space<hbm>> -> memref<100000x128xf32, #tpu.memory_space<hbm>>
    tpu.enqueue_indirect_dma source(%dma_start3A_64 : memref<100000x128xf32, #tpu.memory_space<hbm>>) target(%arg14 : memref<64x128xf32, #tpu.memory_space<vmem>>) offsets(%dma_start3A_61 : memref<64xi32, #tpu.memory_space<vmem>>) semaphore(%arg24 : memref<!tpu.dma_semaphore, #tpu.memory_space<semaphore_mem>>)
    %scan3A = arith.constant 11.3137083 : f32
    %scan3A_65 = arith.constant 0 : i32
    %scan3A_66 = arith.constant 10 : i32
    %scan3A_67 = arith.addi %scan3A_65, %scan3A_66 : i32
    %scan3A_68 = arith.constant 1 : i32
    scf.for %scan3A_139 = %scan3A_65 to %scan3A_67 step %scan3A_68  : i32 {
      %mul3A_140 = arith.constant 10 : i32
      %mul3A_141 = arith.muli %scan3A_139, %mul3A_140 : i32
      %add3A_142 = arith.constant 0 : i32
      %add3A_143 = arith.addi %add3A_142, %mul3A_141 : i32
      %add3A_144 = arith.constant 0 : i32
      %add3A_145 = arith.addi %add3A_143, %add3A_144 : i32
      %add3A_146 = arith.constant 10 : i32
      %add3A_147 = arith.addi %add3A_145, %add3A_146 : i32
      %sub3A = arith.constant 1 : i32
      %sub3A_148 = arith.subi %add3A_147, %sub3A : i32
      %lt3A = arith.constant 100 : i32
      %lt3A_149 = arith.cmpi slt, %sub3A_148, %lt3A : i32
      %convert_element_type3A = arith.extui %lt3A_149 : i1 to i32
      %cond3A = arith.constant 0 : i32
      %cond3A_150 = arith.cmpi ne, %convert_element_type3A, %cond3A : i32
      scf.if %cond3A_150 {
        %ge3A = arith.constant 1 : i32
        %ge3A_477 = arith.cmpi sge, %add3A_145, %ge3A : i32
        %convert_element_type3A_478 = arith.extui %ge3A_477 : i1 to i32
        %cond3A_479 = arith.constant 0 : i32
        %cond3A_480 = arith.cmpi ne, %convert_element_type3A_478, %cond3A_479 : i32
        scf.if %cond3A_480 {
          %dma_wait3A_496 = arith.constant 0 : i32
          %dma_wait3A_497 = arith.constant 0 : i32
          %dma_wait3A_498 = tpu.memref_slice %arg4[%dma_wait3A_496, %mul3A_2, %dma_wait3A_497] : memref<50x4096x128xf32, #tpu.memory_space<hbm>> -> memref<1x64x128xf32, #tpu.memory_space<hbm>>
          %dma_wait3A_499 = tpu.memref_squeeze %dma_wait3A_498 : memref<1x64x128xf32, #tpu.memory_space<hbm>> -> memref<64x128xf32, #tpu.memory_space<hbm>>
          %dma_wait3A_500 = arith.constant 0 : i32
          %dma_wait3A_501 = tpu.memref_slice %arg4[%dma_wait3A_496, %mul3A_2, %dma_wait3A_500] : memref<50x4096x128xf32, #tpu.memory_space<hbm>> -> memref<1x64x128xf32, #tpu.memory_space<hbm>>
          %dma_wait3A_502 = tpu.memref_squeeze %dma_wait3A_501 : memref<1x64x128xf32, #tpu.memory_space<hbm>> -> memref<64x128xf32, #tpu.memory_space<hbm>>
          tpu.wait_dma2 semaphore(%arg35 : memref<!tpu.dma_semaphore, #tpu.memory_space<semaphore_mem>>) src(%arg15 : memref<64x128xf32, #tpu.memory_space<vmem>>) dst(%dma_wait3A_502 : memref<64x128xf32, #tpu.memory_space<hbm>>)
        } else {
        }
        %add3A_481 = arith.constant 10 : i32
        %add3A_482 = arith.addi %add3A_145, %add3A_481 : i32
        %sub3A_483 = arith.constant 1 : i32
        %sub3A_484 = arith.subi %add3A_482, %sub3A_483 : i32
        %shift_right_arithmetic3A_485 = arith.constant 1 : i32
        %shift_right_arithmetic3A_486 = arith.shrsi %sub3A_484, %shift_right_arithmetic3A_485 : i32
        %and3A_487 = arith.constant 1 : i32
        %and3A_488 = arith.andi %sub3A_484, %and3A_487 : i32
        %mul3A_489 = arith.constant 64 : i32
        %mul3A_490 = arith.muli %and3A_488, %mul3A_489 : i32
        %dma_start3A_491 = tpu.memref_slice %arg5[%shift_right_arithmetic3A_486, %mul3A_490] : memref<50x128xi32, #tpu.memory_space<vmem>> -> memref<1x64xi32, #tpu.memory_space<vmem>>
        %dma_start3A_492 = tpu.memref_squeeze %dma_start3A_491 : memref<1x64xi32, #tpu.memory_space<vmem>> -> memref<64xi32, #tpu.memory_space<vmem>>
        %dma_start3A_493 = arith.constant 0 : i32
        %dma_start3A_494 = arith.constant 0 : i32
        %dma_start3A_495 = tpu.memref_slice %arg3[%dma_start3A_493, %dma_start3A_494] : memref<100000x128xf32, #tpu.memory_space<hbm>> -> memref<100000x128xf32, #tpu.memory_space<hbm>>
        tpu.enqueue_indirect_dma source(%dma_start3A_495 : memref<100000x128xf32, #tpu.memory_space<hbm>>) target(%arg15 : memref<64x128xf32, #tpu.memory_space<vmem>>) offsets(%dma_start3A_492 : memref<64xi32, #tpu.memory_space<vmem>>) semaphore(%arg25 : memref<!tpu.dma_semaphore, #tpu.memory_space<semaphore_mem>>)
      } else {
      }
      %dma_wait3A_151 = arith.constant 0 : i32
      %dma_wait3A_152 = arith.constant 0 : i32
      %dma_wait3A_153 = tpu.memref_slice %arg5[%dma_wait3A_151, %dma_wait3A_152] : memref<50x128xi32, #tpu.memory_space<vmem>> -> memref<1x64xi32, #tpu.memory_space<vmem>>
      %dma_wait3A_154 = tpu.memref_squeeze %dma_wait3A_153 : memref<1x64xi32, #tpu.memory_space<vmem>> -> memref<64xi32, #tpu.memory_space<vmem>>
      %dma_wait3A_155 = arith.constant 0 : i32
      %dma_wait3A_156 = arith.constant 0 : i32
      %dma_wait3A_157 = tpu.memref_slice %arg3[%dma_wait3A_155, %dma_wait3A_156] : memref<100000x128xf32, #tpu.memory_space<hbm>> -> memref<100000x128xf32, #tpu.memory_space<hbm>>
      tpu.wait_indirect_dma semaphore(%arg16 : memref<!tpu.dma_semaphore, #tpu.memory_space<semaphore_mem>>) src(%dma_wait3A_157 : memref<100000x128xf32, #tpu.memory_space<hbm>>) dst(%arg6 : memref<64x128xf32, #tpu.memory_space<vmem>>)
      %parallel_loop3A = arith.constant 0 : i32
      %parallel_loop3A_158 = arith.constant 64 : i32
      %parallel_loop3A_159 = arith.constant 1 : i32
      scf.for %parallel_loop3A_477 = %parallel_loop3A to %parallel_loop3A_158 step %parallel_loop3A_159  : i32 {
        %parallel_loop3A_478 = arith.index_cast %parallel_loop3A_477 : i32 to index
        %parallel_loop3A_479 = arith.constant 0 : index
        %parallel_loop3A_480 = tpu.vector_load %arg6[%parallel_loop3A_478, %parallel_loop3A_479] {strides = array<i32>} : memref<64x128xf32, #tpu.memory_space<vmem>>, vector<1x16xf32>,
        %parallel_loop3A_481 = vector.shape_cast %parallel_loop3A_480 : vector<1x16xf32> to vector<16xf32>
        %parallel_loop3A_482 = vector.broadcast %scan3A : f32 to vector<16xf32>
        %parallel_loop3A_483 = arith.mulf %parallel_loop3A_481, %parallel_loop3A_482 : vector<16xf32>
        %parallel_loop3A_484 = arith.index_cast %parallel_loop3A_477 : i32 to index
        %parallel_loop3A_485 = arith.constant 0 : index
        %parallel_loop3A_486 = tpu.vector_load %arg6[%parallel_loop3A_484, %parallel_loop3A_485] {strides = array<i32>} : memref<64x128xf32, #tpu.memory_space<vmem>>, vector<1x16xf32>,
        %parallel_loop3A_487 = vector.shape_cast %parallel_loop3A_486 : vector<1x16xf32> to vector<16xf32>
        %parallel_loop3A_488 = vector.shape_cast %parallel_loop3A_483 : vector<16xf32> to vector<1x16xf32>
        tpu.vector_store %arg6[%parallel_loop3A_484, %parallel_loop3A_485], %parallel_loop3A_488 {strides = array<i32>} : memref<64x128xf32, #tpu.memory_space<vmem>>, vector<1x16xf32>,
        %parallel_loop3A_489 = arith.index_cast %parallel_loop3A_477 : i32 to index
        %parallel_loop3A_490 = arith.constant 16 : index
        %parallel_loop3A_491 = tpu.vector_load %arg6[%parallel_loop3A_489, %parallel_loop3A_490] {strides = array<i32>} : memref<64x128xf32, #tpu.memory_space<vmem>>, vector<1x16xf32>,
        %parallel_loop3A_492 = vector.shape_cast %parallel_loop3A_491 : vector<1x16xf32> to vector<16xf32>
        %parallel_loop3A_493 = vector.broadcast %scan3A : f32 to vector<16xf32>
        %parallel_loop3A_494 = arith.mulf %parallel_loop3A_492, %parallel_loop3A_493 : vector<16xf32>
        %parallel_loop3A_495 = arith.index_cast %parallel_loop3A_477 : i32 to index
        %parallel_loop3A_496 = arith.constant 16 : index
        %parallel_loop3A_497 = tpu.vector_load %arg6[%parallel_loop3A_495, %parallel_loop3A_496] {strides = array<i32>} : memref<64x128xf32, #tpu.memory_space<vmem>>, vector<1x16xf32>,
        %parallel_loop3A_498 = vector.shape_cast %parallel_loop3A_497 : vector<1x16xf32> to vector<16xf32>
        %parallel_loop3A_499 = vector.shape_cast %parallel_loop3A_494 : vector<16xf32> to vector<1x16xf32>
        tpu.vector_store %arg6[%parallel_loop3A_495, %parallel_loop3A_496], %parallel_loop3A_499 {strides = array<i32>} : memref<64x128xf32, #tpu.memory_space<vmem>>, vector<1x16xf32>,
        %parallel_loop3A_500 = arith.index_cast %parallel_loop3A_477 : i32 to index
        %parallel_loop3A_501 = arith.constant 32 : index
        %parallel_loop3A_502 = tpu.vector_load %arg6[%parallel_loop3A_500, %parallel_loop3A_501] {strides = array<i32>} : memref<64x128xf32, #tpu.memory_space<vmem>>, vector<1x16xf32>,
        %parallel_loop3A_503 = vector.shape_cast %parallel_loop3A_502 : vector<1x16xf32> to vector<16xf32>
        %parallel_loop3A_504 = vector.broadcast %scan3A : f32 to vector<16xf32>
        %parallel_loop3A_505 = arith.mulf %parallel_loop3A_503, %parallel_loop3A_504 : vector<16xf32>
        %parallel_loop3A_506 = arith.index_cast %parallel_loop3A_477 : i32 to index
        %parallel_loop3A_507 = arith.constant 32 : index
        %parallel_loop3A_508 = tpu.vector_load %arg6[%parallel_loop3A_506, %parallel_loop3A_507] {strides = array<i32>} : memref<64x128xf32, #tpu.memory_space<vmem>>, vector<1x16xf32>,
        %parallel_loop3A_509 = vector.shape_cast %parallel_loop3A_508 : vector<1x16xf32> to vector<16xf32>
        %parallel_loop3A_510 = vector.shape_cast %parallel_loop3A_505 : vector<16xf32> to vector<1x16xf32>
        tpu.vector_store %arg6[%parallel_loop3A_506, %parallel_loop3A_507], %parallel_loop3A_510 {strides = array<i32>} : memref<64x128xf32, #tpu.memory_space<vmem>>, vector<1x16xf32>,
        %parallel_loop3A_511 = arith.index_cast %parallel_loop3A_477 : i32 to index
        %parallel_loop3A_512 = arith.constant 48 : index
        %parallel_loop3A_513 = tpu.vector_load %arg6[%parallel_loop3A_511, %parallel_loop3A_512] {strides = array<i32>} : memref<64x128xf32, #tpu.memory_space<vmem>>, vector<1x16xf32>,
        %parallel_loop3A_514 = vector.shape_cast %parallel_loop3A_513 : vector<1x16xf32> to vector<16xf32>
        %parallel_loop3A_515 = vector.broadcast %scan3A : f32 to vector<16xf32>
        %parallel_loop3A_516 = arith.mulf %parallel_loop3A_514, %parallel_loop3A_515 : vector<16xf32>
        %parallel_loop3A_517 = arith.index_cast %parallel_loop3A_477 : i32 to index
        %parallel_loop3A_518 = arith.constant 48 : index
        %parallel_loop3A_519 = tpu.vector_load %arg6[%parallel_loop3A_517, %parallel_loop3A_518] {strides = array<i32>} : memref<64x128xf32, #tpu.memory_space<vmem>>, vector<1x16xf32>,
        %parallel_loop3A_520 = vector.shape_cast %parallel_loop3A_519 : vector<1x16xf32> to vector<16xf32>
        %parallel_loop3A_521 = vector.shape_cast %parallel_loop3A_516 : vector<16xf32> to vector<1x16xf32>
        tpu.vector_store %arg6[%parallel_loop3A_517, %parallel_loop3A_518], %parallel_loop3A_521 {strides = array<i32>} : memref<64x128xf32, #tpu.memory_space<vmem>>, vector<1x16xf32>,
        %parallel_loop3A_522 = arith.index_cast %parallel_loop3A_477 : i32 to index
        %parallel_loop3A_523 = arith.constant 64 : index
        %parallel_loop3A_524 = tpu.vector_load %arg6[%parallel_loop3A_522, %parallel_loop3A_523] {strides = array<i32>} : memref<64x128xf32, #tpu.memory_space<vmem>>, vector<1x16xf32>,
        %parallel_loop3A_525 = vector.shape_cast %parallel_loop3A_524 : vector<1x16xf32> to vector<16xf32>
        %parallel_loop3A_526 = vector.broadcast %scan3A : f32 to vector<16xf32>
        %parallel_loop3A_527 = arith.mulf %parallel_loop3A_525, %parallel_loop3A_526 : vector<16xf32>
        %parallel_loop3A_528 = arith.index_cast %parallel_loop3A_477 : i32 to index
        %parallel_loop3A_529 = arith.constant 64 : index
        %parallel_loop3A_530 = tpu.vector_load %arg6[%parallel_loop3A_528, %parallel_loop3A_529] {strides = array<i32>} : memref<64x128xf32, #tpu.memory_space<vmem>>, vector<1x16xf32>,
        %parallel_loop3A_531 = vector.shape_cast %parallel_loop3A_530 : vector<1x16xf32> to vector<16xf32>
        %parallel_loop3A_532 = vector.shape_cast %parallel_loop3A_527 : vector<16xf32> to vector<1x16xf32>
        tpu.vector_store %arg6[%parallel_loop3A_528, %parallel_loop3A_529], %parallel_loop3A_532 {strides = array<i32>} : memref<64x128xf32, #tpu.memory_space<vmem>>, vector<1x16xf32>,
        %parallel_loop3A_533 = arith.index_cast %parallel_loop3A_477 : i32 to index
        %parallel_loop3A_534 = arith.constant 80 : index
        %parallel_loop3A_535 = tpu.vector_load %arg6[%parallel_loop3A_533, %parallel_loop3A_534] {strides = array<i32>} : memref<64x128xf32, #tpu.memory_space<vmem>>, vector<1x16xf32>,
        %parallel_loop3A_536 = vector.shape_cast %parallel_loop3A_535 : vector<1x16xf32> to vector<16xf32>
        %parallel_loop3A_537 = vector.broadcast %scan3A : f32 to vector<16xf32>
        %parallel_loop3A_538 = arith.mulf %parallel_loop3A_536, %parallel_loop3A_537 : vector<16xf32>
        %parallel_loop3A_539 = arith.index_cast %parallel_loop3A_477 : i32 to index
        %parallel_loop3A_540 = arith.constant 80 : index
        %parallel_loop3A_541 = tpu.vector_load %arg6[%parallel_loop3A_539, %parallel_loop3A_540] {strides = array<i32>} : memref<64x128xf32, #tpu.memory_space<vmem>>, vector<1x16xf32>,
        %parallel_loop3A_542 = vector.shape_cast %parallel_loop3A_541 : vector<1x16xf32> to vector<16xf32>
        %parallel_loop3A_543 = vector.shape_cast %parallel_loop3A_538 : vector<16xf32> to vector<1x16xf32>
        tpu.vector_store %arg6[%parallel_loop3A_539, %parallel_loop3A_540], %parallel_loop3A_543 {strides = array<i32>} : memref<64x128xf32, #tpu.memory_space<vmem>>, vector<1x16xf32>,
        %parallel_loop3A_544 = arith.index_cast %parallel_loop3A_477 : i32 to index
        %parallel_loop3A_545 = arith.constant 96 : index
        %parallel_loop3A_546 = tpu.vector_load %arg6[%parallel_loop3A_544, %parallel_loop3A_545] {strides = array<i32>} : memref<64x128xf32, #tpu.memory_space<vmem>>, vector<1x16xf32>,
        %parallel_loop3A_547 = vector.shape_cast %parallel_loop3A_546 : vector<1x16xf32> to vector<16xf32>
        %parallel_loop3A_548 = vector.broadcast %scan3A : f32 to vector<16xf32>
        %parallel_loop3A_549 = arith.mulf %parallel_loop3A_547, %parallel_loop3A_548 : vector<16xf32>
        %parallel_loop3A_550 = arith.index_cast %parallel_loop3A_477 : i32 to index
        %parallel_loop3A_551 = arith.constant 96 : index
        %parallel_loop3A_552 = tpu.vector_load %arg6[%parallel_loop3A_550, %parallel_loop3A_551] {strides = array<i32>} : memref<64x128xf32, #tpu.memory_space<vmem>>, vector<1x16xf32>,
        %parallel_loop3A_553 = vector.shape_cast %parallel_loop3A_552 : vector<1x16xf32> to vector<16xf32>
        %parallel_loop3A_554 = vector.shape_cast %parallel_loop3A_549 : vector<16xf32> to vector<1x16xf32>
        tpu.vector_store %arg6[%parallel_loop3A_550, %parallel_loop3A_551], %parallel_loop3A_554 {strides = array<i32>} : memref<64x128xf32, #tpu.memory_space<vmem>>, vector<1x16xf32>,
        %parallel_loop3A_555 = arith.index_cast %parallel_loop3A_477 : i32 to index
        %parallel_loop3A_556 = arith.constant 112 : index
        %parallel_loop3A_557 = tpu.vector_load %arg6[%parallel_loop3A_555, %parallel_loop3A_556] {strides = array<i32>} : memref<64x128xf32, #tpu.memory_space<vmem>>, vector<1x16xf32>,
        %parallel_loop3A_558 = vector.shape_cast %parallel_loop3A_557 : vector<1x16xf32> to vector<16xf32>
        %parallel_loop3A_559 = vector.broadcast %scan3A : f32 to vector<16xf32>
        %parallel_loop3A_560 = arith.mulf %parallel_loop3A_558, %parallel_loop3A_559 : vector<16xf32>
        %parallel_loop3A_561 = arith.index_cast %parallel_loop3A_477 : i32 to index
        %parallel_loop3A_562 = arith.constant 112 : index
        %parallel_loop3A_563 = tpu.vector_load %arg6[%parallel_loop3A_561, %parallel_loop3A_562] {strides = array<i32>} : memref<64x128xf32, #tpu.memory_space<vmem>>, vector<1x16xf32>,
        %parallel_loop3A_564 = vector.shape_cast %parallel_loop3A_563 : vector<1x16xf32> to vector<16xf32>
        %parallel_loop3A_565 = vector.shape_cast %parallel_loop3A_560 : vector<16xf32> to vector<1x16xf32>
        tpu.vector_store %arg6[%parallel_loop3A_561, %parallel_loop3A_562], %parallel_loop3A_565 {strides = array<i32>} : memref<64x128xf32, #tpu.memory_space<vmem>>, vector<1x16xf32>,
      } {sc.loop_unroll_factor = 2 : i64, sc.parallel_access}
      %shift_right_arithmetic3A = arith.constant 1 : i32
      %shift_right_arithmetic3A_160 = arith.shrsi %add3A_145, %shift_right_arithmetic3A : i32
      %and3A = arith.constant 1 : i32
      %and3A_161 = arith.andi %add3A_145, %and3A : i32
      %mul3A_162 = arith.constant 64 : i32
      %mul3A_163 = arith.muli %and3A_161, %mul3A_162 : i32
      %add3A_164 = arith.addi %mul3A_2, %mul3A_163 : i32
      %dma_start3A_165 = arith.constant 0 : i32
      %dma_start3A_166 = tpu.memref_slice %arg4[%shift_right_arithmetic3A_160, %add3A_164, %dma_start3A_165] : memref<50x4096x128xf32, #tpu.memory_space<hbm>> -> memref<1x64x128xf32, #tpu.memory_space<hbm>>
      %dma_start3A_167 = tpu.memref_squeeze %dma_start3A_166 : memref<1x64x128xf32, #tpu.memory_space<hbm>> -> memref<64x128xf32, #tpu.memory_space<hbm>>
      %dma_start3A_168 = arith.constant 0 : i32
      %dma_start3A_169 = tpu.memref_slice %arg4[%shift_right_arithmetic3A_160, %add3A_164, %dma_start3A_168] : memref<50x4096x128xf32, #tpu.memory_space<hbm>> -> memref<1x64x128xf32, #tpu.memory_space<hbm>>
      %dma_start3A_170 = tpu.memref_squeeze %dma_start3A_169 : memref<1x64x128xf32, #tpu.memory_space<hbm>> -> memref<64x128xf32, #tpu.memory_space<hbm>>
      tpu.enqueue_dma source(%arg6 : memref<64x128xf32, #tpu.memory_space<vmem>>) target(%dma_start3A_170 : memref<64x128xf32, #tpu.memory_space<hbm>>) target_semaphore(%arg26 : memref<!tpu.dma_semaphore, #tpu.memory_space<semaphore_mem>>)
      %add3A_171 = arith.constant 1 : i32
      %add3A_172 = arith.addi %add3A_143, %add3A_171 : i32
      %add3A_173 = arith.constant 10 : i32
      %add3A_174 = arith.addi %add3A_172, %add3A_173 : i32
      %sub3A_175 = arith.constant 1 : i32
      %sub3A_176 = arith.subi %add3A_174, %sub3A_175 : i32
      %lt3A_177 = arith.constant 100 : i32
      %lt3A_178 = arith.cmpi slt, %sub3A_176, %lt3A_177 : i32
      %convert_element_type3A_179 = arith.extui %lt3A_178 : i1 to i32
      %cond3A_180 = arith.constant 0 : i32
      %cond3A_181 = arith.cmpi ne, %convert_element_type3A_179, %cond3A_180 : i32
      scf.if %cond3A_181 {
        %ge3A = arith.constant 1 : i32
        %ge3A_477 = arith.cmpi sge, %add3A_172, %ge3A : i32
        %convert_element_type3A_478 = arith.extui %ge3A_477 : i1 to i32
        %cond3A_479 = arith.constant 0 : i32
        %cond3A_480 = arith.cmpi ne, %convert_element_type3A_478, %cond3A_479 : i32
        scf.if %cond3A_480 {
          %dma_wait3A_496 = arith.constant 0 : i32
          %dma_wait3A_497 = arith.constant 0 : i32
          %dma_wait3A_498 = tpu.memref_slice %arg4[%dma_wait3A_496, %mul3A_2, %dma_wait3A_497] : memref<50x4096x128xf32, #tpu.memory_space<hbm>> -> memref<1x64x128xf32, #tpu.memory_space<hbm>>
          %dma_wait3A_499 = tpu.memref_squeeze %dma_wait3A_498 : memref<1x64x128xf32, #tpu.memory_space<hbm>> -> memref<64x128xf32, #tpu.memory_space<hbm>>
          %dma_wait3A_500 = arith.constant 0 : i32
          %dma_wait3A_501 = tpu.memref_slice %arg4[%dma_wait3A_496, %mul3A_2, %dma_wait3A_500] : memref<50x4096x128xf32, #tpu.memory_space<hbm>> -> memref<1x64x128xf32, #tpu.memory_space<hbm>>
          %dma_wait3A_502 = tpu.memref_squeeze %dma_wait3A_501 : memref<1x64x128xf32, #tpu.memory_space<hbm>> -> memref<64x128xf32, #tpu.memory_space<hbm>>
          tpu.wait_dma2 semaphore(%arg26 : memref<!tpu.dma_semaphore, #tpu.memory_space<semaphore_mem>>) src(%arg6 : memref<64x128xf32, #tpu.memory_space<vmem>>) dst(%dma_wait3A_502 : memref<64x128xf32, #tpu.memory_space<hbm>>)
        } else {
        }
        %add3A_481 = arith.constant 10 : i32
        %add3A_482 = arith.addi %add3A_172, %add3A_481 : i32
        %sub3A_483 = arith.constant 1 : i32
        %sub3A_484 = arith.subi %add3A_482, %sub3A_483 : i32
        %shift_right_arithmetic3A_485 = arith.constant 1 : i32
        %shift_right_arithmetic3A_486 = arith.shrsi %sub3A_484, %shift_right_arithmetic3A_485 : i32
        %and3A_487 = arith.constant 1 : i32
        %and3A_488 = arith.andi %sub3A_484, %and3A_487 : i32
        %mul3A_489 = arith.constant 64 : i32
        %mul3A_490 = arith.muli %and3A_488, %mul3A_489 : i32
        %dma_start3A_491 = tpu.memref_slice %arg5[%shift_right_arithmetic3A_486, %mul3A_490] : memref<50x128xi32, #tpu.memory_space<vmem>> -> memref<1x64xi32, #tpu.memory_space<vmem>>
        %dma_start3A_492 = tpu.memref_squeeze %dma_start3A_491 : memref<1x64xi32, #tpu.memory_space<vmem>> -> memref<64xi32, #tpu.memory_space<vmem>>
        %dma_start3A_493 = arith.constant 0 : i32
        %dma_start3A_494 = arith.constant 0 : i32
        %dma_start3A_495 = tpu.memref_slice %arg3[%dma_start3A_493, %dma_start3A_494] : memref<100000x128xf32, #tpu.memory_space<hbm>> -> memref<100000x128xf32, #tpu.memory_space<hbm>>
        tpu.enqueue_indirect_dma source(%dma_start3A_495 : memref<100000x128xf32, #tpu.memory_space<hbm>>) target(%arg6 : memref<64x128xf32, #tpu.memory_space<vmem>>) offsets(%dma_start3A_492 : memref<64xi32, #tpu.memory_space<vmem>>) semaphore(%arg16 : memref<!tpu.dma_semaphore, #tpu.memory_space<semaphore_mem>>)
      } else {
      }
      %dma_wait3A_182 = arith.constant 0 : i32
      %dma_wait3A_183 = arith.constant 0 : i32
      %dma_wait3A_184 = tpu.memref_slice %arg5[%dma_wait3A_182, %dma_wait3A_183] : memref<50x128xi32, #tpu.memory_space<vmem>> -> memref<1x64xi32, #tpu.memory_space<vmem>>
      %dma_wait3A_185 = tpu.memref_squeeze %dma_wait3A_184 : memref<1x64xi32, #tpu.memory_space<vmem>> -> memref<64xi32, #tpu.memory_space<vmem>>
      %dma_wait3A_186 = arith.constant 0 : i32
      %dma_wait3A_187 = arith.constant 0 : i32
      %dma_wait3A_188 = tpu.memref_slice %arg3[%dma_wait3A_186, %dma_wait3A_187] : memref<100000x128xf32, #tpu.memory_space<hbm>> -> memref<100000x128xf32, #tpu.memory_space<hbm>>
      tpu.wait_indirect_dma semaphore(%arg17 : memref<!tpu.dma_semaphore, #tpu.memory_space<semaphore_mem>>) src(%dma_wait3A_188 : memref<100000x128xf32, #tpu.memory_space<hbm>>) dst(%arg7 : memref<64x128xf32, #tpu.memory_space<vmem>>)
      %parallel_loop3A_189 = arith.constant 0 : i32
      %parallel_loop3A_190 = arith.constant 64 : i32
      %parallel_loop3A_191 = arith.constant 1 : i32
      scf.for %parallel_loop3A_477 = %parallel_loop3A_189 to %parallel_loop3A_190 step %parallel_loop3A_191  : i32 {
        %parallel_loop3A_478 = arith.index_cast %parallel_loop3A_477 : i32 to index
        %parallel_loop3A_479 = arith.constant 0 : index
        %parallel_loop3A_480 = tpu.vector_load %arg7[%parallel_loop3A_478, %parallel_loop3A_479] {strides = array<i32>} : memref<64x128xf32, #tpu.memory_space<vmem>>, vector<1x16xf32>,
        %parallel_loop3A_481 = vector.shape_cast %parallel_loop3A_480 : vector<1x16xf32> to vector<16xf32>
        %parallel_loop3A_482 = vector.broadcast %scan3A : f32 to vector<16xf32>
        %parallel_loop3A_483 = arith.mulf %parallel_loop3A_481, %parallel_loop3A_482 : vector<16xf32>
        %parallel_loop3A_484 = arith.index_cast %parallel_loop3A_477 : i32 to index
        %parallel_loop3A_485 = arith.constant 0 : index
        %parallel_loop3A_486 = tpu.vector_load %arg7[%parallel_loop3A_484, %parallel_loop3A_485] {strides = array<i32>} : memref<64x128xf32, #tpu.memory_space<vmem>>, vector<1x16xf32>,
        %parallel_loop3A_487 = vector.shape_cast %parallel_loop3A_486 : vector<1x16xf32> to vector<16xf32>
        %parallel_loop3A_488 = vector.shape_cast %parallel_loop3A_483 : vector<16xf32> to vector<1x16xf32>
        tpu.vector_store %arg7[%parallel_loop3A_484, %parallel_loop3A_485], %parallel_loop3A_488 {strides = array<i32>} : memref<64x128xf32, #tpu.memory_space<vmem>>, vector<1x16xf32>,
        %parallel_loop3A_489 = arith.index_cast %parallel_loop3A_477 : i32 to index
        %parallel_loop3A_490 = arith.constant 16 : index
        %parallel_loop3A_491 = tpu.vector_load %arg7[%parallel_loop3A_489, %parallel_loop3A_490] {strides = array<i32>} : memref<64x128xf32, #tpu.memory_space<vmem>>, vector<1x16xf32>,
        %parallel_loop3A_492 = vector.shape_cast %parallel_loop3A_491 : vector<1x16xf32> to vector<16xf32>
        %parallel_loop3A_493 = vector.broadcast %scan3A : f32 to vector<16xf32>
        %parallel_loop3A_494 = arith.mulf %parallel_loop3A_492, %parallel_loop3A_493 : vector<16xf32>
        %parallel_loop3A_495 = arith.index_cast %parallel_loop3A_477 : i32 to index
        %parallel_loop3A_496 = arith.constant 16 : index
        %parallel_loop3A_497 = tpu.vector_load %arg7[%parallel_loop3A_495, %parallel_loop3A_496] {strides = array<i32>} : memref<64x128xf32, #tpu.memory_space<vmem>>, vector<1x16xf32>,
        %parallel_loop3A_498 = vector.shape_cast %parallel_loop3A_497 : vector<1x16xf32> to vector<16xf32>
        %parallel_loop3A_499 = vector.shape_cast %parallel_loop3A_494 : vector<16xf32> to vector<1x16xf32>
        tpu.vector_store %arg7[%parallel_loop3A_495, %parallel_loop3A_496], %parallel_loop3A_499 {strides = array<i32>} : memref<64x128xf32, #tpu.memory_space<vmem>>, vector<1x16xf32>,
        %parallel_loop3A_500 = arith.index_cast %parallel_loop3A_477 : i32 to index
        %parallel_loop3A_501 = arith.constant 32 : index
        %parallel_loop3A_502 = tpu.vector_load %arg7[%parallel_loop3A_500, %parallel_loop3A_501] {strides = array<i32>} : memref<64x128xf32, #tpu.memory_space<vmem>>, vector<1x16xf32>,
        %parallel_loop3A_503 = vector.shape_cast %parallel_loop3A_502 : vector<1x16xf32> to vector<16xf32>
        %parallel_loop3A_504 = vector.broadcast %scan3A : f32 to vector<16xf32>
        %parallel_loop3A_505 = arith.mulf %parallel_loop3A_503, %parallel_loop3A_504 : vector<16xf32>
        %parallel_loop3A_506 = arith.index_cast %parallel_loop3A_477 : i32 to index
        %parallel_loop3A_507 = arith.constant 32 : index
        %parallel_loop3A_508 = tpu.vector_load %arg7[%parallel_loop3A_506, %parallel_loop3A_507] {strides = array<i32>} : memref<64x128xf32, #tpu.memory_space<vmem>>, vector<1x16xf32>,
        %parallel_loop3A_509 = vector.shape_cast %parallel_loop3A_508 : vector<1x16xf32> to vector<16xf32>
        %parallel_loop3A_510 = vector.shape_cast %parallel_loop3A_505 : vector<16xf32> to vector<1x16xf32>
        tpu.vector_store %arg7[%parallel_loop3A_506, %parallel_loop3A_507], %parallel_loop3A_510 {strides = array<i32>} : memref<64x128xf32, #tpu.memory_space<vmem>>, vector<1x16xf32>,
        %parallel_loop3A_511 = arith.index_cast %parallel_loop3A_477 : i32 to index
        %parallel_loop3A_512 = arith.constant 48 : index
        %parallel_loop3A_513 = tpu.vector_load %arg7[%parallel_loop3A_511, %parallel_loop3A_512] {strides = array<i32>} : memref<64x128xf32, #tpu.memory_space<vmem>>, vector<1x16xf32>,
        %parallel_loop3A_514 = vector.shape_cast %parallel_loop3A_513 : vector<1x16xf32> to vector<16xf32>
        %parallel_loop3A_515 = vector.broadcast %scan3A : f32 to vector<16xf32>
        %parallel_loop3A_516 = arith.mulf %parallel_loop3A_514, %parallel_loop3A_515 : vector<16xf32>
        %parallel_loop3A_517 = arith.index_cast %parallel_loop3A_477 : i32 to index
        %parallel_loop3A_518 = arith.constant 48 : index
        %parallel_loop3A_519 = tpu.vector_load %arg7[%parallel_loop3A_517, %parallel_loop3A_518] {strides = array<i32>} : memref<64x128xf32, #tpu.memory_space<vmem>>, vector<1x16xf32>,
        %parallel_loop3A_520 = vector.shape_cast %parallel_loop3A_519 : vector<1x16xf32> to vector<16xf32>
        %parallel_loop3A_521 = vector.shape_cast %parallel_loop3A_516 : vector<16xf32> to vector<1x16xf32>
        tpu.vector_store %arg7[%parallel_loop3A_517, %parallel_loop3A_518], %parallel_loop3A_521 {strides = array<i32>} : memref<64x128xf32, #tpu.memory_space<vmem>>, vector<1x16xf32>,
        %parallel_loop3A_522 = arith.index_cast %parallel_loop3A_477 : i32 to index
        %parallel_loop3A_523 = arith.constant 64 : index
        %parallel_loop3A_524 = tpu.vector_load %arg7[%parallel_loop3A_522, %parallel_loop3A_523] {strides = array<i32>} : memref<64x128xf32, #tpu.memory_space<vmem>>, vector<1x16xf32>,
        %parallel_loop3A_525 = vector.shape_cast %parallel_loop3A_524 : vector<1x16xf32> to vector<16xf32>
        %parallel_loop3A_526 = vector.broadcast %scan3A : f32 to vector<16xf32>
        %parallel_loop3A_527 = arith.mulf %parallel_loop3A_525, %parallel_loop3A_526 : vector<16xf32>
        %parallel_loop3A_528 = arith.index_cast %parallel_loop3A_477 : i32 to index
        %parallel_loop3A_529 = arith.constant 64 : index
        %parallel_loop3A_530 = tpu.vector_load %arg7[%parallel_loop3A_528, %parallel_loop3A_529] {strides = array<i32>} : memref<64x128xf32, #tpu.memory_space<vmem>>, vector<1x16xf32>,
        %parallel_loop3A_531 = vector.shape_cast %parallel_loop3A_530 : vector<1x16xf32> to vector<16xf32>
        %parallel_loop3A_532 = vector.shape_cast %parallel_loop3A_527 : vector<16xf32> to vector<1x16xf32>
        tpu.vector_store %arg7[%parallel_loop3A_528, %parallel_loop3A_529], %parallel_loop3A_532 {strides = array<i32>} : memref<64x128xf32, #tpu.memory_space<vmem>>, vector<1x16xf32>,
        %parallel_loop3A_533 = arith.index_cast %parallel_loop3A_477 : i32 to index
        %parallel_loop3A_534 = arith.constant 80 : index
        %parallel_loop3A_535 = tpu.vector_load %arg7[%parallel_loop3A_533, %parallel_loop3A_534] {strides = array<i32>} : memref<64x128xf32, #tpu.memory_space<vmem>>, vector<1x16xf32>,
        %parallel_loop3A_536 = vector.shape_cast %parallel_loop3A_535 : vector<1x16xf32> to vector<16xf32>
        %parallel_loop3A_537 = vector.broadcast %scan3A : f32 to vector<16xf32>
        %parallel_loop3A_538 = arith.mulf %parallel_loop3A_536, %parallel_loop3A_537 : vector<16xf32>
        %parallel_loop3A_539 = arith.index_cast %parallel_loop3A_477 : i32 to index
        %parallel_loop3A_540 = arith.constant 80 : index
        %parallel_loop3A_541 = tpu.vector_load %arg7[%parallel_loop3A_539, %parallel_loop3A_540] {strides = array<i32>} : memref<64x128xf32, #tpu.memory_space<vmem>>, vector<1x16xf32>,
        %parallel_loop3A_542 = vector.shape_cast %parallel_loop3A_541 : vector<1x16xf32> to vector<16xf32>
        %parallel_loop3A_543 = vector.shape_cast %parallel_loop3A_538 : vector<16xf32> to vector<1x16xf32>
        tpu.vector_store %arg7[%parallel_loop3A_539, %parallel_loop3A_540], %parallel_loop3A_543 {strides = array<i32>} : memref<64x128xf32, #tpu.memory_space<vmem>>, vector<1x16xf32>,
        %parallel_loop3A_544 = arith.index_cast %parallel_loop3A_477 : i32 to index
        %parallel_loop3A_545 = arith.constant 96 : index
        %parallel_loop3A_546 = tpu.vector_load %arg7[%parallel_loop3A_544, %parallel_loop3A_545] {strides = array<i32>} : memref<64x128xf32, #tpu.memory_space<vmem>>, vector<1x16xf32>,
        %parallel_loop3A_547 = vector.shape_cast %parallel_loop3A_546 : vector<1x16xf32> to vector<16xf32>
        %parallel_loop3A_548 = vector.broadcast %scan3A : f32 to vector<16xf32>
        %parallel_loop3A_549 = arith.mulf %parallel_loop3A_547, %parallel_loop3A_548 : vector<16xf32>
        %parallel_loop3A_550 = arith.index_cast %parallel_loop3A_477 : i32 to index
        %parallel_loop3A_551 = arith.constant 96 : index
        %parallel_loop3A_552 = tpu.vector_load %arg7[%parallel_loop3A_550, %parallel_loop3A_551] {strides = array<i32>} : memref<64x128xf32, #tpu.memory_space<vmem>>, vector<1x16xf32>,
        %parallel_loop3A_553 = vector.shape_cast %parallel_loop3A_552 : vector<1x16xf32> to vector<16xf32>
        %parallel_loop3A_554 = vector.shape_cast %parallel_loop3A_549 : vector<16xf32> to vector<1x16xf32>
        tpu.vector_store %arg7[%parallel_loop3A_550, %parallel_loop3A_551], %parallel_loop3A_554 {strides = array<i32>} : memref<64x128xf32, #tpu.memory_space<vmem>>, vector<1x16xf32>,
        %parallel_loop3A_555 = arith.index_cast %parallel_loop3A_477 : i32 to index
        %parallel_loop3A_556 = arith.constant 112 : index
        %parallel_loop3A_557 = tpu.vector_load %arg7[%parallel_loop3A_555, %parallel_loop3A_556] {strides = array<i32>} : memref<64x128xf32, #tpu.memory_space<vmem>>, vector<1x16xf32>,
        %parallel_loop3A_558 = vector.shape_cast %parallel_loop3A_557 : vector<1x16xf32> to vector<16xf32>
        %parallel_loop3A_559 = vector.broadcast %scan3A : f32 to vector<16xf32>
        %parallel_loop3A_560 = arith.mulf %parallel_loop3A_558, %parallel_loop3A_559 : vector<16xf32>
        %parallel_loop3A_561 = arith.index_cast %parallel_loop3A_477 : i32 to index
        %parallel_loop3A_562 = arith.constant 112 : index
        %parallel_loop3A_563 = tpu.vector_load %arg7[%parallel_loop3A_561, %parallel_loop3A_562] {strides = array<i32>} : memref<64x128xf32, #tpu.memory_space<vmem>>, vector<1x16xf32>,
        %parallel_loop3A_564 = vector.shape_cast %parallel_loop3A_563 : vector<1x16xf32> to vector<16xf32>
        %parallel_loop3A_565 = vector.shape_cast %parallel_loop3A_560 : vector<16xf32> to vector<1x16xf32>
        tpu.vector_store %arg7[%parallel_loop3A_561, %parallel_loop3A_562], %parallel_loop3A_565 {strides = array<i32>} : memref<64x128xf32, #tpu.memory_space<vmem>>, vector<1x16xf32>,
      } {sc.loop_unroll_factor = 2 : i64, sc.parallel_access}
      %shift_right_arithmetic3A_192 = arith.constant 1 : i32
      %shift_right_arithmetic3A_193 = arith.shrsi %add3A_172, %shift_right_arithmetic3A_192 : i32
      %and3A_194 = arith.constant 1 : i32
      %and3A_195 = arith.andi %add3A_172, %and3A_194 : i32
      %mul3A_196 = arith.constant 64 : i32
      %mul3A_197 = arith.muli %and3A_195, %mul3A_196 : i32
      %add3A_198 = arith.addi %mul3A_2, %mul3A_197 : i32
      %dma_start3A_199 = arith.constant 0 : i32
      %dma_start3A_200 = tpu.memref_slice %arg4[%shift_right_arithmetic3A_193, %add3A_198, %dma_start3A_199] : memref<50x4096x128xf32, #tpu.memory_space<hbm>> -> memref<1x64x128xf32, #tpu.memory_space<hbm>>
      %dma_start3A_201 = tpu.memref_squeeze %dma_start3A_200 : memref<1x64x128xf32, #tpu.memory_space<hbm>> -> memref<64x128xf32, #tpu.memory_space<hbm>>
      %dma_start3A_202 = arith.constant 0 : i32
      %dma_start3A_203 = tpu.memref_slice %arg4[%shift_right_arithmetic3A_193, %add3A_198, %dma_start3A_202] : memref<50x4096x128xf32, #tpu.memory_space<hbm>> -> memref<1x64x128xf32, #tpu.memory_space<hbm>>
      %dma_start3A_204 = tpu.memref_squeeze %dma_start3A_203 : memref<1x64x128xf32, #tpu.memory_space<hbm>> -> memref<64x128xf32, #tpu.memory_space<hbm>>
      tpu.enqueue_dma source(%arg7 : memref<64x128xf32, #tpu.memory_space<vmem>>) target(%dma_start3A_204 : memref<64x128xf32, #tpu.memory_space<hbm>>) target_semaphore(%arg27 : memref<!tpu.dma_semaphore, #tpu.memory_space<semaphore_mem>>)
      %add3A_205 = arith.constant 2 : i32
      %add3A_206 = arith.addi %add3A_143, %add3A_205 : i32
      %add3A_207 = arith.constant 10 : i32
      %add3A_208 = arith.addi %add3A_206, %add3A_207 : i32
      %sub3A_209 = arith.constant 1 : i32
      %sub3A_210 = arith.subi %add3A_208, %sub3A_209 : i32
      %lt3A_211 = arith.constant 100 : i32
      %lt3A_212 = arith.cmpi slt, %sub3A_210, %lt3A_211 : i32
      %convert_element_type3A_213 = arith.extui %lt3A_212 : i1 to i32
      %cond3A_214 = arith.constant 0 : i32
      %cond3A_215 = arith.cmpi ne, %convert_element_type3A_213, %cond3A_214 : i32
      scf.if %cond3A_215 {
        %ge3A = arith.constant 1 : i32
        %ge3A_477 = arith.cmpi sge, %add3A_206, %ge3A : i32
        %convert_element_type3A_478 = arith.extui %ge3A_477 : i1 to i32
        %cond3A_479 = arith.constant 0 : i32
        %cond3A_480 = arith.cmpi ne, %convert_element_type3A_478, %cond3A_479 : i32
        scf.if %cond3A_480 {
          %dma_wait3A_496 = arith.constant 0 : i32
          %dma_wait3A_497 = arith.constant 0 : i32
          %dma_wait3A_498 = tpu.memref_slice %arg4[%dma_wait3A_496, %mul3A_2, %dma_wait3A_497] : memref<50x4096x128xf32, #tpu.memory_space<hbm>> -> memref<1x64x128xf32, #tpu.memory_space<hbm>>
          %dma_wait3A_499 = tpu.memref_squeeze %dma_wait3A_498 : memref<1x64x128xf32, #tpu.memory_space<hbm>> -> memref<64x128xf32, #tpu.memory_space<hbm>>
          %dma_wait3A_500 = arith.constant 0 : i32
          %dma_wait3A_501 = tpu.memref_slice %arg4[%dma_wait3A_496, %mul3A_2, %dma_wait3A_500] : memref<50x4096x128xf32, #tpu.memory_space<hbm>> -> memref<1x64x128xf32, #tpu.memory_space<hbm>>
          %dma_wait3A_502 = tpu.memref_squeeze %dma_wait3A_501 : memref<1x64x128xf32, #tpu.memory_space<hbm>> -> memref<64x128xf32, #tpu.memory_space<hbm>>
          tpu.wait_dma2 semaphore(%arg27 : memref<!tpu.dma_semaphore, #tpu.memory_space<semaphore_mem>>) src(%arg7 : memref<64x128xf32, #tpu.memory_space<vmem>>) dst(%dma_wait3A_502 : memref<64x128xf32, #tpu.memory_space<hbm>>)
        } else {
        }
        %add3A_481 = arith.constant 10 : i32
        %add3A_482 = arith.addi %add3A_206, %add3A_481 : i32
        %sub3A_483 = arith.constant 1 : i32
        %sub3A_484 = arith.subi %add3A_482, %sub3A_483 : i32
        %shift_right_arithmetic3A_485 = arith.constant 1 : i32
        %shift_right_arithmetic3A_486 = arith.shrsi %sub3A_484, %shift_right_arithmetic3A_485 : i32
        %and3A_487 = arith.constant 1 : i32
        %and3A_488 = arith.andi %sub3A_484, %and3A_487 : i32
        %mul3A_489 = arith.constant 64 : i32
        %mul3A_490 = arith.muli %and3A_488, %mul3A_489 : i32
        %dma_start3A_491 = tpu.memref_slice %arg5[%shift_right_arithmetic3A_486, %mul3A_490] : memref<50x128xi32, #tpu.memory_space<vmem>> -> memref<1x64xi32, #tpu.memory_space<vmem>>
        %dma_start3A_492 = tpu.memref_squeeze %dma_start3A_491 : memref<1x64xi32, #tpu.memory_space<vmem>> -> memref<64xi32, #tpu.memory_space<vmem>>
        %dma_start3A_493 = arith.constant 0 : i32
        %dma_start3A_494 = arith.constant 0 : i32
        %dma_start3A_495 = tpu.memref_slice %arg3[%dma_start3A_493, %dma_start3A_494] : memref<100000x128xf32, #tpu.memory_space<hbm>> -> memref<100000x128xf32, #tpu.memory_space<hbm>>
        tpu.enqueue_indirect_dma source(%dma_start3A_495 : memref<100000x128xf32, #tpu.memory_space<hbm>>) target(%arg7 : memref<64x128xf32, #tpu.memory_space<vmem>>) offsets(%dma_start3A_492 : memref<64xi32, #tpu.memory_space<vmem>>) semaphore(%arg17 : memref<!tpu.dma_semaphore, #tpu.memory_space<semaphore_mem>>)
      } else {
      }
      %dma_wait3A_216 = arith.constant 0 : i32
      %dma_wait3A_217 = arith.constant 0 : i32
      %dma_wait3A_218 = tpu.memref_slice %arg5[%dma_wait3A_216, %dma_wait3A_217] : memref<50x128xi32, #tpu.memory_space<vmem>> -> memref<1x64xi32, #tpu.memory_space<vmem>>
      %dma_wait3A_219 = tpu.memref_squeeze %dma_wait3A_218 : memref<1x64xi32, #tpu.memory_space<vmem>> -> memref<64xi32, #tpu.memory_space<vmem>>
      %dma_wait3A_220 = arith.constant 0 : i32
      %dma_wait3A_221 = arith.constant 0 : i32
      %dma_wait3A_222 = tpu.memref_slice %arg3[%dma_wait3A_220, %dma_wait3A_221] : memref<100000x128xf32, #tpu.memory_space<hbm>> -> memref<100000x128xf32, #tpu.memory_space<hbm>>
      tpu.wait_indirect_dma semaphore(%arg18 : memref<!tpu.dma_semaphore, #tpu.memory_space<semaphore_mem>>) src(%dma_wait3A_222 : memref<100000x128xf32, #tpu.memory_space<hbm>>) dst(%arg8 : memref<64x128xf32, #tpu.memory_space<vmem>>)
      %parallel_loop3A_223 = arith.constant 0 : i32
      %parallel_loop3A_224 = arith.constant 64 : i32
      %parallel_loop3A_225 = arith.constant 1 : i32
      scf.for %parallel_loop3A_477 = %parallel_loop3A_223 to %parallel_loop3A_224 step %parallel_loop3A_225  : i32 {
        %parallel_loop3A_478 = arith.index_cast %parallel_loop3A_477 : i32 to index
        %parallel_loop3A_479 = arith.constant 0 : index
        %parallel_loop3A_480 = tpu.vector_load %arg8[%parallel_loop3A_478, %parallel_loop3A_479] {strides = array<i32>} : memref<64x128xf32, #tpu.memory_space<vmem>>, vector<1x16xf32>,
        %parallel_loop3A_481 = vector.shape_cast %parallel_loop3A_480 : vector<1x16xf32> to vector<16xf32>
        %parallel_loop3A_482 = vector.broadcast %scan3A : f32 to vector<16xf32>
        %parallel_loop3A_483 = arith.mulf %parallel_loop3A_481, %parallel_loop3A_482 : vector<16xf32>
        %parallel_loop3A_484 = arith.index_cast %parallel_loop3A_477 : i32 to index
        %parallel_loop3A_485 = arith.constant 0 : index
        %parallel_loop3A_486 = tpu.vector_load %arg8[%parallel_loop3A_484, %parallel_loop3A_485] {strides = array<i32>} : memref<64x128xf32, #tpu.memory_space<vmem>>, vector<1x16xf32>,
        %parallel_loop3A_487 = vector.shape_cast %parallel_loop3A_486 : vector<1x16xf32> to vector<16xf32>
        %parallel_loop3A_488 = vector.shape_cast %parallel_loop3A_483 : vector<16xf32> to vector<1x16xf32>
        tpu.vector_store %arg8[%parallel_loop3A_484, %parallel_loop3A_485], %parallel_loop3A_488 {strides = array<i32>} : memref<64x128xf32, #tpu.memory_space<vmem>>, vector<1x16xf32>,
        %parallel_loop3A_489 = arith.index_cast %parallel_loop3A_477 : i32 to index
        %parallel_loop3A_490 = arith.constant 16 : index
        %parallel_loop3A_491 = tpu.vector_load %arg8[%parallel_loop3A_489, %parallel_loop3A_490] {strides = array<i32>} : memref<64x128xf32, #tpu.memory_space<vmem>>, vector<1x16xf32>,
        %parallel_loop3A_492 = vector.shape_cast %parallel_loop3A_491 : vector<1x16xf32> to vector<16xf32>
        %parallel_loop3A_493 = vector.broadcast %scan3A : f32 to vector<16xf32>
        %parallel_loop3A_494 = arith.mulf %parallel_loop3A_492, %parallel_loop3A_493 : vector<16xf32>
        %parallel_loop3A_495 = arith.index_cast %parallel_loop3A_477 : i32 to index
        %parallel_loop3A_496 = arith.constant 16 : index
        %parallel_loop3A_497 = tpu.vector_load %arg8[%parallel_loop3A_495, %parallel_loop3A_496] {strides = array<i32>} : memref<64x128xf32, #tpu.memory_space<vmem>>, vector<1x16xf32>,
        %parallel_loop3A_498 = vector.shape_cast %parallel_loop3A_497 : vector<1x16xf32> to vector<16xf32>
        %parallel_loop3A_499 = vector.shape_cast %parallel_loop3A_494 : vector<16xf32> to vector<1x16xf32>
        tpu.vector_store %arg8[%parallel_loop3A_495, %parallel_loop3A_496], %parallel_loop3A_499 {strides = array<i32>} : memref<64x128xf32, #tpu.memory_space<vmem>>, vector<1x16xf32>,
        %parallel_loop3A_500 = arith.index_cast %parallel_loop3A_477 : i32 to index
        %parallel_loop3A_501 = arith.constant 32 : index
        %parallel_loop3A_502 = tpu.vector_load %arg8[%parallel_loop3A_500, %parallel_loop3A_501] {strides = array<i32>} : memref<64x128xf32, #tpu.memory_space<vmem>>, vector<1x16xf32>,
        %parallel_loop3A_503 = vector.shape_cast %parallel_loop3A_502 : vector<1x16xf32> to vector<16xf32>
        %parallel_loop3A_504 = vector.broadcast %scan3A : f32 to vector<16xf32>
        %parallel_loop3A_505 = arith.mulf %parallel_loop3A_503, %parallel_loop3A_504 : vector<16xf32>
        %parallel_loop3A_506 = arith.index_cast %parallel_loop3A_477 : i32 to index
        %parallel_loop3A_507 = arith.constant 32 : index
        %parallel_loop3A_508 = tpu.vector_load %arg8[%parallel_loop3A_506, %parallel_loop3A_507] {strides = array<i32>} : memref<64x128xf32, #tpu.memory_space<vmem>>, vector<1x16xf32>,
        %parallel_loop3A_509 = vector.shape_cast %parallel_loop3A_508 : vector<1x16xf32> to vector<16xf32>
        %parallel_loop3A_510 = vector.shape_cast %parallel_loop3A_505 : vector<16xf32> to vector<1x16xf32>
        tpu.vector_store %arg8[%parallel_loop3A_506, %parallel_loop3A_507], %parallel_loop3A_510 {strides = array<i32>} : memref<64x128xf32, #tpu.memory_space<vmem>>, vector<1x16xf32>,
        %parallel_loop3A_511 = arith.index_cast %parallel_loop3A_477 : i32 to index
        %parallel_loop3A_512 = arith.constant 48 : index
        %parallel_loop3A_513 = tpu.vector_load %arg8[%parallel_loop3A_511, %parallel_loop3A_512] {strides = array<i32>} : memref<64x128xf32, #tpu.memory_space<vmem>>, vector<1x16xf32>,
        %parallel_loop3A_514 = vector.shape_cast %parallel_loop3A_513 : vector<1x16xf32> to vector<16xf32>
        %parallel_loop3A_515 = vector.broadcast %scan3A : f32 to vector<16xf32>
        %parallel_loop3A_516 = arith.mulf %parallel_loop3A_514, %parallel_loop3A_515 : vector<16xf32>
        %parallel_loop3A_517 = arith.index_cast %parallel_loop3A_477 : i32 to index
        %parallel_loop3A_518 = arith.constant 48 : index
        %parallel_loop3A_519 = tpu.vector_load %arg8[%parallel_loop3A_517, %parallel_loop3A_518] {strides = array<i32>} : memref<64x128xf32, #tpu.memory_space<vmem>>, vector<1x16xf32>,
        %parallel_loop3A_520 = vector.shape_cast %parallel_loop3A_519 : vector<1x16xf32> to vector<16xf32>
        %parallel_loop3A_521 = vector.shape_cast %parallel_loop3A_516 : vector<16xf32> to vector<1x16xf32>
        tpu.vector_store %arg8[%parallel_loop3A_517, %parallel_loop3A_518], %parallel_loop3A_521 {strides = array<i32>} : memref<64x128xf32, #tpu.memory_space<vmem>>, vector<1x16xf32>,
        %parallel_loop3A_522 = arith.index_cast %parallel_loop3A_477 : i32 to index
        %parallel_loop3A_523 = arith.constant 64 : index
        %parallel_loop3A_524 = tpu.vector_load %arg8[%parallel_loop3A_522, %parallel_loop3A_523] {strides = array<i32>} : memref<64x128xf32, #tpu.memory_space<vmem>>, vector<1x16xf32>,
        %parallel_loop3A_525 = vector.shape_cast %parallel_loop3A_524 : vector<1x16xf32> to vector<16xf32>
        %parallel_loop3A_526 = vector.broadcast %scan3A : f32 to vector<16xf32>
        %parallel_loop3A_527 = arith.mulf %parallel_loop3A_525, %parallel_loop3A_526 : vector<16xf32>
        %parallel_loop3A_528 = arith.index_cast %parallel_loop3A_477 : i32 to index
        %parallel_loop3A_529 = arith.constant 64 : index
        %parallel_loop3A_530 = tpu.vector_load %arg8[%parallel_loop3A_528, %parallel_loop3A_529] {strides = array<i32>} : memref<64x128xf32, #tpu.memory_space<vmem>>, vector<1x16xf32>,
        %parallel_loop3A_531 = vector.shape_cast %parallel_loop3A_530 : vector<1x16xf32> to vector<16xf32>
        %parallel_loop3A_532 = vector.shape_cast %parallel_loop3A_527 : vector<16xf32> to vector<1x16xf32>
        tpu.vector_store %arg8[%parallel_loop3A_528, %parallel_loop3A_529], %parallel_loop3A_532 {strides = array<i32>} : memref<64x128xf32, #tpu.memory_space<vmem>>, vector<1x16xf32>,
        %parallel_loop3A_533 = arith.index_cast %parallel_loop3A_477 : i32 to index
        %parallel_loop3A_534 = arith.constant 80 : index
        %parallel_loop3A_535 = tpu.vector_load %arg8[%parallel_loop3A_533, %parallel_loop3A_534] {strides = array<i32>} : memref<64x128xf32, #tpu.memory_space<vmem>>, vector<1x16xf32>,
        %parallel_loop3A_536 = vector.shape_cast %parallel_loop3A_535 : vector<1x16xf32> to vector<16xf32>
        %parallel_loop3A_537 = vector.broadcast %scan3A : f32 to vector<16xf32>
        %parallel_loop3A_538 = arith.mulf %parallel_loop3A_536, %parallel_loop3A_537 : vector<16xf32>
        %parallel_loop3A_539 = arith.index_cast %parallel_loop3A_477 : i32 to index
        %parallel_loop3A_540 = arith.constant 80 : index
        %parallel_loop3A_541 = tpu.vector_load %arg8[%parallel_loop3A_539, %parallel_loop3A_540] {strides = array<i32>} : memref<64x128xf32, #tpu.memory_space<vmem>>, vector<1x16xf32>,
        %parallel_loop3A_542 = vector.shape_cast %parallel_loop3A_541 : vector<1x16xf32> to vector<16xf32>
        %parallel_loop3A_543 = vector.shape_cast %parallel_loop3A_538 : vector<16xf32> to vector<1x16xf32>
        tpu.vector_store %arg8[%parallel_loop3A_539, %parallel_loop3A_540], %parallel_loop3A_543 {strides = array<i32>} : memref<64x128xf32, #tpu.memory_space<vmem>>, vector<1x16xf32>,
        %parallel_loop3A_544 = arith.index_cast %parallel_loop3A_477 : i32 to index
        %parallel_loop3A_545 = arith.constant 96 : index
        %parallel_loop3A_546 = tpu.vector_load %arg8[%parallel_loop3A_544, %parallel_loop3A_545] {strides = array<i32>} : memref<64x128xf32, #tpu.memory_space<vmem>>, vector<1x16xf32>,
        %parallel_loop3A_547 = vector.shape_cast %parallel_loop3A_546 : vector<1x16xf32> to vector<16xf32>
        %parallel_loop3A_548 = vector.broadcast %scan3A : f32 to vector<16xf32>
        %parallel_loop3A_549 = arith.mulf %parallel_loop3A_547, %parallel_loop3A_548 : vector<16xf32>
        %parallel_loop3A_550 = arith.index_cast %parallel_loop3A_477 : i32 to index
        %parallel_loop3A_551 = arith.constant 96 : index
        %parallel_loop3A_552 = tpu.vector_load %arg8[%parallel_loop3A_550, %parallel_loop3A_551] {strides = array<i32>} : memref<64x128xf32, #tpu.memory_space<vmem>>, vector<1x16xf32>,
        %parallel_loop3A_553 = vector.shape_cast %parallel_loop3A_552 : vector<1x16xf32> to vector<16xf32>
        %parallel_loop3A_554 = vector.shape_cast %parallel_loop3A_549 : vector<16xf32> to vector<1x16xf32>
        tpu.vector_store %arg8[%parallel_loop3A_550, %parallel_loop3A_551], %parallel_loop3A_554 {strides = array<i32>} : memref<64x128xf32, #tpu.memory_space<vmem>>, vector<1x16xf32>,
        %parallel_loop3A_555 = arith.index_cast %parallel_loop3A_477 : i32 to index
        %parallel_loop3A_556 = arith.constant 112 : index
        %parallel_loop3A_557 = tpu.vector_load %arg8[%parallel_loop3A_555, %parallel_loop3A_556] {strides = array<i32>} : memref<64x128xf32, #tpu.memory_space<vmem>>, vector<1x16xf32>,
        %parallel_loop3A_558 = vector.shape_cast %parallel_loop3A_557 : vector<1x16xf32> to vector<16xf32>
        %parallel_loop3A_559 = vector.broadcast %scan3A : f32 to vector<16xf32>
        %parallel_loop3A_560 = arith.mulf %parallel_loop3A_558, %parallel_loop3A_559 : vector<16xf32>
        %parallel_loop3A_561 = arith.index_cast %parallel_loop3A_477 : i32 to index
        %parallel_loop3A_562 = arith.constant 112 : index
        %parallel_loop3A_563 = tpu.vector_load %arg8[%parallel_loop3A_561, %parallel_loop3A_562] {strides = array<i32>} : memref<64x128xf32, #tpu.memory_space<vmem>>, vector<1x16xf32>,
        %parallel_loop3A_564 = vector.shape_cast %parallel_loop3A_563 : vector<1x16xf32> to vector<16xf32>
        %parallel_loop3A_565 = vector.shape_cast %parallel_loop3A_560 : vector<16xf32> to vector<1x16xf32>
        tpu.vector_store %arg8[%parallel_loop3A_561, %parallel_loop3A_562], %parallel_loop3A_565 {strides = array<i32>} : memref<64x128xf32, #tpu.memory_space<vmem>>, vector<1x16xf32>,
      } {sc.loop_unroll_factor = 2 : i64, sc.parallel_access}
      %shift_right_arithmetic3A_226 = arith.constant 1 : i32
      %shift_right_arithmetic3A_227 = arith.shrsi %add3A_206, %shift_right_arithmetic3A_226 : i32
      %and3A_228 = arith.constant 1 : i32
      %and3A_229 = arith.andi %add3A_206, %and3A_228 : i32
      %mul3A_230 = arith.constant 64 : i32
      %mul3A_231 = arith.muli %and3A_229, %mul3A_230 : i32
      %add3A_232 = arith.addi %mul3A_2, %mul3A_231 : i32
      %dma_start3A_233 = arith.constant 0 : i32
      %dma_start3A_234 = tpu.memref_slice %arg4[%shift_right_arithmetic3A_227, %add3A_232, %dma_start3A_233] : memref<50x4096x128xf32, #tpu.memory_space<hbm>> -> memref<1x64x128xf32, #tpu.memory_space<hbm>>
      %dma_start3A_235 = tpu.memref_squeeze %dma_start3A_234 : memref<1x64x128xf32, #tpu.memory_space<hbm>> -> memref<64x128xf32, #tpu.memory_space<hbm>>
      %dma_start3A_236 = arith.constant 0 : i32
      %dma_start3A_237 = tpu.memref_slice %arg4[%shift_right_arithmetic3A_227, %add3A_232, %dma_start3A_236] : memref<50x4096x128xf32, #tpu.memory_space<hbm>> -> memref<1x64x128xf32, #tpu.memory_space<hbm>>
      %dma_start3A_238 = tpu.memref_squeeze %dma_start3A_237 : memref<1x64x128xf32, #tpu.memory_space<hbm>> -> memref<64x128xf32, #tpu.memory_space<hbm>>
      tpu.enqueue_dma source(%arg8 : memref<64x128xf32, #tpu.memory_space<vmem>>) target(%dma_start3A_238 : memref<64x128xf32, #tpu.memory_space<hbm>>) target_semaphore(%arg28 : memref<!tpu.dma_semaphore, #tpu.memory_space<semaphore_mem>>)
      %add3A_239 = arith.constant 3 : i32
      %add3A_240 = arith.addi %add3A_143, %add3A_239 : i32
      %add3A_241 = arith.constant 10 : i32
      %add3A_242 = arith.addi %add3A_240, %add3A_241 : i32
      %sub3A_243 = arith.constant 1 : i32
      %sub3A_244 = arith.subi %add3A_242, %sub3A_243 : i32
      %lt3A_245 = arith.constant 100 : i32
      %lt3A_246 = arith.cmpi slt, %sub3A_244, %lt3A_245 : i32
      %convert_element_type3A_247 = arith.extui %lt3A_246 : i1 to i32
      %cond3A_248 = arith.constant 0 : i32
      %cond3A_249 = arith.cmpi ne, %convert_element_type3A_247, %cond3A_248 : i32
      scf.if %cond3A_249 {
        %ge3A = arith.constant 1 : i32
        %ge3A_477 = arith.cmpi sge, %add3A_240, %ge3A : i32
        %convert_element_type3A_478 = arith.extui %ge3A_477 : i1 to i32
        %cond3A_479 = arith.constant 0 : i32
        %cond3A_480 = arith.cmpi ne, %convert_element_type3A_478, %cond3A_479 : i32
        scf.if %cond3A_480 {
          %dma_wait3A_496 = arith.constant 0 : i32
          %dma_wait3A_497 = arith.constant 0 : i32
          %dma_wait3A_498 = tpu.memref_slice %arg4[%dma_wait3A_496, %mul3A_2, %dma_wait3A_497] : memref<50x4096x128xf32, #tpu.memory_space<hbm>> -> memref<1x64x128xf32, #tpu.memory_space<hbm>>
          %dma_wait3A_499 = tpu.memref_squeeze %dma_wait3A_498 : memref<1x64x128xf32, #tpu.memory_space<hbm>> -> memref<64x128xf32, #tpu.memory_space<hbm>>
          %dma_wait3A_500 = arith.constant 0 : i32
          %dma_wait3A_501 = tpu.memref_slice %arg4[%dma_wait3A_496, %mul3A_2, %dma_wait3A_500] : memref<50x4096x128xf32, #tpu.memory_space<hbm>> -> memref<1x64x128xf32, #tpu.memory_space<hbm>>
          %dma_wait3A_502 = tpu.memref_squeeze %dma_wait3A_501 : memref<1x64x128xf32, #tpu.memory_space<hbm>> -> memref<64x128xf32, #tpu.memory_space<hbm>>
          tpu.wait_dma2 semaphore(%arg28 : memref<!tpu.dma_semaphore, #tpu.memory_space<semaphore_mem>>) src(%arg8 : memref<64x128xf32, #tpu.memory_space<vmem>>) dst(%dma_wait3A_502 : memref<64x128xf32, #tpu.memory_space<hbm>>)
        } else {
        }
        %add3A_481 = arith.constant 10 : i32
        %add3A_482 = arith.addi %add3A_240, %add3A_481 : i32
        %sub3A_483 = arith.constant 1 : i32
        %sub3A_484 = arith.subi %add3A_482, %sub3A_483 : i32
        %shift_right_arithmetic3A_485 = arith.constant 1 : i32
        %shift_right_arithmetic3A_486 = arith.shrsi %sub3A_484, %shift_right_arithmetic3A_485 : i32
        %and3A_487 = arith.constant 1 : i32
        %and3A_488 = arith.andi %sub3A_484, %and3A_487 : i32
        %mul3A_489 = arith.constant 64 : i32
        %mul3A_490 = arith.muli %and3A_488, %mul3A_489 : i32
        %dma_start3A_491 = tpu.memref_slice %arg5[%shift_right_arithmetic3A_486, %mul3A_490] : memref<50x128xi32, #tpu.memory_space<vmem>> -> memref<1x64xi32, #tpu.memory_space<vmem>>
        %dma_start3A_492 = tpu.memref_squeeze %dma_start3A_491 : memref<1x64xi32, #tpu.memory_space<vmem>> -> memref<64xi32, #tpu.memory_space<vmem>>
        %dma_start3A_493 = arith.constant 0 : i32
        %dma_start3A_494 = arith.constant 0 : i32
        %dma_start3A_495 = tpu.memref_slice %arg3[%dma_start3A_493, %dma_start3A_494] : memref<100000x128xf32, #tpu.memory_space<hbm>> -> memref<100000x128xf32, #tpu.memory_space<hbm>>
        tpu.enqueue_indirect_dma source(%dma_start3A_495 : memref<100000x128xf32, #tpu.memory_space<hbm>>) target(%arg8 : memref<64x128xf32, #tpu.memory_space<vmem>>) offsets(%dma_start3A_492 : memref<64xi32, #tpu.memory_space<vmem>>) semaphore(%arg18 : memref<!tpu.dma_semaphore, #tpu.memory_space<semaphore_mem>>)
      } else {
      }
      %dma_wait3A_250 = arith.constant 0 : i32
      %dma_wait3A_251 = arith.constant 0 : i32
      %dma_wait3A_252 = tpu.memref_slice %arg5[%dma_wait3A_250, %dma_wait3A_251] : memref<50x128xi32, #tpu.memory_space<vmem>> -> memref<1x64xi32, #tpu.memory_space<vmem>>
      %dma_wait3A_253 = tpu.memref_squeeze %dma_wait3A_252 : memref<1x64xi32, #tpu.memory_space<vmem>> -> memref<64xi32, #tpu.memory_space<vmem>>
      %dma_wait3A_254 = arith.constant 0 : i32
      %dma_wait3A_255 = arith.constant 0 : i32
      %dma_wait3A_256 = tpu.memref_slice %arg3[%dma_wait3A_254, %dma_wait3A_255] : memref<100000x128xf32, #tpu.memory_space<hbm>> -> memref<100000x128xf32, #tpu.memory_space<hbm>>
      tpu.wait_indirect_dma semaphore(%arg19 : memref<!tpu.dma_semaphore, #tpu.memory_space<semaphore_mem>>) src(%dma_wait3A_256 : memref<100000x128xf32, #tpu.memory_space<hbm>>) dst(%arg9 : memref<64x128xf32, #tpu.memory_space<vmem>>)
      %parallel_loop3A_257 = arith.constant 0 : i32
      %parallel_loop3A_258 = arith.constant 64 : i32
      %parallel_loop3A_259 = arith.constant 1 : i32
      scf.for %parallel_loop3A_477 = %parallel_loop3A_257 to %parallel_loop3A_258 step %parallel_loop3A_259  : i32 {
        %parallel_loop3A_478 = arith.index_cast %parallel_loop3A_477 : i32 to index
        %parallel_loop3A_479 = arith.constant 0 : index
        %parallel_loop3A_480 = tpu.vector_load %arg9[%parallel_loop3A_478, %parallel_loop3A_479] {strides = array<i32>} : memref<64x128xf32, #tpu.memory_space<vmem>>, vector<1x16xf32>,
        %parallel_loop3A_481 = vector.shape_cast %parallel_loop3A_480 : vector<1x16xf32> to vector<16xf32>
        %parallel_loop3A_482 = vector.broadcast %scan3A : f32 to vector<16xf32>
        %parallel_loop3A_483 = arith.mulf %parallel_loop3A_481, %parallel_loop3A_482 : vector<16xf32>
        %parallel_loop3A_484 = arith.index_cast %parallel_loop3A_477 : i32 to index
        %parallel_loop3A_485 = arith.constant 0 : index
        %parallel_loop3A_486 = tpu.vector_load %arg9[%parallel_loop3A_484, %parallel_loop3A_485] {strides = array<i32>} : memref<64x128xf32, #tpu.memory_space<vmem>>, vector<1x16xf32>,
        %parallel_loop3A_487 = vector.shape_cast %parallel_loop3A_486 : vector<1x16xf32> to vector<16xf32>
        %parallel_loop3A_488 = vector.shape_cast %parallel_loop3A_483 : vector<16xf32> to vector<1x16xf32>
        tpu.vector_store %arg9[%parallel_loop3A_484, %parallel_loop3A_485], %parallel_loop3A_488 {strides = array<i32>} : memref<64x128xf32, #tpu.memory_space<vmem>>, vector<1x16xf32>,
        %parallel_loop3A_489 = arith.index_cast %parallel_loop3A_477 : i32 to index
        %parallel_loop3A_490 = arith.constant 16 : index
        %parallel_loop3A_491 = tpu.vector_load %arg9[%parallel_loop3A_489, %parallel_loop3A_490] {strides = array<i32>} : memref<64x128xf32, #tpu.memory_space<vmem>>, vector<1x16xf32>,
        %parallel_loop3A_492 = vector.shape_cast %parallel_loop3A_491 : vector<1x16xf32> to vector<16xf32>
        %parallel_loop3A_493 = vector.broadcast %scan3A : f32 to vector<16xf32>
        %parallel_loop3A_494 = arith.mulf %parallel_loop3A_492, %parallel_loop3A_493 : vector<16xf32>
        %parallel_loop3A_495 = arith.index_cast %parallel_loop3A_477 : i32 to index
        %parallel_loop3A_496 = arith.constant 16 : index
        %parallel_loop3A_497 = tpu.vector_load %arg9[%parallel_loop3A_495, %parallel_loop3A_496] {strides = array<i32>} : memref<64x128xf32, #tpu.memory_space<vmem>>, vector<1x16xf32>,
        %parallel_loop3A_498 = vector.shape_cast %parallel_loop3A_497 : vector<1x16xf32> to vector<16xf32>
        %parallel_loop3A_499 = vector.shape_cast %parallel_loop3A_494 : vector<16xf32> to vector<1x16xf32>
        tpu.vector_store %arg9[%parallel_loop3A_495, %parallel_loop3A_496], %parallel_loop3A_499 {strides = array<i32>} : memref<64x128xf32, #tpu.memory_space<vmem>>, vector<1x16xf32>,
        %parallel_loop3A_500 = arith.index_cast %parallel_loop3A_477 : i32 to index
        %parallel_loop3A_501 = arith.constant 32 : index
        %parallel_loop3A_502 = tpu.vector_load %arg9[%parallel_loop3A_500, %parallel_loop3A_501] {strides = array<i32>} : memref<64x128xf32, #tpu.memory_space<vmem>>, vector<1x16xf32>,
        %parallel_loop3A_503 = vector.shape_cast %parallel_loop3A_502 : vector<1x16xf32> to vector<16xf32>
        %parallel_loop3A_504 = vector.broadcast %scan3A : f32 to vector<16xf32>
        %parallel_loop3A_505 = arith.mulf %parallel_loop3A_503, %parallel_loop3A_504 : vector<16xf32>
        %parallel_loop3A_506 = arith.index_cast %parallel_loop3A_477 : i32 to index
        %parallel_loop3A_507 = arith.constant 32 : index
        %parallel_loop3A_508 = tpu.vector_load %arg9[%parallel_loop3A_506, %parallel_loop3A_507] {strides = array<i32>} : memref<64x128xf32, #tpu.memory_space<vmem>>, vector<1x16xf32>,
        %parallel_loop3A_509 = vector.shape_cast %parallel_loop3A_508 : vector<1x16xf32> to vector<16xf32>
        %parallel_loop3A_510 = vector.shape_cast %parallel_loop3A_505 : vector<16xf32> to vector<1x16xf32>
        tpu.vector_store %arg9[%parallel_loop3A_506, %parallel_loop3A_507], %parallel_loop3A_510 {strides = array<i32>} : memref<64x128xf32, #tpu.memory_space<vmem>>, vector<1x16xf32>,
        %parallel_loop3A_511 = arith.index_cast %parallel_loop3A_477 : i32 to index
        %parallel_loop3A_512 = arith.constant 48 : index
        %parallel_loop3A_513 = tpu.vector_load %arg9[%parallel_loop3A_511, %parallel_loop3A_512] {strides = array<i32>} : memref<64x128xf32, #tpu.memory_space<vmem>>, vector<1x16xf32>,
        %parallel_loop3A_514 = vector.shape_cast %parallel_loop3A_513 : vector<1x16xf32> to vector<16xf32>
        %parallel_loop3A_515 = vector.broadcast %scan3A : f32 to vector<16xf32>
        %parallel_loop3A_516 = arith.mulf %parallel_loop3A_514, %parallel_loop3A_515 : vector<16xf32>
        %parallel_loop3A_517 = arith.index_cast %parallel_loop3A_477 : i32 to index
        %parallel_loop3A_518 = arith.constant 48 : index
        %parallel_loop3A_519 = tpu.vector_load %arg9[%parallel_loop3A_517, %parallel_loop3A_518] {strides = array<i32>} : memref<64x128xf32, #tpu.memory_space<vmem>>, vector<1x16xf32>,
        %parallel_loop3A_520 = vector.shape_cast %parallel_loop3A_519 : vector<1x16xf32> to vector<16xf32>
        %parallel_loop3A_521 = vector.shape_cast %parallel_loop3A_516 : vector<16xf32> to vector<1x16xf32>
        tpu.vector_store %arg9[%parallel_loop3A_517, %parallel_loop3A_518], %parallel_loop3A_521 {strides = array<i32>} : memref<64x128xf32, #tpu.memory_space<vmem>>, vector<1x16xf32>,
        %parallel_loop3A_522 = arith.index_cast %parallel_loop3A_477 : i32 to index
        %parallel_loop3A_523 = arith.constant 64 : index
        %parallel_loop3A_524 = tpu.vector_load %arg9[%parallel_loop3A_522, %parallel_loop3A_523] {strides = array<i32>} : memref<64x128xf32, #tpu.memory_space<vmem>>, vector<1x16xf32>,
        %parallel_loop3A_525 = vector.shape_cast %parallel_loop3A_524 : vector<1x16xf32> to vector<16xf32>
        %parallel_loop3A_526 = vector.broadcast %scan3A : f32 to vector<16xf32>
        %parallel_loop3A_527 = arith.mulf %parallel_loop3A_525, %parallel_loop3A_526 : vector<16xf32>
        %parallel_loop3A_528 = arith.index_cast %parallel_loop3A_477 : i32 to index
        %parallel_loop3A_529 = arith.constant 64 : index
        %parallel_loop3A_530 = tpu.vector_load %arg9[%parallel_loop3A_528, %parallel_loop3A_529] {strides = array<i32>} : memref<64x128xf32, #tpu.memory_space<vmem>>, vector<1x16xf32>,
        %parallel_loop3A_531 = vector.shape_cast %parallel_loop3A_530 : vector<1x16xf32> to vector<16xf32>
        %parallel_loop3A_532 = vector.shape_cast %parallel_loop3A_527 : vector<16xf32> to vector<1x16xf32>
        tpu.vector_store %arg9[%parallel_loop3A_528, %parallel_loop3A_529], %parallel_loop3A_532 {strides = array<i32>} : memref<64x128xf32, #tpu.memory_space<vmem>>, vector<1x16xf32>,
        %parallel_loop3A_533 = arith.index_cast %parallel_loop3A_477 : i32 to index
        %parallel_loop3A_534 = arith.constant 80 : index
        %parallel_loop3A_535 = tpu.vector_load %arg9[%parallel_loop3A_533, %parallel_loop3A_534] {strides = array<i32>} : memref<64x128xf32, #tpu.memory_space<vmem>>, vector<1x16xf32>,
        %parallel_loop3A_536 = vector.shape_cast %parallel_loop3A_535 : vector<1x16xf32> to vector<16xf32>
        %parallel_loop3A_537 = vector.broadcast %scan3A : f32 to vector<16xf32>
        %parallel_loop3A_538 = arith.mulf %parallel_loop3A_536, %parallel_loop3A_537 : vector<16xf32>
        %parallel_loop3A_539 = arith.index_cast %parallel_loop3A_477 : i32 to index
        %parallel_loop3A_540 = arith.constant 80 : index
        %parallel_loop3A_541 = tpu.vector_load %arg9[%parallel_loop3A_539, %parallel_loop3A_540] {strides = array<i32>} : memref<64x128xf32, #tpu.memory_space<vmem>>, vector<1x16xf32>,
        %parallel_loop3A_542 = vector.shape_cast %parallel_loop3A_541 : vector<1x16xf32> to vector<16xf32>
        %parallel_loop3A_543 = vector.shape_cast %parallel_loop3A_538 : vector<16xf32> to vector<1x16xf32>
        tpu.vector_store %arg9[%parallel_loop3A_539, %parallel_loop3A_540], %parallel_loop3A_543 {strides = array<i32>} : memref<64x128xf32, #tpu.memory_space<vmem>>, vector<1x16xf32>,
        %parallel_loop3A_544 = arith.index_cast %parallel_loop3A_477 : i32 to index
        %parallel_loop3A_545 = arith.constant 96 : index
        %parallel_loop3A_546 = tpu.vector_load %arg9[%parallel_loop3A_544, %parallel_loop3A_545] {strides = array<i32>} : memref<64x128xf32, #tpu.memory_space<vmem>>, vector<1x16xf32>,
        %parallel_loop3A_547 = vector.shape_cast %parallel_loop3A_546 : vector<1x16xf32> to vector<16xf32>
        %parallel_loop3A_548 = vector.broadcast %scan3A : f32 to vector<16xf32>
        %parallel_loop3A_549 = arith.mulf %parallel_loop3A_547, %parallel_loop3A_548 : vector<16xf32>
        %parallel_loop3A_550 = arith.index_cast %parallel_loop3A_477 : i32 to index
        %parallel_loop3A_551 = arith.constant 96 : index
        %parallel_loop3A_552 = tpu.vector_load %arg9[%parallel_loop3A_550, %parallel_loop3A_551] {strides = array<i32>} : memref<64x128xf32, #tpu.memory_space<vmem>>, vector<1x16xf32>,
        %parallel_loop3A_553 = vector.shape_cast %parallel_loop3A_552 : vector<1x16xf32> to vector<16xf32>
        %parallel_loop3A_554 = vector.shape_cast %parallel_loop3A_549 : vector<16xf32> to vector<1x16xf32>
        tpu.vector_store %arg9[%parallel_loop3A_550, %parallel_loop3A_551], %parallel_loop3A_554 {strides = array<i32>} : memref<64x128xf32, #tpu.memory_space<vmem>>, vector<1x16xf32>,
        %parallel_loop3A_555 = arith.index_cast %parallel_loop3A_477 : i32 to index
        %parallel_loop3A_556 = arith.constant 112 : index
        %parallel_loop3A_557 = tpu.vector_load %arg9[%parallel_loop3A_555, %parallel_loop3A_556] {strides = array<i32>} : memref<64x128xf32, #tpu.memory_space<vmem>>, vector<1x16xf32>,
        %parallel_loop3A_558 = vector.shape_cast %parallel_loop3A_557 : vector<1x16xf32> to vector<16xf32>
        %parallel_loop3A_559 = vector.broadcast %scan3A : f32 to vector<16xf32>
        %parallel_loop3A_560 = arith.mulf %parallel_loop3A_558, %parallel_loop3A_559 : vector<16xf32>
        %parallel_loop3A_561 = arith.index_cast %parallel_loop3A_477 : i32 to index
        %parallel_loop3A_562 = arith.constant 112 : index
        %parallel_loop3A_563 = tpu.vector_load %arg9[%parallel_loop3A_561, %parallel_loop3A_562] {strides = array<i32>} : memref<64x128xf32, #tpu.memory_space<vmem>>, vector<1x16xf32>,
        %parallel_loop3A_564 = vector.shape_cast %parallel_loop3A_563 : vector<1x16xf32> to vector<16xf32>
        %parallel_loop3A_565 = vector.shape_cast %parallel_loop3A_560 : vector<16xf32> to vector<1x16xf32>
        tpu.vector_store %arg9[%parallel_loop3A_561, %parallel_loop3A_562], %parallel_loop3A_565 {strides = array<i32>} : memref<64x128xf32, #tpu.memory_space<vmem>>, vector<1x16xf32>,
      } {sc.loop_unroll_factor = 2 : i64, sc.parallel_access}
      %shift_right_arithmetic3A_260 = arith.constant 1 : i32
      %shift_right_arithmetic3A_261 = arith.shrsi %add3A_240, %shift_right_arithmetic3A_260 : i32
      %and3A_262 = arith.constant 1 : i32
      %and3A_263 = arith.andi %add3A_240, %and3A_262 : i32
      %mul3A_264 = arith.constant 64 : i32
      %mul3A_265 = arith.muli %and3A_263, %mul3A_264 : i32
      %add3A_266 = arith.addi %mul3A_2, %mul3A_265 : i32
      %dma_start3A_267 = arith.constant 0 : i32
      %dma_start3A_268 = tpu.memref_slice %arg4[%shift_right_arithmetic3A_261, %add3A_266, %dma_start3A_267] : memref<50x4096x128xf32, #tpu.memory_space<hbm>> -> memref<1x64x128xf32, #tpu.memory_space<hbm>>
      %dma_start3A_269 = tpu.memref_squeeze %dma_start3A_268 : memref<1x64x128xf32, #tpu.memory_space<hbm>> -> memref<64x128xf32, #tpu.memory_space<hbm>>
      %dma_start3A_270 = arith.constant 0 : i32
      %dma_start3A_271 = tpu.memref_slice %arg4[%shift_right_arithmetic3A_261, %add3A_266, %dma_start3A_270] : memref<50x4096x128xf32, #tpu.memory_space<hbm>> -> memref<1x64x128xf32, #tpu.memory_space<hbm>>
      %dma_start3A_272 = tpu.memref_squeeze %dma_start3A_271 : memref<1x64x128xf32, #tpu.memory_space<hbm>> -> memref<64x128xf32, #tpu.memory_space<hbm>>
      tpu.enqueue_dma source(%arg9 : memref<64x128xf32, #tpu.memory_space<vmem>>) target(%dma_start3A_272 : memref<64x128xf32, #tpu.memory_space<hbm>>) target_semaphore(%arg29 : memref<!tpu.dma_semaphore, #tpu.memory_space<semaphore_mem>>)
      %add3A_273 = arith.constant 4 : i32
      %add3A_274 = arith.addi %add3A_143, %add3A_273 : i32
      %add3A_275 = arith.constant 10 : i32
      %add3A_276 = arith.addi %add3A_274, %add3A_275 : i32
      %sub3A_277 = arith.constant 1 : i32
      %sub3A_278 = arith.subi %add3A_276, %sub3A_277 : i32
      %lt3A_279 = arith.constant 100 : i32
      %lt3A_280 = arith.cmpi slt, %sub3A_278, %lt3A_279 : i32
      %convert_element_type3A_281 = arith.extui %lt3A_280 : i1 to i32
      %cond3A_282 = arith.constant 0 : i32
      %cond3A_283 = arith.cmpi ne, %convert_element_type3A_281, %cond3A_282 : i32
      scf.if %cond3A_283 {
        %ge3A = arith.constant 1 : i32
        %ge3A_477 = arith.cmpi sge, %add3A_274, %ge3A : i32
        %convert_element_type3A_478 = arith.extui %ge3A_477 : i1 to i32
        %cond3A_479 = arith.constant 0 : i32
        %cond3A_480 = arith.cmpi ne, %convert_element_type3A_478, %cond3A_479 : i32
        scf.if %cond3A_480 {
          %dma_wait3A_496 = arith.constant 0 : i32
          %dma_wait3A_497 = arith.constant 0 : i32
          %dma_wait3A_498 = tpu.memref_slice %arg4[%dma_wait3A_496, %mul3A_2, %dma_wait3A_497] : memref<50x4096x128xf32, #tpu.memory_space<hbm>> -> memref<1x64x128xf32, #tpu.memory_space<hbm>>
          %dma_wait3A_499 = tpu.memref_squeeze %dma_wait3A_498 : memref<1x64x128xf32, #tpu.memory_space<hbm>> -> memref<64x128xf32, #tpu.memory_space<hbm>>
          %dma_wait3A_500 = arith.constant 0 : i32
          %dma_wait3A_501 = tpu.memref_slice %arg4[%dma_wait3A_496, %mul3A_2, %dma_wait3A_500] : memref<50x4096x128xf32, #tpu.memory_space<hbm>> -> memref<1x64x128xf32, #tpu.memory_space<hbm>>
          %dma_wait3A_502 = tpu.memref_squeeze %dma_wait3A_501 : memref<1x64x128xf32, #tpu.memory_space<hbm>> -> memref<64x128xf32, #tpu.memory_space<hbm>>
          tpu.wait_dma2 semaphore(%arg29 : memref<!tpu.dma_semaphore, #tpu.memory_space<semaphore_mem>>) src(%arg9 : memref<64x128xf32, #tpu.memory_space<vmem>>) dst(%dma_wait3A_502 : memref<64x128xf32, #tpu.memory_space<hbm>>)
        } else {
        }
        %add3A_481 = arith.constant 10 : i32
        %add3A_482 = arith.addi %add3A_274, %add3A_481 : i32
        %sub3A_483 = arith.constant 1 : i32
        %sub3A_484 = arith.subi %add3A_482, %sub3A_483 : i32
        %shift_right_arithmetic3A_485 = arith.constant 1 : i32
        %shift_right_arithmetic3A_486 = arith.shrsi %sub3A_484, %shift_right_arithmetic3A_485 : i32
        %and3A_487 = arith.constant 1 : i32
        %and3A_488 = arith.andi %sub3A_484, %and3A_487 : i32
        %mul3A_489 = arith.constant 64 : i32
        %mul3A_490 = arith.muli %and3A_488, %mul3A_489 : i32
        %dma_start3A_491 = tpu.memref_slice %arg5[%shift_right_arithmetic3A_486, %mul3A_490] : memref<50x128xi32, #tpu.memory_space<vmem>> -> memref<1x64xi32, #tpu.memory_space<vmem>>
        %dma_start3A_492 = tpu.memref_squeeze %dma_start3A_491 : memref<1x64xi32, #tpu.memory_space<vmem>> -> memref<64xi32, #tpu.memory_space<vmem>>
        %dma_start3A_493 = arith.constant 0 : i32
        %dma_start3A_494 = arith.constant 0 : i32
        %dma_start3A_495 = tpu.memref_slice %arg3[%dma_start3A_493, %dma_start3A_494] : memref<100000x128xf32, #tpu.memory_space<hbm>> -> memref<100000x128xf32, #tpu.memory_space<hbm>>
        tpu.enqueue_indirect_dma source(%dma_start3A_495 : memref<100000x128xf32, #tpu.memory_space<hbm>>) target(%arg9 : memref<64x128xf32, #tpu.memory_space<vmem>>) offsets(%dma_start3A_492 : memref<64xi32, #tpu.memory_space<vmem>>) semaphore(%arg19 : memref<!tpu.dma_semaphore, #tpu.memory_space<semaphore_mem>>)
      } else {
      }
      %dma_wait3A_284 = arith.constant 0 : i32
      %dma_wait3A_285 = arith.constant 0 : i32
      %dma_wait3A_286 = tpu.memref_slice %arg5[%dma_wait3A_284, %dma_wait3A_285] : memref<50x128xi32, #tpu.memory_space<vmem>> -> memref<1x64xi32, #tpu.memory_space<vmem>>
      %dma_wait3A_287 = tpu.memref_squeeze %dma_wait3A_286 : memref<1x64xi32, #tpu.memory_space<vmem>> -> memref<64xi32, #tpu.memory_space<vmem>>
      %dma_wait3A_288 = arith.constant 0 : i32
      %dma_wait3A_289 = arith.constant 0 : i32
      %dma_wait3A_290 = tpu.memref_slice %arg3[%dma_wait3A_288, %dma_wait3A_289] : memref<100000x128xf32, #tpu.memory_space<hbm>> -> memref<100000x128xf32, #tpu.memory_space<hbm>>
      tpu.wait_indirect_dma semaphore(%arg20 : memref<!tpu.dma_semaphore, #tpu.memory_space<semaphore_mem>>) src(%dma_wait3A_290 : memref<100000x128xf32, #tpu.memory_space<hbm>>) dst(%arg10 : memref<64x128xf32, #tpu.memory_space<vmem>>)
      %parallel_loop3A_291 = arith.constant 0 : i32
      %parallel_loop3A_292 = arith.constant 64 : i32
      %parallel_loop3A_293 = arith.constant 1 : i32
      scf.for %parallel_loop3A_477 = %parallel_loop3A_291 to %parallel_loop3A_292 step %parallel_loop3A_293  : i32 {
        %parallel_loop3A_478 = arith.index_cast %parallel_loop3A_477 : i32 to index
        %parallel_loop3A_479 = arith.constant 0 : index
        %parallel_loop3A_480 = tpu.vector_load %arg10[%parallel_loop3A_478, %parallel_loop3A_479] {strides = array<i32>} : memref<64x128xf32, #tpu.memory_space<vmem>>, vector<1x16xf32>,
        %parallel_loop3A_481 = vector.shape_cast %parallel_loop3A_480 : vector<1x16xf32> to vector<16xf32>
        %parallel_loop3A_482 = vector.broadcast %scan3A : f32 to vector<16xf32>
        %parallel_loop3A_483 = arith.mulf %parallel_loop3A_481, %parallel_loop3A_482 : vector<16xf32>
        %parallel_loop3A_484 = arith.index_cast %parallel_loop3A_477 : i32 to index
        %parallel_loop3A_485 = arith.constant 0 : index
        %parallel_loop3A_486 = tpu.vector_load %arg10[%parallel_loop3A_484, %parallel_loop3A_485] {strides = array<i32>} : memref<64x128xf32, #tpu.memory_space<vmem>>, vector<1x16xf32>,
        %parallel_loop3A_487 = vector.shape_cast %parallel_loop3A_486 : vector<1x16xf32> to vector<16xf32>
        %parallel_loop3A_488 = vector.shape_cast %parallel_loop3A_483 : vector<16xf32> to vector<1x16xf32>
        tpu.vector_store %arg10[%parallel_loop3A_484, %parallel_loop3A_485], %parallel_loop3A_488 {strides = array<i32>} : memref<64x128xf32, #tpu.memory_space<vmem>>, vector<1x16xf32>,
        %parallel_loop3A_489 = arith.index_cast %parallel_loop3A_477 : i32 to index
        %parallel_loop3A_490 = arith.constant 16 : index
        %parallel_loop3A_491 = tpu.vector_load %arg10[%parallel_loop3A_489, %parallel_loop3A_490] {strides = array<i32>} : memref<64x128xf32, #tpu.memory_space<vmem>>, vector<1x16xf32>,
        %parallel_loop3A_492 = vector.shape_cast %parallel_loop3A_491 : vector<1x16xf32> to vector<16xf32>
        %parallel_loop3A_493 = vector.broadcast %scan3A : f32 to vector<16xf32>
        %parallel_loop3A_494 = arith.mulf %parallel_loop3A_492, %parallel_loop3A_493 : vector<16xf32>
        %parallel_loop3A_495 = arith.index_cast %parallel_loop3A_477 : i32 to index
        %parallel_loop3A_496 = arith.constant 16 : index
        %parallel_loop3A_497 = tpu.vector_load %arg10[%parallel_loop3A_495, %parallel_loop3A_496] {strides = array<i32>} : memref<64x128xf32, #tpu.memory_space<vmem>>, vector<1x16xf32>,
        %parallel_loop3A_498 = vector.shape_cast %parallel_loop3A_497 : vector<1x16xf32> to vector<16xf32>
        %parallel_loop3A_499 = vector.shape_cast %parallel_loop3A_494 : vector<16xf32> to vector<1x16xf32>
        tpu.vector_store %arg10[%parallel_loop3A_495, %parallel_loop3A_496], %parallel_loop3A_499 {strides = array<i32>} : memref<64x128xf32, #tpu.memory_space<vmem>>, vector<1x16xf32>,
        %parallel_loop3A_500 = arith.index_cast %parallel_loop3A_477 : i32 to index
        %parallel_loop3A_501 = arith.constant 32 : index
        %parallel_loop3A_502 = tpu.vector_load %arg10[%parallel_loop3A_500, %parallel_loop3A_501] {strides = array<i32>} : memref<64x128xf32, #tpu.memory_space<vmem>>, vector<1x16xf32>,
        %parallel_loop3A_503 = vector.shape_cast %parallel_loop3A_502 : vector<1x16xf32> to vector<16xf32>
        %parallel_loop3A_504 = vector.broadcast %scan3A : f32 to vector<16xf32>
        %parallel_loop3A_505 = arith.mulf %parallel_loop3A_503, %parallel_loop3A_504 : vector<16xf32>
        %parallel_loop3A_506 = arith.index_cast %parallel_loop3A_477 : i32 to index
        %parallel_loop3A_507 = arith.constant 32 : index
        %parallel_loop3A_508 = tpu.vector_load %arg10[%parallel_loop3A_506, %parallel_loop3A_507] {strides = array<i32>} : memref<64x128xf32, #tpu.memory_space<vmem>>, vector<1x16xf32>,
        %parallel_loop3A_509 = vector.shape_cast %parallel_loop3A_508 : vector<1x16xf32> to vector<16xf32>
        %parallel_loop3A_510 = vector.shape_cast %parallel_loop3A_505 : vector<16xf32> to vector<1x16xf32>
        tpu.vector_store %arg10[%parallel_loop3A_506, %parallel_loop3A_507], %parallel_loop3A_510 {strides = array<i32>} : memref<64x128xf32, #tpu.memory_space<vmem>>, vector<1x16xf32>,
        %parallel_loop3A_511 = arith.index_cast %parallel_loop3A_477 : i32 to index
        %parallel_loop3A_512 = arith.constant 48 : index
        %parallel_loop3A_513 = tpu.vector_load %arg10[%parallel_loop3A_511, %parallel_loop3A_512] {strides = array<i32>} : memref<64x128xf32, #tpu.memory_space<vmem>>, vector<1x16xf32>,
        %parallel_loop3A_514 = vector.shape_cast %parallel_loop3A_513 : vector<1x16xf32> to vector<16xf32>
        %parallel_loop3A_515 = vector.broadcast %scan3A : f32 to vector<16xf32>
        %parallel_loop3A_516 = arith.mulf %parallel_loop3A_514, %parallel_loop3A_515 : vector<16xf32>
        %parallel_loop3A_517 = arith.index_cast %parallel_loop3A_477 : i32 to index
        %parallel_loop3A_518 = arith.constant 48 : index
        %parallel_loop3A_519 = tpu.vector_load %arg10[%parallel_loop3A_517, %parallel_loop3A_518] {strides = array<i32>} : memref<64x128xf32, #tpu.memory_space<vmem>>, vector<1x16xf32>,
        %parallel_loop3A_520 = vector.shape_cast %parallel_loop3A_519 : vector<1x16xf32> to vector<16xf32>
        %parallel_loop3A_521 = vector.shape_cast %parallel_loop3A_516 : vector<16xf32> to vector<1x16xf32>
        tpu.vector_store %arg10[%parallel_loop3A_517, %parallel_loop3A_518], %parallel_loop3A_521 {strides = array<i32>} : memref<64x128xf32, #tpu.memory_space<vmem>>, vector<1x16xf32>,
        %parallel_loop3A_522 = arith.index_cast %parallel_loop3A_477 : i32 to index
        %parallel_loop3A_523 = arith.constant 64 : index
        %parallel_loop3A_524 = tpu.vector_load %arg10[%parallel_loop3A_522, %parallel_loop3A_523] {strides = array<i32>} : memref<64x128xf32, #tpu.memory_space<vmem>>, vector<1x16xf32>,
        %parallel_loop3A_525 = vector.shape_cast %parallel_loop3A_524 : vector<1x16xf32> to vector<16xf32>
        %parallel_loop3A_526 = vector.broadcast %scan3A : f32 to vector<16xf32>
        %parallel_loop3A_527 = arith.mulf %parallel_loop3A_525, %parallel_loop3A_526 : vector<16xf32>
        %parallel_loop3A_528 = arith.index_cast %parallel_loop3A_477 : i32 to index
        %parallel_loop3A_529 = arith.constant 64 : index
        %parallel_loop3A_530 = tpu.vector_load %arg10[%parallel_loop3A_528, %parallel_loop3A_529] {strides = array<i32>} : memref<64x128xf32, #tpu.memory_space<vmem>>, vector<1x16xf32>,
        %parallel_loop3A_531 = vector.shape_cast %parallel_loop3A_530 : vector<1x16xf32> to vector<16xf32>
        %parallel_loop3A_532 = vector.shape_cast %parallel_loop3A_527 : vector<16xf32> to vector<1x16xf32>
        tpu.vector_store %arg10[%parallel_loop3A_528, %parallel_loop3A_529], %parallel_loop3A_532 {strides = array<i32>} : memref<64x128xf32, #tpu.memory_space<vmem>>, vector<1x16xf32>,
        %parallel_loop3A_533 = arith.index_cast %parallel_loop3A_477 : i32 to index
        %parallel_loop3A_534 = arith.constant 80 : index
        %parallel_loop3A_535 = tpu.vector_load %arg10[%parallel_loop3A_533, %parallel_loop3A_534] {strides = array<i32>} : memref<64x128xf32, #tpu.memory_space<vmem>>, vector<1x16xf32>,
        %parallel_loop3A_536 = vector.shape_cast %parallel_loop3A_535 : vector<1x16xf32> to vector<16xf32>
        %parallel_loop3A_537 = vector.broadcast %scan3A : f32 to vector<16xf32>
        %parallel_loop3A_538 = arith.mulf %parallel_loop3A_536, %parallel_loop3A_537 : vector<16xf32>
        %parallel_loop3A_539 = arith.index_cast %parallel_loop3A_477 : i32 to index
        %parallel_loop3A_540 = arith.constant 80 : index
        %parallel_loop3A_541 = tpu.vector_load %arg10[%parallel_loop3A_539, %parallel_loop3A_540] {strides = array<i32>} : memref<64x128xf32, #tpu.memory_space<vmem>>, vector<1x16xf32>,
        %parallel_loop3A_542 = vector.shape_cast %parallel_loop3A_541 : vector<1x16xf32> to vector<16xf32>
        %parallel_loop3A_543 = vector.shape_cast %parallel_loop3A_538 : vector<16xf32> to vector<1x16xf32>
        tpu.vector_store %arg10[%parallel_loop3A_539, %parallel_loop3A_540], %parallel_loop3A_543 {strides = array<i32>} : memref<64x128xf32, #tpu.memory_space<vmem>>, vector<1x16xf32>,
        %parallel_loop3A_544 = arith.index_cast %parallel_loop3A_477 : i32 to index
        %parallel_loop3A_545 = arith.constant 96 : index
        %parallel_loop3A_546 = tpu.vector_load %arg10[%parallel_loop3A_544, %parallel_loop3A_545] {strides = array<i32>} : memref<64x128xf32, #tpu.memory_space<vmem>>, vector<1x16xf32>,
        %parallel_loop3A_547 = vector.shape_cast %parallel_loop3A_546 : vector<1x16xf32> to vector<16xf32>
        %parallel_loop3A_548 = vector.broadcast %scan3A : f32 to vector<16xf32>
        %parallel_loop3A_549 = arith.mulf %parallel_loop3A_547, %parallel_loop3A_548 : vector<16xf32>
        %parallel_loop3A_550 = arith.index_cast %parallel_loop3A_477 : i32 to index
        %parallel_loop3A_551 = arith.constant 96 : index
        %parallel_loop3A_552 = tpu.vector_load %arg10[%parallel_loop3A_550, %parallel_loop3A_551] {strides = array<i32>} : memref<64x128xf32, #tpu.memory_space<vmem>>, vector<1x16xf32>,
        %parallel_loop3A_553 = vector.shape_cast %parallel_loop3A_552 : vector<1x16xf32> to vector<16xf32>
        %parallel_loop3A_554 = vector.shape_cast %parallel_loop3A_549 : vector<16xf32> to vector<1x16xf32>
        tpu.vector_store %arg10[%parallel_loop3A_550, %parallel_loop3A_551], %parallel_loop3A_554 {strides = array<i32>} : memref<64x128xf32, #tpu.memory_space<vmem>>, vector<1x16xf32>,
        %parallel_loop3A_555 = arith.index_cast %parallel_loop3A_477 : i32 to index
        %parallel_loop3A_556 = arith.constant 112 : index
        %parallel_loop3A_557 = tpu.vector_load %arg10[%parallel_loop3A_555, %parallel_loop3A_556] {strides = array<i32>} : memref<64x128xf32, #tpu.memory_space<vmem>>, vector<1x16xf32>,
        %parallel_loop3A_558 = vector.shape_cast %parallel_loop3A_557 : vector<1x16xf32> to vector<16xf32>
        %parallel_loop3A_559 = vector.broadcast %scan3A : f32 to vector<16xf32>
        %parallel_loop3A_560 = arith.mulf %parallel_loop3A_558, %parallel_loop3A_559 : vector<16xf32>
        %parallel_loop3A_561 = arith.index_cast %parallel_loop3A_477 : i32 to index
        %parallel_loop3A_562 = arith.constant 112 : index
        %parallel_loop3A_563 = tpu.vector_load %arg10[%parallel_loop3A_561, %parallel_loop3A_562] {strides = array<i32>} : memref<64x128xf32, #tpu.memory_space<vmem>>, vector<1x16xf32>,
        %parallel_loop3A_564 = vector.shape_cast %parallel_loop3A_563 : vector<1x16xf32> to vector<16xf32>
        %parallel_loop3A_565 = vector.shape_cast %parallel_loop3A_560 : vector<16xf32> to vector<1x16xf32>
        tpu.vector_store %arg10[%parallel_loop3A_561, %parallel_loop3A_562], %parallel_loop3A_565 {strides = array<i32>} : memref<64x128xf32, #tpu.memory_space<vmem>>, vector<1x16xf32>,
      } {sc.loop_unroll_factor = 2 : i64, sc.parallel_access}
      %shift_right_arithmetic3A_294 = arith.constant 1 : i32
      %shift_right_arithmetic3A_295 = arith.shrsi %add3A_274, %shift_right_arithmetic3A_294 : i32
      %and3A_296 = arith.constant 1 : i32
      %and3A_297 = arith.andi %add3A_274, %and3A_296 : i32
      %mul3A_298 = arith.constant 64 : i32
      %mul3A_299 = arith.muli %and3A_297, %mul3A_298 : i32
      %add3A_300 = arith.addi %mul3A_2, %mul3A_299 : i32
      %dma_start3A_301 = arith.constant 0 : i32
      %dma_start3A_302 = tpu.memref_slice %arg4[%shift_right_arithmetic3A_295, %add3A_300, %dma_start3A_301] : memref<50x4096x128xf32, #tpu.memory_space<hbm>> -> memref<1x64x128xf32, #tpu.memory_space<hbm>>
      %dma_start3A_303 = tpu.memref_squeeze %dma_start3A_302 : memref<1x64x128xf32, #tpu.memory_space<hbm>> -> memref<64x128xf32, #tpu.memory_space<hbm>>
      %dma_start3A_304 = arith.constant 0 : i32
      %dma_start3A_305 = tpu.memref_slice %arg4[%shift_right_arithmetic3A_295, %add3A_300, %dma_start3A_304] : memref<50x4096x128xf32, #tpu.memory_space<hbm>> -> memref<1x64x128xf32, #tpu.memory_space<hbm>>
      %dma_start3A_306 = tpu.memref_squeeze %dma_start3A_305 : memref<1x64x128xf32, #tpu.memory_space<hbm>> -> memref<64x128xf32, #tpu.memory_space<hbm>>
      tpu.enqueue_dma source(%arg10 : memref<64x128xf32, #tpu.memory_space<vmem>>) target(%dma_start3A_306 : memref<64x128xf32, #tpu.memory_space<hbm>>) target_semaphore(%arg30 : memref<!tpu.dma_semaphore, #tpu.memory_space<semaphore_mem>>)
      %add3A_307 = arith.constant 5 : i32
      %add3A_308 = arith.addi %add3A_143, %add3A_307 : i32
      %add3A_309 = arith.constant 10 : i32
      %add3A_310 = arith.addi %add3A_308, %add3A_309 : i32
      %sub3A_311 = arith.constant 1 : i32
      %sub3A_312 = arith.subi %add3A_310, %sub3A_311 : i32
      %lt3A_313 = arith.constant 100 : i32
      %lt3A_314 = arith.cmpi slt, %sub3A_312, %lt3A_313 : i32
      %convert_element_type3A_315 = arith.extui %lt3A_314 : i1 to i32
      %cond3A_316 = arith.constant 0 : i32
      %cond3A_317 = arith.cmpi ne, %convert_element_type3A_315, %cond3A_316 : i32
      scf.if %cond3A_317 {
        %ge3A = arith.constant 1 : i32
        %ge3A_477 = arith.cmpi sge, %add3A_308, %ge3A : i32
        %convert_element_type3A_478 = arith.extui %ge3A_477 : i1 to i32
        %cond3A_479 = arith.constant 0 : i32
        %cond3A_480 = arith.cmpi ne, %convert_element_type3A_478, %cond3A_479 : i32
        scf.if %cond3A_480 {
          %dma_wait3A_496 = arith.constant 0 : i32
          %dma_wait3A_497 = arith.constant 0 : i32
          %dma_wait3A_498 = tpu.memref_slice %arg4[%dma_wait3A_496, %mul3A_2, %dma_wait3A_497] : memref<50x4096x128xf32, #tpu.memory_space<hbm>> -> memref<1x64x128xf32, #tpu.memory_space<hbm>>
          %dma_wait3A_499 = tpu.memref_squeeze %dma_wait3A_498 : memref<1x64x128xf32, #tpu.memory_space<hbm>> -> memref<64x128xf32, #tpu.memory_space<hbm>>
          %dma_wait3A_500 = arith.constant 0 : i32
          %dma_wait3A_501 = tpu.memref_slice %arg4[%dma_wait3A_496, %mul3A_2, %dma_wait3A_500] : memref<50x4096x128xf32, #tpu.memory_space<hbm>> -> memref<1x64x128xf32, #tpu.memory_space<hbm>>
          %dma_wait3A_502 = tpu.memref_squeeze %dma_wait3A_501 : memref<1x64x128xf32, #tpu.memory_space<hbm>> -> memref<64x128xf32, #tpu.memory_space<hbm>>
          tpu.wait_dma2 semaphore(%arg30 : memref<!tpu.dma_semaphore, #tpu.memory_space<semaphore_mem>>) src(%arg10 : memref<64x128xf32, #tpu.memory_space<vmem>>) dst(%dma_wait3A_502 : memref<64x128xf32, #tpu.memory_space<hbm>>)
        } else {
        }
        %add3A_481 = arith.constant 10 : i32
        %add3A_482 = arith.addi %add3A_308, %add3A_481 : i32
        %sub3A_483 = arith.constant 1 : i32
        %sub3A_484 = arith.subi %add3A_482, %sub3A_483 : i32
        %shift_right_arithmetic3A_485 = arith.constant 1 : i32
        %shift_right_arithmetic3A_486 = arith.shrsi %sub3A_484, %shift_right_arithmetic3A_485 : i32
        %and3A_487 = arith.constant 1 : i32
        %and3A_488 = arith.andi %sub3A_484, %and3A_487 : i32
        %mul3A_489 = arith.constant 64 : i32
        %mul3A_490 = arith.muli %and3A_488, %mul3A_489 : i32
        %dma_start3A_491 = tpu.memref_slice %arg5[%shift_right_arithmetic3A_486, %mul3A_490] : memref<50x128xi32, #tpu.memory_space<vmem>> -> memref<1x64xi32, #tpu.memory_space<vmem>>
        %dma_start3A_492 = tpu.memref_squeeze %dma_start3A_491 : memref<1x64xi32, #tpu.memory_space<vmem>> -> memref<64xi32, #tpu.memory_space<vmem>>
        %dma_start3A_493 = arith.constant 0 : i32
        %dma_start3A_494 = arith.constant 0 : i32
        %dma_start3A_495 = tpu.memref_slice %arg3[%dma_start3A_493, %dma_start3A_494] : memref<100000x128xf32, #tpu.memory_space<hbm>> -> memref<100000x128xf32, #tpu.memory_space<hbm>>
        tpu.enqueue_indirect_dma source(%dma_start3A_495 : memref<100000x128xf32, #tpu.memory_space<hbm>>) target(%arg10 : memref<64x128xf32, #tpu.memory_space<vmem>>) offsets(%dma_start3A_492 : memref<64xi32, #tpu.memory_space<vmem>>) semaphore(%arg20 : memref<!tpu.dma_semaphore, #tpu.memory_space<semaphore_mem>>)
      } else {
      }
      %dma_wait3A_318 = arith.constant 0 : i32
      %dma_wait3A_319 = arith.constant 0 : i32
      %dma_wait3A_320 = tpu.memref_slice %arg5[%dma_wait3A_318, %dma_wait3A_319] : memref<50x128xi32, #tpu.memory_space<vmem>> -> memref<1x64xi32, #tpu.memory_space<vmem>>
      %dma_wait3A_321 = tpu.memref_squeeze %dma_wait3A_320 : memref<1x64xi32, #tpu.memory_space<vmem>> -> memref<64xi32, #tpu.memory_space<vmem>>
      %dma_wait3A_322 = arith.constant 0 : i32
      %dma_wait3A_323 = arith.constant 0 : i32
      %dma_wait3A_324 = tpu.memref_slice %arg3[%dma_wait3A_322, %dma_wait3A_323] : memref<100000x128xf32, #tpu.memory_space<hbm>> -> memref<100000x128xf32, #tpu.memory_space<hbm>>
      tpu.wait_indirect_dma semaphore(%arg21 : memref<!tpu.dma_semaphore, #tpu.memory_space<semaphore_mem>>) src(%dma_wait3A_324 : memref<100000x128xf32, #tpu.memory_space<hbm>>) dst(%arg11 : memref<64x128xf32, #tpu.memory_space<vmem>>)
      %parallel_loop3A_325 = arith.constant 0 : i32
      %parallel_loop3A_326 = arith.constant 64 : i32
      %parallel_loop3A_327 = arith.constant 1 : i32
      scf.for %parallel_loop3A_477 = %parallel_loop3A_325 to %parallel_loop3A_326 step %parallel_loop3A_327  : i32 {
        %parallel_loop3A_478 = arith.index_cast %parallel_loop3A_477 : i32 to index
        %parallel_loop3A_479 = arith.constant 0 : index
        %parallel_loop3A_480 = tpu.vector_load %arg11[%parallel_loop3A_478, %parallel_loop3A_479] {strides = array<i32>} : memref<64x128xf32, #tpu.memory_space<vmem>>, vector<1x16xf32>,
        %parallel_loop3A_481 = vector.shape_cast %parallel_loop3A_480 : vector<1x16xf32> to vector<16xf32>
        %parallel_loop3A_482 = vector.broadcast %scan3A : f32 to vector<16xf32>
        %parallel_loop3A_483 = arith.mulf %parallel_loop3A_481, %parallel_loop3A_482 : vector<16xf32>
        %parallel_loop3A_484 = arith.index_cast %parallel_loop3A_477 : i32 to index
        %parallel_loop3A_485 = arith.constant 0 : index
        %parallel_loop3A_486 = tpu.vector_load %arg11[%parallel_loop3A_484, %parallel_loop3A_485] {strides = array<i32>} : memref<64x128xf32, #tpu.memory_space<vmem>>, vector<1x16xf32>,
        %parallel_loop3A_487 = vector.shape_cast %parallel_loop3A_486 : vector<1x16xf32> to vector<16xf32>
        %parallel_loop3A_488 = vector.shape_cast %parallel_loop3A_483 : vector<16xf32> to vector<1x16xf32>
        tpu.vector_store %arg11[%parallel_loop3A_484, %parallel_loop3A_485], %parallel_loop3A_488 {strides = array<i32>} : memref<64x128xf32, #tpu.memory_space<vmem>>, vector<1x16xf32>,
        %parallel_loop3A_489 = arith.index_cast %parallel_loop3A_477 : i32 to index
        %parallel_loop3A_490 = arith.constant 16 : index
        %parallel_loop3A_491 = tpu.vector_load %arg11[%parallel_loop3A_489, %parallel_loop3A_490] {strides = array<i32>} : memref<64x128xf32, #tpu.memory_space<vmem>>, vector<1x16xf32>,
        %parallel_loop3A_492 = vector.shape_cast %parallel_loop3A_491 : vector<1x16xf32> to vector<16xf32>
        %parallel_loop3A_493 = vector.broadcast %scan3A : f32 to vector<16xf32>
        %parallel_loop3A_494 = arith.mulf %parallel_loop3A_492, %parallel_loop3A_493 : vector<16xf32>
        %parallel_loop3A_495 = arith.index_cast %parallel_loop3A_477 : i32 to index
        %parallel_loop3A_496 = arith.constant 16 : index
        %parallel_loop3A_497 = tpu.vector_load %arg11[%parallel_loop3A_495, %parallel_loop3A_496] {strides = array<i32>} : memref<64x128xf32, #tpu.memory_space<vmem>>, vector<1x16xf32>,
        %parallel_loop3A_498 = vector.shape_cast %parallel_loop3A_497 : vector<1x16xf32> to vector<16xf32>
        %parallel_loop3A_499 = vector.shape_cast %parallel_loop3A_494 : vector<16xf32> to vector<1x16xf32>
        tpu.vector_store %arg11[%parallel_loop3A_495, %parallel_loop3A_496], %parallel_loop3A_499 {strides = array<i32>} : memref<64x128xf32, #tpu.memory_space<vmem>>, vector<1x16xf32>,
        %parallel_loop3A_500 = arith.index_cast %parallel_loop3A_477 : i32 to index
        %parallel_loop3A_501 = arith.constant 32 : index
        %parallel_loop3A_502 = tpu.vector_load %arg11[%parallel_loop3A_500, %parallel_loop3A_501] {strides = array<i32>} : memref<64x128xf32, #tpu.memory_space<vmem>>, vector<1x16xf32>,
        %parallel_loop3A_503 = vector.shape_cast %parallel_loop3A_502 : vector<1x16xf32> to vector<16xf32>
        %parallel_loop3A_504 = vector.broadcast %scan3A : f32 to vector<16xf32>
        %parallel_loop3A_505 = arith.mulf %parallel_loop3A_503, %parallel_loop3A_504 : vector<16xf32>
        %parallel_loop3A_506 = arith.index_cast %parallel_loop3A_477 : i32 to index
        %parallel_loop3A_507 = arith.constant 32 : index
        %parallel_loop3A_508 = tpu.vector_load %arg11[%parallel_loop3A_506, %parallel_loop3A_507] {strides = array<i32>} : memref<64x128xf32, #tpu.memory_space<vmem>>, vector<1x16xf32>,
        %parallel_loop3A_509 = vector.shape_cast %parallel_loop3A_508 : vector<1x16xf32> to vector<16xf32>
        %parallel_loop3A_510 = vector.shape_cast %parallel_loop3A_505 : vector<16xf32> to vector<1x16xf32>
        tpu.vector_store %arg11[%parallel_loop3A_506, %parallel_loop3A_507], %parallel_loop3A_510 {strides = array<i32>} : memref<64x128xf32, #tpu.memory_space<vmem>>, vector<1x16xf32>,
        %parallel_loop3A_511 = arith.index_cast %parallel_loop3A_477 : i32 to index
        %parallel_loop3A_512 = arith.constant 48 : index
        %parallel_loop3A_513 = tpu.vector_load %arg11[%parallel_loop3A_511, %parallel_loop3A_512] {strides = array<i32>} : memref<64x128xf32, #tpu.memory_space<vmem>>, vector<1x16xf32>,
        %parallel_loop3A_514 = vector.shape_cast %parallel_loop3A_513 : vector<1x16xf32> to vector<16xf32>
        %parallel_loop3A_515 = vector.broadcast %scan3A : f32 to vector<16xf32>
        %parallel_loop3A_516 = arith.mulf %parallel_loop3A_514, %parallel_loop3A_515 : vector<16xf32>
        %parallel_loop3A_517 = arith.index_cast %parallel_loop3A_477 : i32 to index
        %parallel_loop3A_518 = arith.constant 48 : index
        %parallel_loop3A_519 = tpu.vector_load %arg11[%parallel_loop3A_517, %parallel_loop3A_518] {strides = array<i32>} : memref<64x128xf32, #tpu.memory_space<vmem>>, vector<1x16xf32>,
        %parallel_loop3A_520 = vector.shape_cast %parallel_loop3A_519 : vector<1x16xf32> to vector<16xf32>
        %parallel_loop3A_521 = vector.shape_cast %parallel_loop3A_516 : vector<16xf32> to vector<1x16xf32>
        tpu.vector_store %arg11[%parallel_loop3A_517, %parallel_loop3A_518], %parallel_loop3A_521 {strides = array<i32>} : memref<64x128xf32, #tpu.memory_space<vmem>>, vector<1x16xf32>,
        %parallel_loop3A_522 = arith.index_cast %parallel_loop3A_477 : i32 to index
        %parallel_loop3A_523 = arith.constant 64 : index
        %parallel_loop3A_524 = tpu.vector_load %arg11[%parallel_loop3A_522, %parallel_loop3A_523] {strides = array<i32>} : memref<64x128xf32, #tpu.memory_space<vmem>>, vector<1x16xf32>,
        %parallel_loop3A_525 = vector.shape_cast %parallel_loop3A_524 : vector<1x16xf32> to vector<16xf32>
        %parallel_loop3A_526 = vector.broadcast %scan3A : f32 to vector<16xf32>
        %parallel_loop3A_527 = arith.mulf %parallel_loop3A_525, %parallel_loop3A_526 : vector<16xf32>
        %parallel_loop3A_528 = arith.index_cast %parallel_loop3A_477 : i32 to index
        %parallel_loop3A_529 = arith.constant 64 : index
        %parallel_loop3A_530 = tpu.vector_load %arg11[%parallel_loop3A_528, %parallel_loop3A_529] {strides = array<i32>} : memref<64x128xf32, #tpu.memory_space<vmem>>, vector<1x16xf32>,
        %parallel_loop3A_531 = vector.shape_cast %parallel_loop3A_530 : vector<1x16xf32> to vector<16xf32>
        %parallel_loop3A_532 = vector.shape_cast %parallel_loop3A_527 : vector<16xf32> to vector<1x16xf32>
        tpu.vector_store %arg11[%parallel_loop3A_528, %parallel_loop3A_529], %parallel_loop3A_532 {strides = array<i32>} : memref<64x128xf32, #tpu.memory_space<vmem>>, vector<1x16xf32>,
        %parallel_loop3A_533 = arith.index_cast %parallel_loop3A_477 : i32 to index
        %parallel_loop3A_534 = arith.constant 80 : index
        %parallel_loop3A_535 = tpu.vector_load %arg11[%parallel_loop3A_533, %parallel_loop3A_534] {strides = array<i32>} : memref<64x128xf32, #tpu.memory_space<vmem>>, vector<1x16xf32>,
        %parallel_loop3A_536 = vector.shape_cast %parallel_loop3A_535 : vector<1x16xf32> to vector<16xf32>
        %parallel_loop3A_537 = vector.broadcast %scan3A : f32 to vector<16xf32>
        %parallel_loop3A_538 = arith.mulf %parallel_loop3A_536, %parallel_loop3A_537 : vector<16xf32>
        %parallel_loop3A_539 = arith.index_cast %parallel_loop3A_477 : i32 to index
        %parallel_loop3A_540 = arith.constant 80 : index
        %parallel_loop3A_541 = tpu.vector_load %arg11[%parallel_loop3A_539, %parallel_loop3A_540] {strides = array<i32>} : memref<64x128xf32, #tpu.memory_space<vmem>>, vector<1x16xf32>,
        %parallel_loop3A_542 = vector.shape_cast %parallel_loop3A_541 : vector<1x16xf32> to vector<16xf32>
        %parallel_loop3A_543 = vector.shape_cast %parallel_loop3A_538 : vector<16xf32> to vector<1x16xf32>
        tpu.vector_store %arg11[%parallel_loop3A_539, %parallel_loop3A_540], %parallel_loop3A_543 {strides = array<i32>} : memref<64x128xf32, #tpu.memory_space<vmem>>, vector<1x16xf32>,
        %parallel_loop3A_544 = arith.index_cast %parallel_loop3A_477 : i32 to index
        %parallel_loop3A_545 = arith.constant 96 : index
        %parallel_loop3A_546 = tpu.vector_load %arg11[%parallel_loop3A_544, %parallel_loop3A_545] {strides = array<i32>} : memref<64x128xf32, #tpu.memory_space<vmem>>, vector<1x16xf32>,
        %parallel_loop3A_547 = vector.shape_cast %parallel_loop3A_546 : vector<1x16xf32> to vector<16xf32>
        %parallel_loop3A_548 = vector.broadcast %scan3A : f32 to vector<16xf32>
        %parallel_loop3A_549 = arith.mulf %parallel_loop3A_547, %parallel_loop3A_548 : vector<16xf32>
        %parallel_loop3A_550 = arith.index_cast %parallel_loop3A_477 : i32 to index
        %parallel_loop3A_551 = arith.constant 96 : index
        %parallel_loop3A_552 = tpu.vector_load %arg11[%parallel_loop3A_550, %parallel_loop3A_551] {strides = array<i32>} : memref<64x128xf32, #tpu.memory_space<vmem>>, vector<1x16xf32>,
        %parallel_loop3A_553 = vector.shape_cast %parallel_loop3A_552 : vector<1x16xf32> to vector<16xf32>
        %parallel_loop3A_554 = vector.shape_cast %parallel_loop3A_549 : vector<16xf32> to vector<1x16xf32>
        tpu.vector_store %arg11[%parallel_loop3A_550, %parallel_loop3A_551], %parallel_loop3A_554 {strides = array<i32>} : memref<64x128xf32, #tpu.memory_space<vmem>>, vector<1x16xf32>,
        %parallel_loop3A_555 = arith.index_cast %parallel_loop3A_477 : i32 to index
        %parallel_loop3A_556 = arith.constant 112 : index
        %parallel_loop3A_557 = tpu.vector_load %arg11[%parallel_loop3A_555, %parallel_loop3A_556] {strides = array<i32>} : memref<64x128xf32, #tpu.memory_space<vmem>>, vector<1x16xf32>,
        %parallel_loop3A_558 = vector.shape_cast %parallel_loop3A_557 : vector<1x16xf32> to vector<16xf32>
        %parallel_loop3A_559 = vector.broadcast %scan3A : f32 to vector<16xf32>
        %parallel_loop3A_560 = arith.mulf %parallel_loop3A_558, %parallel_loop3A_559 : vector<16xf32>
        %parallel_loop3A_561 = arith.index_cast %parallel_loop3A_477 : i32 to index
        %parallel_loop3A_562 = arith.constant 112 : index
        %parallel_loop3A_563 = tpu.vector_load %arg11[%parallel_loop3A_561, %parallel_loop3A_562] {strides = array<i32>} : memref<64x128xf32, #tpu.memory_space<vmem>>, vector<1x16xf32>,
        %parallel_loop3A_564 = vector.shape_cast %parallel_loop3A_563 : vector<1x16xf32> to vector<16xf32>
        %parallel_loop3A_565 = vector.shape_cast %parallel_loop3A_560 : vector<16xf32> to vector<1x16xf32>
        tpu.vector_store %arg11[%parallel_loop3A_561, %parallel_loop3A_562], %parallel_loop3A_565 {strides = array<i32>} : memref<64x128xf32, #tpu.memory_space<vmem>>, vector<1x16xf32>,
      } {sc.loop_unroll_factor = 2 : i64, sc.parallel_access}
      %shift_right_arithmetic3A_328 = arith.constant 1 : i32
      %shift_right_arithmetic3A_329 = arith.shrsi %add3A_308, %shift_right_arithmetic3A_328 : i32
      %and3A_330 = arith.constant 1 : i32
      %and3A_331 = arith.andi %add3A_308, %and3A_330 : i32
      %mul3A_332 = arith.constant 64 : i32
      %mul3A_333 = arith.muli %and3A_331, %mul3A_332 : i32
      %add3A_334 = arith.addi %mul3A_2, %mul3A_333 : i32
      %dma_start3A_335 = arith.constant 0 : i32
      %dma_start3A_336 = tpu.memref_slice %arg4[%shift_right_arithmetic3A_329, %add3A_334, %dma_start3A_335] : memref<50x4096x128xf32, #tpu.memory_space<hbm>> -> memref<1x64x128xf32, #tpu.memory_space<hbm>>
      %dma_start3A_337 = tpu.memref_squeeze %dma_start3A_336 : memref<1x64x128xf32, #tpu.memory_space<hbm>> -> memref<64x128xf32, #tpu.memory_space<hbm>>
      %dma_start3A_338 = arith.constant 0 : i32
      %dma_start3A_339 = tpu.memref_slice %arg4[%shift_right_arithmetic3A_329, %add3A_334, %dma_start3A_338] : memref<50x4096x128xf32, #tpu.memory_space<hbm>> -> memref<1x64x128xf32, #tpu.memory_space<hbm>>
      %dma_start3A_340 = tpu.memref_squeeze %dma_start3A_339 : memref<1x64x128xf32, #tpu.memory_space<hbm>> -> memref<64x128xf32, #tpu.memory_space<hbm>>
      tpu.enqueue_dma source(%arg11 : memref<64x128xf32, #tpu.memory_space<vmem>>) target(%dma_start3A_340 : memref<64x128xf32, #tpu.memory_space<hbm>>) target_semaphore(%arg31 : memref<!tpu.dma_semaphore, #tpu.memory_space<semaphore_mem>>)
      %add3A_341 = arith.constant 6 : i32
      %add3A_342 = arith.addi %add3A_143, %add3A_341 : i32
      %add3A_343 = arith.constant 10 : i32
      %add3A_344 = arith.addi %add3A_342, %add3A_343 : i32
      %sub3A_345 = arith.constant 1 : i32
      %sub3A_346 = arith.subi %add3A_344, %sub3A_345 : i32
      %lt3A_347 = arith.constant 100 : i32
      %lt3A_348 = arith.cmpi slt, %sub3A_346, %lt3A_347 : i32
      %convert_element_type3A_349 = arith.extui %lt3A_348 : i1 to i32
      %cond3A_350 = arith.constant 0 : i32
      %cond3A_351 = arith.cmpi ne, %convert_element_type3A_349, %cond3A_350 : i32
      scf.if %cond3A_351 {
        %ge3A = arith.constant 1 : i32
        %ge3A_477 = arith.cmpi sge, %add3A_342, %ge3A : i32
        %convert_element_type3A_478 = arith.extui %ge3A_477 : i1 to i32
        %cond3A_479 = arith.constant 0 : i32
        %cond3A_480 = arith.cmpi ne, %convert_element_type3A_478, %cond3A_479 : i32
        scf.if %cond3A_480 {
          %dma_wait3A_496 = arith.constant 0 : i32
          %dma_wait3A_497 = arith.constant 0 : i32
          %dma_wait3A_498 = tpu.memref_slice %arg4[%dma_wait3A_496, %mul3A_2, %dma_wait3A_497] : memref<50x4096x128xf32, #tpu.memory_space<hbm>> -> memref<1x64x128xf32, #tpu.memory_space<hbm>>
          %dma_wait3A_499 = tpu.memref_squeeze %dma_wait3A_498 : memref<1x64x128xf32, #tpu.memory_space<hbm>> -> memref<64x128xf32, #tpu.memory_space<hbm>>
          %dma_wait3A_500 = arith.constant 0 : i32
          %dma_wait3A_501 = tpu.memref_slice %arg4[%dma_wait3A_496, %mul3A_2, %dma_wait3A_500] : memref<50x4096x128xf32, #tpu.memory_space<hbm>> -> memref<1x64x128xf32, #tpu.memory_space<hbm>>
          %dma_wait3A_502 = tpu.memref_squeeze %dma_wait3A_501 : memref<1x64x128xf32, #tpu.memory_space<hbm>> -> memref<64x128xf32, #tpu.memory_space<hbm>>
          tpu.wait_dma2 semaphore(%arg31 : memref<!tpu.dma_semaphore, #tpu.memory_space<semaphore_mem>>) src(%arg11 : memref<64x128xf32, #tpu.memory_space<vmem>>) dst(%dma_wait3A_502 : memref<64x128xf32, #tpu.memory_space<hbm>>)
        } else {
        }
        %add3A_481 = arith.constant 10 : i32
        %add3A_482 = arith.addi %add3A_342, %add3A_481 : i32
        %sub3A_483 = arith.constant 1 : i32
        %sub3A_484 = arith.subi %add3A_482, %sub3A_483 : i32
        %shift_right_arithmetic3A_485 = arith.constant 1 : i32
        %shift_right_arithmetic3A_486 = arith.shrsi %sub3A_484, %shift_right_arithmetic3A_485 : i32
        %and3A_487 = arith.constant 1 : i32
        %and3A_488 = arith.andi %sub3A_484, %and3A_487 : i32
        %mul3A_489 = arith.constant 64 : i32
        %mul3A_490 = arith.muli %and3A_488, %mul3A_489 : i32
        %dma_start3A_491 = tpu.memref_slice %arg5[%shift_right_arithmetic3A_486, %mul3A_490] : memref<50x128xi32, #tpu.memory_space<vmem>> -> memref<1x64xi32, #tpu.memory_space<vmem>>
        %dma_start3A_492 = tpu.memref_squeeze %dma_start3A_491 : memref<1x64xi32, #tpu.memory_space<vmem>> -> memref<64xi32, #tpu.memory_space<vmem>>
        %dma_start3A_493 = arith.constant 0 : i32
        %dma_start3A_494 = arith.constant 0 : i32
        %dma_start3A_495 = tpu.memref_slice %arg3[%dma_start3A_493, %dma_start3A_494] : memref<100000x128xf32, #tpu.memory_space<hbm>> -> memref<100000x128xf32, #tpu.memory_space<hbm>>
        tpu.enqueue_indirect_dma source(%dma_start3A_495 : memref<100000x128xf32, #tpu.memory_space<hbm>>) target(%arg11 : memref<64x128xf32, #tpu.memory_space<vmem>>) offsets(%dma_start3A_492 : memref<64xi32, #tpu.memory_space<vmem>>) semaphore(%arg21 : memref<!tpu.dma_semaphore, #tpu.memory_space<semaphore_mem>>)
      } else {
      }
      %dma_wait3A_352 = arith.constant 0 : i32
      %dma_wait3A_353 = arith.constant 0 : i32
      %dma_wait3A_354 = tpu.memref_slice %arg5[%dma_wait3A_352, %dma_wait3A_353] : memref<50x128xi32, #tpu.memory_space<vmem>> -> memref<1x64xi32, #tpu.memory_space<vmem>>
      %dma_wait3A_355 = tpu.memref_squeeze %dma_wait3A_354 : memref<1x64xi32, #tpu.memory_space<vmem>> -> memref<64xi32, #tpu.memory_space<vmem>>
      %dma_wait3A_356 = arith.constant 0 : i32
      %dma_wait3A_357 = arith.constant 0 : i32
      %dma_wait3A_358 = tpu.memref_slice %arg3[%dma_wait3A_356, %dma_wait3A_357] : memref<100000x128xf32, #tpu.memory_space<hbm>> -> memref<100000x128xf32, #tpu.memory_space<hbm>>
      tpu.wait_indirect_dma semaphore(%arg22 : memref<!tpu.dma_semaphore, #tpu.memory_space<semaphore_mem>>) src(%dma_wait3A_358 : memref<100000x128xf32, #tpu.memory_space<hbm>>) dst(%arg12 : memref<64x128xf32, #tpu.memory_space<vmem>>)
      %parallel_loop3A_359 = arith.constant 0 : i32
      %parallel_loop3A_360 = arith.constant 64 : i32
      %parallel_loop3A_361 = arith.constant 1 : i32
      scf.for %parallel_loop3A_477 = %parallel_loop3A_359 to %parallel_loop3A_360 step %parallel_loop3A_361  : i32 {
        %parallel_loop3A_478 = arith.index_cast %parallel_loop3A_477 : i32 to index
        %parallel_loop3A_479 = arith.constant 0 : index
        %parallel_loop3A_480 = tpu.vector_load %arg12[%parallel_loop3A_478, %parallel_loop3A_479] {strides = array<i32>} : memref<64x128xf32, #tpu.memory_space<vmem>>, vector<1x16xf32>,
        %parallel_loop3A_481 = vector.shape_cast %parallel_loop3A_480 : vector<1x16xf32> to vector<16xf32>
        %parallel_loop3A_482 = vector.broadcast %scan3A : f32 to vector<16xf32>
        %parallel_loop3A_483 = arith.mulf %parallel_loop3A_481, %parallel_loop3A_482 : vector<16xf32>
        %parallel_loop3A_484 = arith.index_cast %parallel_loop3A_477 : i32 to index
        %parallel_loop3A_485 = arith.constant 0 : index
        %parallel_loop3A_486 = tpu.vector_load %arg12[%parallel_loop3A_484, %parallel_loop3A_485] {strides = array<i32>} : memref<64x128xf32, #tpu.memory_space<vmem>>, vector<1x16xf32>,
        %parallel_loop3A_487 = vector.shape_cast %parallel_loop3A_486 : vector<1x16xf32> to vector<16xf32>
        %parallel_loop3A_488 = vector.shape_cast %parallel_loop3A_483 : vector<16xf32> to vector<1x16xf32>
        tpu.vector_store %arg12[%parallel_loop3A_484, %parallel_loop3A_485], %parallel_loop3A_488 {strides = array<i32>} : memref<64x128xf32, #tpu.memory_space<vmem>>, vector<1x16xf32>,
        %parallel_loop3A_489 = arith.index_cast %parallel_loop3A_477 : i32 to index
        %parallel_loop3A_490 = arith.constant 16 : index
        %parallel_loop3A_491 = tpu.vector_load %arg12[%parallel_loop3A_489, %parallel_loop3A_490] {strides = array<i32>} : memref<64x128xf32, #tpu.memory_space<vmem>>, vector<1x16xf32>,
        %parallel_loop3A_492 = vector.shape_cast %parallel_loop3A_491 : vector<1x16xf32> to vector<16xf32>
        %parallel_loop3A_493 = vector.broadcast %scan3A : f32 to vector<16xf32>
        %parallel_loop3A_494 = arith.mulf %parallel_loop3A_492, %parallel_loop3A_493 : vector<16xf32>
        %parallel_loop3A_495 = arith.index_cast %parallel_loop3A_477 : i32 to index
        %parallel_loop3A_496 = arith.constant 16 : index
        %parallel_loop3A_497 = tpu.vector_load %arg12[%parallel_loop3A_495, %parallel_loop3A_496] {strides = array<i32>} : memref<64x128xf32, #tpu.memory_space<vmem>>, vector<1x16xf32>,
        %parallel_loop3A_498 = vector.shape_cast %parallel_loop3A_497 : vector<1x16xf32> to vector<16xf32>
        %parallel_loop3A_499 = vector.shape_cast %parallel_loop3A_494 : vector<16xf32> to vector<1x16xf32>
        tpu.vector_store %arg12[%parallel_loop3A_495, %parallel_loop3A_496], %parallel_loop3A_499 {strides = array<i32>} : memref<64x128xf32, #tpu.memory_space<vmem>>, vector<1x16xf32>,
        %parallel_loop3A_500 = arith.index_cast %parallel_loop3A_477 : i32 to index
        %parallel_loop3A_501 = arith.constant 32 : index
        %parallel_loop3A_502 = tpu.vector_load %arg12[%parallel_loop3A_500, %parallel_loop3A_501] {strides = array<i32>} : memref<64x128xf32, #tpu.memory_space<vmem>>, vector<1x16xf32>,
        %parallel_loop3A_503 = vector.shape_cast %parallel_loop3A_502 : vector<1x16xf32> to vector<16xf32>
        %parallel_loop3A_504 = vector.broadcast %scan3A : f32 to vector<16xf32>
        %parallel_loop3A_505 = arith.mulf %parallel_loop3A_503, %parallel_loop3A_504 : vector<16xf32>
        %parallel_loop3A_506 = arith.index_cast %parallel_loop3A_477 : i32 to index
        %parallel_loop3A_507 = arith.constant 32 : index
        %parallel_loop3A_508 = tpu.vector_load %arg12[%parallel_loop3A_506, %parallel_loop3A_507] {strides = array<i32>} : memref<64x128xf32, #tpu.memory_space<vmem>>, vector<1x16xf32>,
        %parallel_loop3A_509 = vector.shape_cast %parallel_loop3A_508 : vector<1x16xf32> to vector<16xf32>
        %parallel_loop3A_510 = vector.shape_cast %parallel_loop3A_505 : vector<16xf32> to vector<1x16xf32>
        tpu.vector_store %arg12[%parallel_loop3A_506, %parallel_loop3A_507], %parallel_loop3A_510 {strides = array<i32>} : memref<64x128xf32, #tpu.memory_space<vmem>>, vector<1x16xf32>,
        %parallel_loop3A_511 = arith.index_cast %parallel_loop3A_477 : i32 to index
        %parallel_loop3A_512 = arith.constant 48 : index
        %parallel_loop3A_513 = tpu.vector_load %arg12[%parallel_loop3A_511, %parallel_loop3A_512] {strides = array<i32>} : memref<64x128xf32, #tpu.memory_space<vmem>>, vector<1x16xf32>,
        %parallel_loop3A_514 = vector.shape_cast %parallel_loop3A_513 : vector<1x16xf32> to vector<16xf32>
        %parallel_loop3A_515 = vector.broadcast %scan3A : f32 to vector<16xf32>
        %parallel_loop3A_516 = arith.mulf %parallel_loop3A_514, %parallel_loop3A_515 : vector<16xf32>
        %parallel_loop3A_517 = arith.index_cast %parallel_loop3A_477 : i32 to index
        %parallel_loop3A_518 = arith.constant 48 : index
        %parallel_loop3A_519 = tpu.vector_load %arg12[%parallel_loop3A_517, %parallel_loop3A_518] {strides = array<i32>} : memref<64x128xf32, #tpu.memory_space<vmem>>, vector<1x16xf32>,
        %parallel_loop3A_520 = vector.shape_cast %parallel_loop3A_519 : vector<1x16xf32> to vector<16xf32>
        %parallel_loop3A_521 = vector.shape_cast %parallel_loop3A_516 : vector<16xf32> to vector<1x16xf32>
        tpu.vector_store %arg12[%parallel_loop3A_517, %parallel_loop3A_518], %parallel_loop3A_521 {strides = array<i32>} : memref<64x128xf32, #tpu.memory_space<vmem>>, vector<1x16xf32>,
        %parallel_loop3A_522 = arith.index_cast %parallel_loop3A_477 : i32 to index
        %parallel_loop3A_523 = arith.constant 64 : index
        %parallel_loop3A_524 = tpu.vector_load %arg12[%parallel_loop3A_522, %parallel_loop3A_523] {strides = array<i32>} : memref<64x128xf32, #tpu.memory_space<vmem>>, vector<1x16xf32>,
        %parallel_loop3A_525 = vector.shape_cast %parallel_loop3A_524 : vector<1x16xf32> to vector<16xf32>
        %parallel_loop3A_526 = vector.broadcast %scan3A : f32 to vector<16xf32>
        %parallel_loop3A_527 = arith.mulf %parallel_loop3A_525, %parallel_loop3A_526 : vector<16xf32>
        %parallel_loop3A_528 = arith.index_cast %parallel_loop3A_477 : i32 to index
        %parallel_loop3A_529 = arith.constant 64 : index
        %parallel_loop3A_530 = tpu.vector_load %arg12[%parallel_loop3A_528, %parallel_loop3A_529] {strides = array<i32>} : memref<64x128xf32, #tpu.memory_space<vmem>>, vector<1x16xf32>,
        %parallel_loop3A_531 = vector.shape_cast %parallel_loop3A_530 : vector<1x16xf32> to vector<16xf32>
        %parallel_loop3A_532 = vector.shape_cast %parallel_loop3A_527 : vector<16xf32> to vector<1x16xf32>
        tpu.vector_store %arg12[%parallel_loop3A_528, %parallel_loop3A_529], %parallel_loop3A_532 {strides = array<i32>} : memref<64x128xf32, #tpu.memory_space<vmem>>, vector<1x16xf32>,
        %parallel_loop3A_533 = arith.index_cast %parallel_loop3A_477 : i32 to index
        %parallel_loop3A_534 = arith.constant 80 : index
        %parallel_loop3A_535 = tpu.vector_load %arg12[%parallel_loop3A_533, %parallel_loop3A_534] {strides = array<i32>} : memref<64x128xf32, #tpu.memory_space<vmem>>, vector<1x16xf32>,
        %parallel_loop3A_536 = vector.shape_cast %parallel_loop3A_535 : vector<1x16xf32> to vector<16xf32>
        %parallel_loop3A_537 = vector.broadcast %scan3A : f32 to vector<16xf32>
        %parallel_loop3A_538 = arith.mulf %parallel_loop3A_536, %parallel_loop3A_537 : vector<16xf32>
        %parallel_loop3A_539 = arith.index_cast %parallel_loop3A_477 : i32 to index
        %parallel_loop3A_540 = arith.constant 80 : index
        %parallel_loop3A_541 = tpu.vector_load %arg12[%parallel_loop3A_539, %parallel_loop3A_540] {strides = array<i32>} : memref<64x128xf32, #tpu.memory_space<vmem>>, vector<1x16xf32>,
        %parallel_loop3A_542 = vector.shape_cast %parallel_loop3A_541 : vector<1x16xf32> to vector<16xf32>
        %parallel_loop3A_543 = vector.shape_cast %parallel_loop3A_538 : vector<16xf32> to vector<1x16xf32>
        tpu.vector_store %arg12[%parallel_loop3A_539, %parallel_loop3A_540], %parallel_loop3A_543 {strides = array<i32>} : memref<64x128xf32, #tpu.memory_space<vmem>>, vector<1x16xf32>,
        %parallel_loop3A_544 = arith.index_cast %parallel_loop3A_477 : i32 to index
        %parallel_loop3A_545 = arith.constant 96 : index
        %parallel_loop3A_546 = tpu.vector_load %arg12[%parallel_loop3A_544, %parallel_loop3A_545] {strides = array<i32>} : memref<64x128xf32, #tpu.memory_space<vmem>>, vector<1x16xf32>,
        %parallel_loop3A_547 = vector.shape_cast %parallel_loop3A_546 : vector<1x16xf32> to vector<16xf32>
        %parallel_loop3A_548 = vector.broadcast %scan3A : f32 to vector<16xf32>
        %parallel_loop3A_549 = arith.mulf %parallel_loop3A_547, %parallel_loop3A_548 : vector<16xf32>
        %parallel_loop3A_550 = arith.index_cast %parallel_loop3A_477 : i32 to index
        %parallel_loop3A_551 = arith.constant 96 : index
        %parallel_loop3A_552 = tpu.vector_load %arg12[%parallel_loop3A_550, %parallel_loop3A_551] {strides = array<i32>} : memref<64x128xf32, #tpu.memory_space<vmem>>, vector<1x16xf32>,
        %parallel_loop3A_553 = vector.shape_cast %parallel_loop3A_552 : vector<1x16xf32> to vector<16xf32>
        %parallel_loop3A_554 = vector.shape_cast %parallel_loop3A_549 : vector<16xf32> to vector<1x16xf32>
        tpu.vector_store %arg12[%parallel_loop3A_550, %parallel_loop3A_551], %parallel_loop3A_554 {strides = array<i32>} : memref<64x128xf32, #tpu.memory_space<vmem>>, vector<1x16xf32>,
        %parallel_loop3A_555 = arith.index_cast %parallel_loop3A_477 : i32 to index
        %parallel_loop3A_556 = arith.constant 112 : index
        %parallel_loop3A_557 = tpu.vector_load %arg12[%parallel_loop3A_555, %parallel_loop3A_556] {strides = array<i32>} : memref<64x128xf32, #tpu.memory_space<vmem>>, vector<1x16xf32>,
        %parallel_loop3A_558 = vector.shape_cast %parallel_loop3A_557 : vector<1x16xf32> to vector<16xf32>
        %parallel_loop3A_559 = vector.broadcast %scan3A : f32 to vector<16xf32>
        %parallel_loop3A_560 = arith.mulf %parallel_loop3A_558, %parallel_loop3A_559 : vector<16xf32>
        %parallel_loop3A_561 = arith.index_cast %parallel_loop3A_477 : i32 to index
        %parallel_loop3A_562 = arith.constant 112 : index
        %parallel_loop3A_563 = tpu.vector_load %arg12[%parallel_loop3A_561, %parallel_loop3A_562] {strides = array<i32>} : memref<64x128xf32, #tpu.memory_space<vmem>>, vector<1x16xf32>,
        %parallel_loop3A_564 = vector.shape_cast %parallel_loop3A_563 : vector<1x16xf32> to vector<16xf32>
        %parallel_loop3A_565 = vector.shape_cast %parallel_loop3A_560 : vector<16xf32> to vector<1x16xf32>
        tpu.vector_store %arg12[%parallel_loop3A_561, %parallel_loop3A_562], %parallel_loop3A_565 {strides = array<i32>} : memref<64x128xf32, #tpu.memory_space<vmem>>, vector<1x16xf32>,
      } {sc.loop_unroll_factor = 2 : i64, sc.parallel_access}
      %shift_right_arithmetic3A_362 = arith.constant 1 : i32
      %shift_right_arithmetic3A_363 = arith.shrsi %add3A_342, %shift_right_arithmetic3A_362 : i32
      %and3A_364 = arith.constant 1 : i32
      %and3A_365 = arith.andi %add3A_342, %and3A_364 : i32
      %mul3A_366 = arith.constant 64 : i32
      %mul3A_367 = arith.muli %and3A_365, %mul3A_366 : i32
      %add3A_368 = arith.addi %mul3A_2, %mul3A_367 : i32
      %dma_start3A_369 = arith.constant 0 : i32
      %dma_start3A_370 = tpu.memref_slice %arg4[%shift_right_arithmetic3A_363, %add3A_368, %dma_start3A_369] : memref<50x4096x128xf32, #tpu.memory_space<hbm>> -> memref<1x64x128xf32, #tpu.memory_space<hbm>>
      %dma_start3A_371 = tpu.memref_squeeze %dma_start3A_370 : memref<1x64x128xf32, #tpu.memory_space<hbm>> -> memref<64x128xf32, #tpu.memory_space<hbm>>
      %dma_start3A_372 = arith.constant 0 : i32
      %dma_start3A_373 = tpu.memref_slice %arg4[%shift_right_arithmetic3A_363, %add3A_368, %dma_start3A_372] : memref<50x4096x128xf32, #tpu.memory_space<hbm>> -> memref<1x64x128xf32, #tpu.memory_space<hbm>>
      %dma_start3A_374 = tpu.memref_squeeze %dma_start3A_373 : memref<1x64x128xf32, #tpu.memory_space<hbm>> -> memref<64x128xf32, #tpu.memory_space<hbm>>
      tpu.enqueue_dma source(%arg12 : memref<64x128xf32, #tpu.memory_space<vmem>>) target(%dma_start3A_374 : memref<64x128xf32, #tpu.memory_space<hbm>>) target_semaphore(%arg32 : memref<!tpu.dma_semaphore, #tpu.memory_space<semaphore_mem>>)
      %add3A_375 = arith.constant 7 : i32
      %add3A_376 = arith.addi %add3A_143, %add3A_375 : i32
      %add3A_377 = arith.constant 10 : i32
      %add3A_378 = arith.addi %add3A_376, %add3A_377 : i32
      %sub3A_379 = arith.constant 1 : i32
      %sub3A_380 = arith.subi %add3A_378, %sub3A_379 : i32
      %lt3A_381 = arith.constant 100 : i32
      %lt3A_382 = arith.cmpi slt, %sub3A_380, %lt3A_381 : i32
      %convert_element_type3A_383 = arith.extui %lt3A_382 : i1 to i32
      %cond3A_384 = arith.constant 0 : i32
      %cond3A_385 = arith.cmpi ne, %convert_element_type3A_383, %cond3A_384 : i32
      scf.if %cond3A_385 {
        %ge3A = arith.constant 1 : i32
        %ge3A_477 = arith.cmpi sge, %add3A_376, %ge3A : i32
        %convert_element_type3A_478 = arith.extui %ge3A_477 : i1 to i32
        %cond3A_479 = arith.constant 0 : i32
        %cond3A_480 = arith.cmpi ne, %convert_element_type3A_478, %cond3A_479 : i32
        scf.if %cond3A_480 {
          %dma_wait3A_496 = arith.constant 0 : i32
          %dma_wait3A_497 = arith.constant 0 : i32
          %dma_wait3A_498 = tpu.memref_slice %arg4[%dma_wait3A_496, %mul3A_2, %dma_wait3A_497] : memref<50x4096x128xf32, #tpu.memory_space<hbm>> -> memref<1x64x128xf32, #tpu.memory_space<hbm>>
          %dma_wait3A_499 = tpu.memref_squeeze %dma_wait3A_498 : memref<1x64x128xf32, #tpu.memory_space<hbm>> -> memref<64x128xf32, #tpu.memory_space<hbm>>
          %dma_wait3A_500 = arith.constant 0 : i32
          %dma_wait3A_501 = tpu.memref_slice %arg4[%dma_wait3A_496, %mul3A_2, %dma_wait3A_500] : memref<50x4096x128xf32, #tpu.memory_space<hbm>> -> memref<1x64x128xf32, #tpu.memory_space<hbm>>
          %dma_wait3A_502 = tpu.memref_squeeze %dma_wait3A_501 : memref<1x64x128xf32, #tpu.memory_space<hbm>> -> memref<64x128xf32, #tpu.memory_space<hbm>>
          tpu.wait_dma2 semaphore(%arg32 : memref<!tpu.dma_semaphore, #tpu.memory_space<semaphore_mem>>) src(%arg12 : memref<64x128xf32, #tpu.memory_space<vmem>>) dst(%dma_wait3A_502 : memref<64x128xf32, #tpu.memory_space<hbm>>)
        } else {
        }
        %add3A_481 = arith.constant 10 : i32
        %add3A_482 = arith.addi %add3A_376, %add3A_481 : i32
        %sub3A_483 = arith.constant 1 : i32
        %sub3A_484 = arith.subi %add3A_482, %sub3A_483 : i32
        %shift_right_arithmetic3A_485 = arith.constant 1 : i32
        %shift_right_arithmetic3A_486 = arith.shrsi %sub3A_484, %shift_right_arithmetic3A_485 : i32
        %and3A_487 = arith.constant 1 : i32
        %and3A_488 = arith.andi %sub3A_484, %and3A_487 : i32
        %mul3A_489 = arith.constant 64 : i32
        %mul3A_490 = arith.muli %and3A_488, %mul3A_489 : i32
        %dma_start3A_491 = tpu.memref_slice %arg5[%shift_right_arithmetic3A_486, %mul3A_490] : memref<50x128xi32, #tpu.memory_space<vmem>> -> memref<1x64xi32, #tpu.memory_space<vmem>>
        %dma_start3A_492 = tpu.memref_squeeze %dma_start3A_491 : memref<1x64xi32, #tpu.memory_space<vmem>> -> memref<64xi32, #tpu.memory_space<vmem>>
        %dma_start3A_493 = arith.constant 0 : i32
        %dma_start3A_494 = arith.constant 0 : i32
        %dma_start3A_495 = tpu.memref_slice %arg3[%dma_start3A_493, %dma_start3A_494] : memref<100000x128xf32, #tpu.memory_space<hbm>> -> memref<100000x128xf32, #tpu.memory_space<hbm>>
        tpu.enqueue_indirect_dma source(%dma_start3A_495 : memref<100000x128xf32, #tpu.memory_space<hbm>>) target(%arg12 : memref<64x128xf32, #tpu.memory_space<vmem>>) offsets(%dma_start3A_492 : memref<64xi32, #tpu.memory_space<vmem>>) semaphore(%arg22 : memref<!tpu.dma_semaphore, #tpu.memory_space<semaphore_mem>>)
      } else {
      }
      %dma_wait3A_386 = arith.constant 0 : i32
      %dma_wait3A_387 = arith.constant 0 : i32
      %dma_wait3A_388 = tpu.memref_slice %arg5[%dma_wait3A_386, %dma_wait3A_387] : memref<50x128xi32, #tpu.memory_space<vmem>> -> memref<1x64xi32, #tpu.memory_space<vmem>>
      %dma_wait3A_389 = tpu.memref_squeeze %dma_wait3A_388 : memref<1x64xi32, #tpu.memory_space<vmem>> -> memref<64xi32, #tpu.memory_space<vmem>>
      %dma_wait3A_390 = arith.constant 0 : i32
      %dma_wait3A_391 = arith.constant 0 : i32
      %dma_wait3A_392 = tpu.memref_slice %arg3[%dma_wait3A_390, %dma_wait3A_391] : memref<100000x128xf32, #tpu.memory_space<hbm>> -> memref<100000x128xf32, #tpu.memory_space<hbm>>
      tpu.wait_indirect_dma semaphore(%arg23 : memref<!tpu.dma_semaphore, #tpu.memory_space<semaphore_mem>>) src(%dma_wait3A_392 : memref<100000x128xf32, #tpu.memory_space<hbm>>) dst(%arg13 : memref<64x128xf32, #tpu.memory_space<vmem>>)
      %parallel_loop3A_393 = arith.constant 0 : i32
      %parallel_loop3A_394 = arith.constant 64 : i32
      %parallel_loop3A_395 = arith.constant 1 : i32
      scf.for %parallel_loop3A_477 = %parallel_loop3A_393 to %parallel_loop3A_394 step %parallel_loop3A_395  : i32 {
        %parallel_loop3A_478 = arith.index_cast %parallel_loop3A_477 : i32 to index
        %parallel_loop3A_479 = arith.constant 0 : index
        %parallel_loop3A_480 = tpu.vector_load %arg13[%parallel_loop3A_478, %parallel_loop3A_479] {strides = array<i32>} : memref<64x128xf32, #tpu.memory_space<vmem>>, vector<1x16xf32>,
        %parallel_loop3A_481 = vector.shape_cast %parallel_loop3A_480 : vector<1x16xf32> to vector<16xf32>
        %parallel_loop3A_482 = vector.broadcast %scan3A : f32 to vector<16xf32>
        %parallel_loop3A_483 = arith.mulf %parallel_loop3A_481, %parallel_loop3A_482 : vector<16xf32>
        %parallel_loop3A_484 = arith.index_cast %parallel_loop3A_477 : i32 to index
        %parallel_loop3A_485 = arith.constant 0 : index
        %parallel_loop3A_486 = tpu.vector_load %arg13[%parallel_loop3A_484, %parallel_loop3A_485] {strides = array<i32>} : memref<64x128xf32, #tpu.memory_space<vmem>>, vector<1x16xf32>,
        %parallel_loop3A_487 = vector.shape_cast %parallel_loop3A_486 : vector<1x16xf32> to vector<16xf32>
        %parallel_loop3A_488 = vector.shape_cast %parallel_loop3A_483 : vector<16xf32> to vector<1x16xf32>
        tpu.vector_store %arg13[%parallel_loop3A_484, %parallel_loop3A_485], %parallel_loop3A_488 {strides = array<i32>} : memref<64x128xf32, #tpu.memory_space<vmem>>, vector<1x16xf32>,
        %parallel_loop3A_489 = arith.index_cast %parallel_loop3A_477 : i32 to index
        %parallel_loop3A_490 = arith.constant 16 : index
        %parallel_loop3A_491 = tpu.vector_load %arg13[%parallel_loop3A_489, %parallel_loop3A_490] {strides = array<i32>} : memref<64x128xf32, #tpu.memory_space<vmem>>, vector<1x16xf32>,
        %parallel_loop3A_492 = vector.shape_cast %parallel_loop3A_491 : vector<1x16xf32> to vector<16xf32>
        %parallel_loop3A_493 = vector.broadcast %scan3A : f32 to vector<16xf32>
        %parallel_loop3A_494 = arith.mulf %parallel_loop3A_492, %parallel_loop3A_493 : vector<16xf32>
        %parallel_loop3A_495 = arith.index_cast %parallel_loop3A_477 : i32 to index
        %parallel_loop3A_496 = arith.constant 16 : index
        %parallel_loop3A_497 = tpu.vector_load %arg13[%parallel_loop3A_495, %parallel_loop3A_496] {strides = array<i32>} : memref<64x128xf32, #tpu.memory_space<vmem>>, vector<1x16xf32>,
        %parallel_loop3A_498 = vector.shape_cast %parallel_loop3A_497 : vector<1x16xf32> to vector<16xf32>
        %parallel_loop3A_499 = vector.shape_cast %parallel_loop3A_494 : vector<16xf32> to vector<1x16xf32>
        tpu.vector_store %arg13[%parallel_loop3A_495, %parallel_loop3A_496], %parallel_loop3A_499 {strides = array<i32>} : memref<64x128xf32, #tpu.memory_space<vmem>>, vector<1x16xf32>,
        %parallel_loop3A_500 = arith.index_cast %parallel_loop3A_477 : i32 to index
        %parallel_loop3A_501 = arith.constant 32 : index
        %parallel_loop3A_502 = tpu.vector_load %arg13[%parallel_loop3A_500, %parallel_loop3A_501] {strides = array<i32>} : memref<64x128xf32, #tpu.memory_space<vmem>>, vector<1x16xf32>,
        %parallel_loop3A_503 = vector.shape_cast %parallel_loop3A_502 : vector<1x16xf32> to vector<16xf32>
        %parallel_loop3A_504 = vector.broadcast %scan3A : f32 to vector<16xf32>
        %parallel_loop3A_505 = arith.mulf %parallel_loop3A_503, %parallel_loop3A_504 : vector<16xf32>
        %parallel_loop3A_506 = arith.index_cast %parallel_loop3A_477 : i32 to index
        %parallel_loop3A_507 = arith.constant 32 : index
        %parallel_loop3A_508 = tpu.vector_load %arg13[%parallel_loop3A_506, %parallel_loop3A_507] {strides = array<i32>} : memref<64x128xf32, #tpu.memory_space<vmem>>, vector<1x16xf32>,
        %parallel_loop3A_509 = vector.shape_cast %parallel_loop3A_508 : vector<1x16xf32> to vector<16xf32>
        %parallel_loop3A_510 = vector.shape_cast %parallel_loop3A_505 : vector<16xf32> to vector<1x16xf32>
        tpu.vector_store %arg13[%parallel_loop3A_506, %parallel_loop3A_507], %parallel_loop3A_510 {strides = array<i32>} : memref<64x128xf32, #tpu.memory_space<vmem>>, vector<1x16xf32>,
        %parallel_loop3A_511 = arith.index_cast %parallel_loop3A_477 : i32 to index
        %parallel_loop3A_512 = arith.constant 48 : index
        %parallel_loop3A_513 = tpu.vector_load %arg13[%parallel_loop3A_511, %parallel_loop3A_512] {strides = array<i32>} : memref<64x128xf32, #tpu.memory_space<vmem>>, vector<1x16xf32>,
        %parallel_loop3A_514 = vector.shape_cast %parallel_loop3A_513 : vector<1x16xf32> to vector<16xf32>
        %parallel_loop3A_515 = vector.broadcast %scan3A : f32 to vector<16xf32>
        %parallel_loop3A_516 = arith.mulf %parallel_loop3A_514, %parallel_loop3A_515 : vector<16xf32>
        %parallel_loop3A_517 = arith.index_cast %parallel_loop3A_477 : i32 to index
        %parallel_loop3A_518 = arith.constant 48 : index
        %parallel_loop3A_519 = tpu.vector_load %arg13[%parallel_loop3A_517, %parallel_loop3A_518] {strides = array<i32>} : memref<64x128xf32, #tpu.memory_space<vmem>>, vector<1x16xf32>,
        %parallel_loop3A_520 = vector.shape_cast %parallel_loop3A_519 : vector<1x16xf32> to vector<16xf32>
        %parallel_loop3A_521 = vector.shape_cast %parallel_loop3A_516 : vector<16xf32> to vector<1x16xf32>
        tpu.vector_store %arg13[%parallel_loop3A_517, %parallel_loop3A_518], %parallel_loop3A_521 {strides = array<i32>} : memref<64x128xf32, #tpu.memory_space<vmem>>, vector<1x16xf32>,
        %parallel_loop3A_522 = arith.index_cast %parallel_loop3A_477 : i32 to index
        %parallel_loop3A_523 = arith.constant 64 : index
        %parallel_loop3A_524 = tpu.vector_load %arg13[%parallel_loop3A_522, %parallel_loop3A_523] {strides = array<i32>} : memref<64x128xf32, #tpu.memory_space<vmem>>, vector<1x16xf32>,
        %parallel_loop3A_525 = vector.shape_cast %parallel_loop3A_524 : vector<1x16xf32> to vector<16xf32>
        %parallel_loop3A_526 = vector.broadcast %scan3A : f32 to vector<16xf32>
        %parallel_loop3A_527 = arith.mulf %parallel_loop3A_525, %parallel_loop3A_526 : vector<16xf32>
        %parallel_loop3A_528 = arith.index_cast %parallel_loop3A_477 : i32 to index
        %parallel_loop3A_529 = arith.constant 64 : index
        %parallel_loop3A_530 = tpu.vector_load %arg13[%parallel_loop3A_528, %parallel_loop3A_529] {strides = array<i32>} : memref<64x128xf32, #tpu.memory_space<vmem>>, vector<1x16xf32>,
        %parallel_loop3A_531 = vector.shape_cast %parallel_loop3A_530 : vector<1x16xf32> to vector<16xf32>
        %parallel_loop3A_532 = vector.shape_cast %parallel_loop3A_527 : vector<16xf32> to vector<1x16xf32>
        tpu.vector_store %arg13[%parallel_loop3A_528, %parallel_loop3A_529], %parallel_loop3A_532 {strides = array<i32>} : memref<64x128xf32, #tpu.memory_space<vmem>>, vector<1x16xf32>,
        %parallel_loop3A_533 = arith.index_cast %parallel_loop3A_477 : i32 to index
        %parallel_loop3A_534 = arith.constant 80 : index
        %parallel_loop3A_535 = tpu.vector_load %arg13[%parallel_loop3A_533, %parallel_loop3A_534] {strides = array<i32>} : memref<64x128xf32, #tpu.memory_space<vmem>>, vector<1x16xf32>,
        %parallel_loop3A_536 = vector.shape_cast %parallel_loop3A_535 : vector<1x16xf32> to vector<16xf32>
        %parallel_loop3A_537 = vector.broadcast %scan3A : f32 to vector<16xf32>
        %parallel_loop3A_538 = arith.mulf %parallel_loop3A_536, %parallel_loop3A_537 : vector<16xf32>
        %parallel_loop3A_539 = arith.index_cast %parallel_loop3A_477 : i32 to index
        %parallel_loop3A_540 = arith.constant 80 : index
        %parallel_loop3A_541 = tpu.vector_load %arg13[%parallel_loop3A_539, %parallel_loop3A_540] {strides = array<i32>} : memref<64x128xf32, #tpu.memory_space<vmem>>, vector<1x16xf32>,
        %parallel_loop3A_542 = vector.shape_cast %parallel_loop3A_541 : vector<1x16xf32> to vector<16xf32>
        %parallel_loop3A_543 = vector.shape_cast %parallel_loop3A_538 : vector<16xf32> to vector<1x16xf32>
        tpu.vector_store %arg13[%parallel_loop3A_539, %parallel_loop3A_540], %parallel_loop3A_543 {strides = array<i32>} : memref<64x128xf32, #tpu.memory_space<vmem>>, vector<1x16xf32>,
        %parallel_loop3A_544 = arith.index_cast %parallel_loop3A_477 : i32 to index
        %parallel_loop3A_545 = arith.constant 96 : index
        %parallel_loop3A_546 = tpu.vector_load %arg13[%parallel_loop3A_544, %parallel_loop3A_545] {strides = array<i32>} : memref<64x128xf32, #tpu.memory_space<vmem>>, vector<1x16xf32>,
        %parallel_loop3A_547 = vector.shape_cast %parallel_loop3A_546 : vector<1x16xf32> to vector<16xf32>
        %parallel_loop3A_548 = vector.broadcast %scan3A : f32 to vector<16xf32>
        %parallel_loop3A_549 = arith.mulf %parallel_loop3A_547, %parallel_loop3A_548 : vector<16xf32>
        %parallel_loop3A_550 = arith.index_cast %parallel_loop3A_477 : i32 to index
        %parallel_loop3A_551 = arith.constant 96 : index
        %parallel_loop3A_552 = tpu.vector_load %arg13[%parallel_loop3A_550, %parallel_loop3A_551] {strides = array<i32>} : memref<64x128xf32, #tpu.memory_space<vmem>>, vector<1x16xf32>,
        %parallel_loop3A_553 = vector.shape_cast %parallel_loop3A_552 : vector<1x16xf32> to vector<16xf32>
        %parallel_loop3A_554 = vector.shape_cast %parallel_loop3A_549 : vector<16xf32> to vector<1x16xf32>
        tpu.vector_store %arg13[%parallel_loop3A_550, %parallel_loop3A_551], %parallel_loop3A_554 {strides = array<i32>} : memref<64x128xf32, #tpu.memory_space<vmem>>, vector<1x16xf32>,
        %parallel_loop3A_555 = arith.index_cast %parallel_loop3A_477 : i32 to index
        %parallel_loop3A_556 = arith.constant 112 : index
        %parallel_loop3A_557 = tpu.vector_load %arg13[%parallel_loop3A_555, %parallel_loop3A_556] {strides = array<i32>} : memref<64x128xf32, #tpu.memory_space<vmem>>, vector<1x16xf32>,
        %parallel_loop3A_558 = vector.shape_cast %parallel_loop3A_557 : vector<1x16xf32> to vector<16xf32>
        %parallel_loop3A_559 = vector.broadcast %scan3A : f32 to vector<16xf32>
        %parallel_loop3A_560 = arith.mulf %parallel_loop3A_558, %parallel_loop3A_559 : vector<16xf32>
        %parallel_loop3A_561 = arith.index_cast %parallel_loop3A_477 : i32 to index
        %parallel_loop3A_562 = arith.constant 112 : index
        %parallel_loop3A_563 = tpu.vector_load %arg13[%parallel_loop3A_561, %parallel_loop3A_562] {strides = array<i32>} : memref<64x128xf32, #tpu.memory_space<vmem>>, vector<1x16xf32>,
        %parallel_loop3A_564 = vector.shape_cast %parallel_loop3A_563 : vector<1x16xf32> to vector<16xf32>
        %parallel_loop3A_565 = vector.shape_cast %parallel_loop3A_560 : vector<16xf32> to vector<1x16xf32>
        tpu.vector_store %arg13[%parallel_loop3A_561, %parallel_loop3A_562], %parallel_loop3A_565 {strides = array<i32>} : memref<64x128xf32, #tpu.memory_space<vmem>>, vector<1x16xf32>,
      } {sc.loop_unroll_factor = 2 : i64, sc.parallel_access}
      %shift_right_arithmetic3A_396 = arith.constant 1 : i32
      %shift_right_arithmetic3A_397 = arith.shrsi %add3A_376, %shift_right_arithmetic3A_396 : i32
      %and3A_398 = arith.constant 1 : i32
      %and3A_399 = arith.andi %add3A_376, %and3A_398 : i32
      %mul3A_400 = arith.constant 64 : i32
      %mul3A_401 = arith.muli %and3A_399, %mul3A_400 : i32
      %add3A_402 = arith.addi %mul3A_2, %mul3A_401 : i32
      %dma_start3A_403 = arith.constant 0 : i32
      %dma_start3A_404 = tpu.memref_slice %arg4[%shift_right_arithmetic3A_397, %add3A_402, %dma_start3A_403] : memref<50x4096x128xf32, #tpu.memory_space<hbm>> -> memref<1x64x128xf32, #tpu.memory_space<hbm>>
      %dma_start3A_405 = tpu.memref_squeeze %dma_start3A_404 : memref<1x64x128xf32, #tpu.memory_space<hbm>> -> memref<64x128xf32, #tpu.memory_space<hbm>>
      %dma_start3A_406 = arith.constant 0 : i32
      %dma_start3A_407 = tpu.memref_slice %arg4[%shift_right_arithmetic3A_397, %add3A_402, %dma_start3A_406] : memref<50x4096x128xf32, #tpu.memory_space<hbm>> -> memref<1x64x128xf32, #tpu.memory_space<hbm>>
      %dma_start3A_408 = tpu.memref_squeeze %dma_start3A_407 : memref<1x64x128xf32, #tpu.memory_space<hbm>> -> memref<64x128xf32, #tpu.memory_space<hbm>>
      tpu.enqueue_dma source(%arg13 : memref<64x128xf32, #tpu.memory_space<vmem>>) target(%dma_start3A_408 : memref<64x128xf32, #tpu.memory_space<hbm>>) target_semaphore(%arg33 : memref<!tpu.dma_semaphore, #tpu.memory_space<semaphore_mem>>)
      %add3A_409 = arith.constant 8 : i32
      %add3A_410 = arith.addi %add3A_143, %add3A_409 : i32
      %add3A_411 = arith.constant 10 : i32
      %add3A_412 = arith.addi %add3A_410, %add3A_411 : i32
      %sub3A_413 = arith.constant 1 : i32
      %sub3A_414 = arith.subi %add3A_412, %sub3A_413 : i32
      %lt3A_415 = arith.constant 100 : i32
      %lt3A_416 = arith.cmpi slt, %sub3A_414, %lt3A_415 : i32
      %convert_element_type3A_417 = arith.extui %lt3A_416 : i1 to i32
      %cond3A_418 = arith.constant 0 : i32
      %cond3A_419 = arith.cmpi ne, %convert_element_type3A_417, %cond3A_418 : i32
      scf.if %cond3A_419 {
        %ge3A = arith.constant 1 : i32
        %ge3A_477 = arith.cmpi sge, %add3A_410, %ge3A : i32
        %convert_element_type3A_478 = arith.extui %ge3A_477 : i1 to i32
        %cond3A_479 = arith.constant 0 : i32
        %cond3A_480 = arith.cmpi ne, %convert_element_type3A_478, %cond3A_479 : i32
        scf.if %cond3A_480 {
          %dma_wait3A_496 = arith.constant 0 : i32
          %dma_wait3A_497 = arith.constant 0 : i32
          %dma_wait3A_498 = tpu.memref_slice %arg4[%dma_wait3A_496, %mul3A_2, %dma_wait3A_497] : memref<50x4096x128xf32, #tpu.memory_space<hbm>> -> memref<1x64x128xf32, #tpu.memory_space<hbm>>
          %dma_wait3A_499 = tpu.memref_squeeze %dma_wait3A_498 : memref<1x64x128xf32, #tpu.memory_space<hbm>> -> memref<64x128xf32, #tpu.memory_space<hbm>>
          %dma_wait3A_500 = arith.constant 0 : i32
          %dma_wait3A_501 = tpu.memref_slice %arg4[%dma_wait3A_496, %mul3A_2, %dma_wait3A_500] : memref<50x4096x128xf32, #tpu.memory_space<hbm>> -> memref<1x64x128xf32, #tpu.memory_space<hbm>>
          %dma_wait3A_502 = tpu.memref_squeeze %dma_wait3A_501 : memref<1x64x128xf32, #tpu.memory_space<hbm>> -> memref<64x128xf32, #tpu.memory_space<hbm>>
          tpu.wait_dma2 semaphore(%arg33 : memref<!tpu.dma_semaphore, #tpu.memory_space<semaphore_mem>>) src(%arg13 : memref<64x128xf32, #tpu.memory_space<vmem>>) dst(%dma_wait3A_502 : memref<64x128xf32, #tpu.memory_space<hbm>>)
        } else {
        }
        %add3A_481 = arith.constant 10 : i32
        %add3A_482 = arith.addi %add3A_410, %add3A_481 : i32
        %sub3A_483 = arith.constant 1 : i32
        %sub3A_484 = arith.subi %add3A_482, %sub3A_483 : i32
        %shift_right_arithmetic3A_485 = arith.constant 1 : i32
        %shift_right_arithmetic3A_486 = arith.shrsi %sub3A_484, %shift_right_arithmetic3A_485 : i32
        %and3A_487 = arith.constant 1 : i32
        %and3A_488 = arith.andi %sub3A_484, %and3A_487 : i32
        %mul3A_489 = arith.constant 64 : i32
        %mul3A_490 = arith.muli %and3A_488, %mul3A_489 : i32
        %dma_start3A_491 = tpu.memref_slice %arg5[%shift_right_arithmetic3A_486, %mul3A_490] : memref<50x128xi32, #tpu.memory_space<vmem>> -> memref<1x64xi32, #tpu.memory_space<vmem>>
        %dma_start3A_492 = tpu.memref_squeeze %dma_start3A_491 : memref<1x64xi32, #tpu.memory_space<vmem>> -> memref<64xi32, #tpu.memory_space<vmem>>
        %dma_start3A_493 = arith.constant 0 : i32
        %dma_start3A_494 = arith.constant 0 : i32
        %dma_start3A_495 = tpu.memref_slice %arg3[%dma_start3A_493, %dma_start3A_494] : memref<100000x128xf32, #tpu.memory_space<hbm>> -> memref<100000x128xf32, #tpu.memory_space<hbm>>
        tpu.enqueue_indirect_dma source(%dma_start3A_495 : memref<100000x128xf32, #tpu.memory_space<hbm>>) target(%arg13 : memref<64x128xf32, #tpu.memory_space<vmem>>) offsets(%dma_start3A_492 : memref<64xi32, #tpu.memory_space<vmem>>) semaphore(%arg23 : memref<!tpu.dma_semaphore, #tpu.memory_space<semaphore_mem>>)
      } else {
      }
      %dma_wait3A_420 = arith.constant 0 : i32
      %dma_wait3A_421 = arith.constant 0 : i32
      %dma_wait3A_422 = tpu.memref_slice %arg5[%dma_wait3A_420, %dma_wait3A_421] : memref<50x128xi32, #tpu.memory_space<vmem>> -> memref<1x64xi32, #tpu.memory_space<vmem>>
      %dma_wait3A_423 = tpu.memref_squeeze %dma_wait3A_422 : memref<1x64xi32, #tpu.memory_space<vmem>> -> memref<64xi32, #tpu.memory_space<vmem>>
      %dma_wait3A_424 = arith.constant 0 : i32
      %dma_wait3A_425 = arith.constant 0 : i32
      %dma_wait3A_426 = tpu.memref_slice %arg3[%dma_wait3A_424, %dma_wait3A_425] : memref<100000x128xf32, #tpu.memory_space<hbm>> -> memref<100000x128xf32, #tpu.memory_space<hbm>>
      tpu.wait_indirect_dma semaphore(%arg24 : memref<!tpu.dma_semaphore, #tpu.memory_space<semaphore_mem>>) src(%dma_wait3A_426 : memref<100000x128xf32, #tpu.memory_space<hbm>>) dst(%arg14 : memref<64x128xf32, #tpu.memory_space<vmem>>)
      %parallel_loop3A_427 = arith.constant 0 : i32
      %parallel_loop3A_428 = arith.constant 64 : i32
      %parallel_loop3A_429 = arith.constant 1 : i32
      scf.for %parallel_loop3A_477 = %parallel_loop3A_427 to %parallel_loop3A_428 step %parallel_loop3A_429  : i32 {
        %parallel_loop3A_478 = arith.index_cast %parallel_loop3A_477 : i32 to index
        %parallel_loop3A_479 = arith.constant 0 : index
        %parallel_loop3A_480 = tpu.vector_load %arg14[%parallel_loop3A_478, %parallel_loop3A_479] {strides = array<i32>} : memref<64x128xf32, #tpu.memory_space<vmem>>, vector<1x16xf32>,
        %parallel_loop3A_481 = vector.shape_cast %parallel_loop3A_480 : vector<1x16xf32> to vector<16xf32>
        %parallel_loop3A_482 = vector.broadcast %scan3A : f32 to vector<16xf32>
        %parallel_loop3A_483 = arith.mulf %parallel_loop3A_481, %parallel_loop3A_482 : vector<16xf32>
        %parallel_loop3A_484 = arith.index_cast %parallel_loop3A_477 : i32 to index
        %parallel_loop3A_485 = arith.constant 0 : index
        %parallel_loop3A_486 = tpu.vector_load %arg14[%parallel_loop3A_484, %parallel_loop3A_485] {strides = array<i32>} : memref<64x128xf32, #tpu.memory_space<vmem>>, vector<1x16xf32>,
        %parallel_loop3A_487 = vector.shape_cast %parallel_loop3A_486 : vector<1x16xf32> to vector<16xf32>
        %parallel_loop3A_488 = vector.shape_cast %parallel_loop3A_483 : vector<16xf32> to vector<1x16xf32>
        tpu.vector_store %arg14[%parallel_loop3A_484, %parallel_loop3A_485], %parallel_loop3A_488 {strides = array<i32>} : memref<64x128xf32, #tpu.memory_space<vmem>>, vector<1x16xf32>,
        %parallel_loop3A_489 = arith.index_cast %parallel_loop3A_477 : i32 to index
        %parallel_loop3A_490 = arith.constant 16 : index
        %parallel_loop3A_491 = tpu.vector_load %arg14[%parallel_loop3A_489, %parallel_loop3A_490] {strides = array<i32>} : memref<64x128xf32, #tpu.memory_space<vmem>>, vector<1x16xf32>,
        %parallel_loop3A_492 = vector.shape_cast %parallel_loop3A_491 : vector<1x16xf32> to vector<16xf32>
        %parallel_loop3A_493 = vector.broadcast %scan3A : f32 to vector<16xf32>
        %parallel_loop3A_494 = arith.mulf %parallel_loop3A_492, %parallel_loop3A_493 : vector<16xf32>
        %parallel_loop3A_495 = arith.index_cast %parallel_loop3A_477 : i32 to index
        %parallel_loop3A_496 = arith.constant 16 : index
        %parallel_loop3A_497 = tpu.vector_load %arg14[%parallel_loop3A_495, %parallel_loop3A_496] {strides = array<i32>} : memref<64x128xf32, #tpu.memory_space<vmem>>, vector<1x16xf32>,
        %parallel_loop3A_498 = vector.shape_cast %parallel_loop3A_497 : vector<1x16xf32> to vector<16xf32>
        %parallel_loop3A_499 = vector.shape_cast %parallel_loop3A_494 : vector<16xf32> to vector<1x16xf32>
        tpu.vector_store %arg14[%parallel_loop3A_495, %parallel_loop3A_496], %parallel_loop3A_499 {strides = array<i32>} : memref<64x128xf32, #tpu.memory_space<vmem>>, vector<1x16xf32>,
        %parallel_loop3A_500 = arith.index_cast %parallel_loop3A_477 : i32 to index
        %parallel_loop3A_501 = arith.constant 32 : index
        %parallel_loop3A_502 = tpu.vector_load %arg14[%parallel_loop3A_500, %parallel_loop3A_501] {strides = array<i32>} : memref<64x128xf32, #tpu.memory_space<vmem>>, vector<1x16xf32>,
        %parallel_loop3A_503 = vector.shape_cast %parallel_loop3A_502 : vector<1x16xf32> to vector<16xf32>
        %parallel_loop3A_504 = vector.broadcast %scan3A : f32 to vector<16xf32>
        %parallel_loop3A_505 = arith.mulf %parallel_loop3A_503, %parallel_loop3A_504 : vector<16xf32>
        %parallel_loop3A_506 = arith.index_cast %parallel_loop3A_477 : i32 to index
        %parallel_loop3A_507 = arith.constant 32 : index
        %parallel_loop3A_508 = tpu.vector_load %arg14[%parallel_loop3A_506, %parallel_loop3A_507] {strides = array<i32>} : memref<64x128xf32, #tpu.memory_space<vmem>>, vector<1x16xf32>,
        %parallel_loop3A_509 = vector.shape_cast %parallel_loop3A_508 : vector<1x16xf32> to vector<16xf32>
        %parallel_loop3A_510 = vector.shape_cast %parallel_loop3A_505 : vector<16xf32> to vector<1x16xf32>
        tpu.vector_store %arg14[%parallel_loop3A_506, %parallel_loop3A_507], %parallel_loop3A_510 {strides = array<i32>} : memref<64x128xf32, #tpu.memory_space<vmem>>, vector<1x16xf32>,
        %parallel_loop3A_511 = arith.index_cast %parallel_loop3A_477 : i32 to index
        %parallel_loop3A_512 = arith.constant 48 : index
        %parallel_loop3A_513 = tpu.vector_load %arg14[%parallel_loop3A_511, %parallel_loop3A_512] {strides = array<i32>} : memref<64x128xf32, #tpu.memory_space<vmem>>, vector<1x16xf32>,
        %parallel_loop3A_514 = vector.shape_cast %parallel_loop3A_513 : vector<1x16xf32> to vector<16xf32>
        %parallel_loop3A_515 = vector.broadcast %scan3A : f32 to vector<16xf32>
        %parallel_loop3A_516 = arith.mulf %parallel_loop3A_514, %parallel_loop3A_515 : vector<16xf32>
        %parallel_loop3A_517 = arith.index_cast %parallel_loop3A_477 : i32 to index
        %parallel_loop3A_518 = arith.constant 48 : index
        %parallel_loop3A_519 = tpu.vector_load %arg14[%parallel_loop3A_517, %parallel_loop3A_518] {strides = array<i32>} : memref<64x128xf32, #tpu.memory_space<vmem>>, vector<1x16xf32>,
        %parallel_loop3A_520 = vector.shape_cast %parallel_loop3A_519 : vector<1x16xf32> to vector<16xf32>
        %parallel_loop3A_521 = vector.shape_cast %parallel_loop3A_516 : vector<16xf32> to vector<1x16xf32>
        tpu.vector_store %arg14[%parallel_loop3A_517, %parallel_loop3A_518], %parallel_loop3A_521 {strides = array<i32>} : memref<64x128xf32, #tpu.memory_space<vmem>>, vector<1x16xf32>,
        %parallel_loop3A_522 = arith.index_cast %parallel_loop3A_477 : i32 to index
        %parallel_loop3A_523 = arith.constant 64 : index
        %parallel_loop3A_524 = tpu.vector_load %arg14[%parallel_loop3A_522, %parallel_loop3A_523] {strides = array<i32>} : memref<64x128xf32, #tpu.memory_space<vmem>>, vector<1x16xf32>,
        %parallel_loop3A_525 = vector.shape_cast %parallel_loop3A_524 : vector<1x16xf32> to vector<16xf32>
        %parallel_loop3A_526 = vector.broadcast %scan3A : f32 to vector<16xf32>
        %parallel_loop3A_527 = arith.mulf %parallel_loop3A_525, %parallel_loop3A_526 : vector<16xf32>
        %parallel_loop3A_528 = arith.index_cast %parallel_loop3A_477 : i32 to index
        %parallel_loop3A_529 = arith.constant 64 : index
        %parallel_loop3A_530 = tpu.vector_load %arg14[%parallel_loop3A_528, %parallel_loop3A_529] {strides = array<i32>} : memref<64x128xf32, #tpu.memory_space<vmem>>, vector<1x16xf32>,
        %parallel_loop3A_531 = vector.shape_cast %parallel_loop3A_530 : vector<1x16xf32> to vector<16xf32>
        %parallel_loop3A_532 = vector.shape_cast %parallel_loop3A_527 : vector<16xf32> to vector<1x16xf32>
        tpu.vector_store %arg14[%parallel_loop3A_528, %parallel_loop3A_529], %parallel_loop3A_532 {strides = array<i32>} : memref<64x128xf32, #tpu.memory_space<vmem>>, vector<1x16xf32>,
        %parallel_loop3A_533 = arith.index_cast %parallel_loop3A_477 : i32 to index
        %parallel_loop3A_534 = arith.constant 80 : index
        %parallel_loop3A_535 = tpu.vector_load %arg14[%parallel_loop3A_533, %parallel_loop3A_534] {strides = array<i32>} : memref<64x128xf32, #tpu.memory_space<vmem>>, vector<1x16xf32>,
        %parallel_loop3A_536 = vector.shape_cast %parallel_loop3A_535 : vector<1x16xf32> to vector<16xf32>
        %parallel_loop3A_537 = vector.broadcast %scan3A : f32 to vector<16xf32>
        %parallel_loop3A_538 = arith.mulf %parallel_loop3A_536, %parallel_loop3A_537 : vector<16xf32>
        %parallel_loop3A_539 = arith.index_cast %parallel_loop3A_477 : i32 to index
        %parallel_loop3A_540 = arith.constant 80 : index
        %parallel_loop3A_541 = tpu.vector_load %arg14[%parallel_loop3A_539, %parallel_loop3A_540] {strides = array<i32>} : memref<64x128xf32, #tpu.memory_space<vmem>>, vector<1x16xf32>,
        %parallel_loop3A_542 = vector.shape_cast %parallel_loop3A_541 : vector<1x16xf32> to vector<16xf32>
        %parallel_loop3A_543 = vector.shape_cast %parallel_loop3A_538 : vector<16xf32> to vector<1x16xf32>
        tpu.vector_store %arg14[%parallel_loop3A_539, %parallel_loop3A_540], %parallel_loop3A_543 {strides = array<i32>} : memref<64x128xf32, #tpu.memory_space<vmem>>, vector<1x16xf32>,
        %parallel_loop3A_544 = arith.index_cast %parallel_loop3A_477 : i32 to index
        %parallel_loop3A_545 = arith.constant 96 : index
        %parallel_loop3A_546 = tpu.vector_load %arg14[%parallel_loop3A_544, %parallel_loop3A_545] {strides = array<i32>} : memref<64x128xf32, #tpu.memory_space<vmem>>, vector<1x16xf32>,
        %parallel_loop3A_547 = vector.shape_cast %parallel_loop3A_546 : vector<1x16xf32> to vector<16xf32>
        %parallel_loop3A_548 = vector.broadcast %scan3A : f32 to vector<16xf32>
        %parallel_loop3A_549 = arith.mulf %parallel_loop3A_547, %parallel_loop3A_548 : vector<16xf32>
        %parallel_loop3A_550 = arith.index_cast %parallel_loop3A_477 : i32 to index
        %parallel_loop3A_551 = arith.constant 96 : index
        %parallel_loop3A_552 = tpu.vector_load %arg14[%parallel_loop3A_550, %parallel_loop3A_551] {strides = array<i32>} : memref<64x128xf32, #tpu.memory_space<vmem>>, vector<1x16xf32>,
        %parallel_loop3A_553 = vector.shape_cast %parallel_loop3A_552 : vector<1x16xf32> to vector<16xf32>
        %parallel_loop3A_554 = vector.shape_cast %parallel_loop3A_549 : vector<16xf32> to vector<1x16xf32>
        tpu.vector_store %arg14[%parallel_loop3A_550, %parallel_loop3A_551], %parallel_loop3A_554 {strides = array<i32>} : memref<64x128xf32, #tpu.memory_space<vmem>>, vector<1x16xf32>,
        %parallel_loop3A_555 = arith.index_cast %parallel_loop3A_477 : i32 to index
        %parallel_loop3A_556 = arith.constant 112 : index
        %parallel_loop3A_557 = tpu.vector_load %arg14[%parallel_loop3A_555, %parallel_loop3A_556] {strides = array<i32>} : memref<64x128xf32, #tpu.memory_space<vmem>>, vector<1x16xf32>,
        %parallel_loop3A_558 = vector.shape_cast %parallel_loop3A_557 : vector<1x16xf32> to vector<16xf32>
        %parallel_loop3A_559 = vector.broadcast %scan3A : f32 to vector<16xf32>
        %parallel_loop3A_560 = arith.mulf %parallel_loop3A_558, %parallel_loop3A_559 : vector<16xf32>
        %parallel_loop3A_561 = arith.index_cast %parallel_loop3A_477 : i32 to index
        %parallel_loop3A_562 = arith.constant 112 : index
        %parallel_loop3A_563 = tpu.vector_load %arg14[%parallel_loop3A_561, %parallel_loop3A_562] {strides = array<i32>} : memref<64x128xf32, #tpu.memory_space<vmem>>, vector<1x16xf32>,
        %parallel_loop3A_564 = vector.shape_cast %parallel_loop3A_563 : vector<1x16xf32> to vector<16xf32>
        %parallel_loop3A_565 = vector.shape_cast %parallel_loop3A_560 : vector<16xf32> to vector<1x16xf32>
        tpu.vector_store %arg14[%parallel_loop3A_561, %parallel_loop3A_562], %parallel_loop3A_565 {strides = array<i32>} : memref<64x128xf32, #tpu.memory_space<vmem>>, vector<1x16xf32>,
      } {sc.loop_unroll_factor = 2 : i64, sc.parallel_access}
      %shift_right_arithmetic3A_430 = arith.constant 1 : i32
      %shift_right_arithmetic3A_431 = arith.shrsi %add3A_410, %shift_right_arithmetic3A_430 : i32
      %and3A_432 = arith.constant 1 : i32
      %and3A_433 = arith.andi %add3A_410, %and3A_432 : i32
      %mul3A_434 = arith.constant 64 : i32
      %mul3A_435 = arith.muli %and3A_433, %mul3A_434 : i32
      %add3A_436 = arith.addi %mul3A_2, %mul3A_435 : i32
      %dma_start3A_437 = arith.constant 0 : i32
      %dma_start3A_438 = tpu.memref_slice %arg4[%shift_right_arithmetic3A_431, %add3A_436, %dma_start3A_437] : memref<50x4096x128xf32, #tpu.memory_space<hbm>> -> memref<1x64x128xf32, #tpu.memory_space<hbm>>
      %dma_start3A_439 = tpu.memref_squeeze %dma_start3A_438 : memref<1x64x128xf32, #tpu.memory_space<hbm>> -> memref<64x128xf32, #tpu.memory_space<hbm>>
      %dma_start3A_440 = arith.constant 0 : i32
      %dma_start3A_441 = tpu.memref_slice %arg4[%shift_right_arithmetic3A_431, %add3A_436, %dma_start3A_440] : memref<50x4096x128xf32, #tpu.memory_space<hbm>> -> memref<1x64x128xf32, #tpu.memory_space<hbm>>
      %dma_start3A_442 = tpu.memref_squeeze %dma_start3A_441 : memref<1x64x128xf32, #tpu.memory_space<hbm>> -> memref<64x128xf32, #tpu.memory_space<hbm>>
      tpu.enqueue_dma source(%arg14 : memref<64x128xf32, #tpu.memory_space<vmem>>) target(%dma_start3A_442 : memref<64x128xf32, #tpu.memory_space<hbm>>) target_semaphore(%arg34 : memref<!tpu.dma_semaphore, #tpu.memory_space<semaphore_mem>>)
      %add3A_443 = arith.constant 9 : i32
      %add3A_444 = arith.addi %add3A_143, %add3A_443 : i32
      %add3A_445 = arith.constant 10 : i32
      %add3A_446 = arith.addi %add3A_444, %add3A_445 : i32
      %sub3A_447 = arith.constant 1 : i32
      %sub3A_448 = arith.subi %add3A_446, %sub3A_447 : i32
      %lt3A_449 = arith.constant 100 : i32
      %lt3A_450 = arith.cmpi slt, %sub3A_448, %lt3A_449 : i32
      %convert_element_type3A_451 = arith.extui %lt3A_450 : i1 to i32
      %cond3A_452 = arith.constant 0 : i32
      %cond3A_453 = arith.cmpi ne, %convert_element_type3A_451, %cond3A_452 : i32
      scf.if %cond3A_453 {
        %ge3A = arith.constant 1 : i32
        %ge3A_477 = arith.cmpi sge, %add3A_444, %ge3A : i32
        %convert_element_type3A_478 = arith.extui %ge3A_477 : i1 to i32
        %cond3A_479 = arith.constant 0 : i32
        %cond3A_480 = arith.cmpi ne, %convert_element_type3A_478, %cond3A_479 : i32
        scf.if %cond3A_480 {
          %dma_wait3A_496 = arith.constant 0 : i32
          %dma_wait3A_497 = arith.constant 0 : i32
          %dma_wait3A_498 = tpu.memref_slice %arg4[%dma_wait3A_496, %mul3A_2, %dma_wait3A_497] : memref<50x4096x128xf32, #tpu.memory_space<hbm>> -> memref<1x64x128xf32, #tpu.memory_space<hbm>>
          %dma_wait3A_499 = tpu.memref_squeeze %dma_wait3A_498 : memref<1x64x128xf32, #tpu.memory_space<hbm>> -> memref<64x128xf32, #tpu.memory_space<hbm>>
          %dma_wait3A_500 = arith.constant 0 : i32
          %dma_wait3A_501 = tpu.memref_slice %arg4[%dma_wait3A_496, %mul3A_2, %dma_wait3A_500] : memref<50x4096x128xf32, #tpu.memory_space<hbm>> -> memref<1x64x128xf32, #tpu.memory_space<hbm>>
          %dma_wait3A_502 = tpu.memref_squeeze %dma_wait3A_501 : memref<1x64x128xf32, #tpu.memory_space<hbm>> -> memref<64x128xf32, #tpu.memory_space<hbm>>
          tpu.wait_dma2 semaphore(%arg34 : memref<!tpu.dma_semaphore, #tpu.memory_space<semaphore_mem>>) src(%arg14 : memref<64x128xf32, #tpu.memory_space<vmem>>) dst(%dma_wait3A_502 : memref<64x128xf32, #tpu.memory_space<hbm>>)
        } else {
        }
        %add3A_481 = arith.constant 10 : i32
        %add3A_482 = arith.addi %add3A_444, %add3A_481 : i32
        %sub3A_483 = arith.constant 1 : i32
        %sub3A_484 = arith.subi %add3A_482, %sub3A_483 : i32
        %shift_right_arithmetic3A_485 = arith.constant 1 : i32
        %shift_right_arithmetic3A_486 = arith.shrsi %sub3A_484, %shift_right_arithmetic3A_485 : i32
        %and3A_487 = arith.constant 1 : i32
        %and3A_488 = arith.andi %sub3A_484, %and3A_487 : i32
        %mul3A_489 = arith.constant 64 : i32
        %mul3A_490 = arith.muli %and3A_488, %mul3A_489 : i32
        %dma_start3A_491 = tpu.memref_slice %arg5[%shift_right_arithmetic3A_486, %mul3A_490] : memref<50x128xi32, #tpu.memory_space<vmem>> -> memref<1x64xi32, #tpu.memory_space<vmem>>
        %dma_start3A_492 = tpu.memref_squeeze %dma_start3A_491 : memref<1x64xi32, #tpu.memory_space<vmem>> -> memref<64xi32, #tpu.memory_space<vmem>>
        %dma_start3A_493 = arith.constant 0 : i32
        %dma_start3A_494 = arith.constant 0 : i32
        %dma_start3A_495 = tpu.memref_slice %arg3[%dma_start3A_493, %dma_start3A_494] : memref<100000x128xf32, #tpu.memory_space<hbm>> -> memref<100000x128xf32, #tpu.memory_space<hbm>>
        tpu.enqueue_indirect_dma source(%dma_start3A_495 : memref<100000x128xf32, #tpu.memory_space<hbm>>) target(%arg14 : memref<64x128xf32, #tpu.memory_space<vmem>>) offsets(%dma_start3A_492 : memref<64xi32, #tpu.memory_space<vmem>>) semaphore(%arg24 : memref<!tpu.dma_semaphore, #tpu.memory_space<semaphore_mem>>)
      } else {
      }
      %dma_wait3A_454 = arith.constant 0 : i32
      %dma_wait3A_455 = arith.constant 0 : i32
      %dma_wait3A_456 = tpu.memref_slice %arg5[%dma_wait3A_454, %dma_wait3A_455] : memref<50x128xi32, #tpu.memory_space<vmem>> -> memref<1x64xi32, #tpu.memory_space<vmem>>
      %dma_wait3A_457 = tpu.memref_squeeze %dma_wait3A_456 : memref<1x64xi32, #tpu.memory_space<vmem>> -> memref<64xi32, #tpu.memory_space<vmem>>
      %dma_wait3A_458 = arith.constant 0 : i32
      %dma_wait3A_459 = arith.constant 0 : i32
      %dma_wait3A_460 = tpu.memref_slice %arg3[%dma_wait3A_458, %dma_wait3A_459] : memref<100000x128xf32, #tpu.memory_space<hbm>> -> memref<100000x128xf32, #tpu.memory_space<hbm>>
      tpu.wait_indirect_dma semaphore(%arg25 : memref<!tpu.dma_semaphore, #tpu.memory_space<semaphore_mem>>) src(%dma_wait3A_460 : memref<100000x128xf32, #tpu.memory_space<hbm>>) dst(%arg15 : memref<64x128xf32, #tpu.memory_space<vmem>>)
      %parallel_loop3A_461 = arith.constant 0 : i32
      %parallel_loop3A_462 = arith.constant 64 : i32
      %parallel_loop3A_463 = arith.constant 1 : i32
      scf.for %parallel_loop3A_477 = %parallel_loop3A_461 to %parallel_loop3A_462 step %parallel_loop3A_463  : i32 {
        %parallel_loop3A_478 = arith.index_cast %parallel_loop3A_477 : i32 to index
        %parallel_loop3A_479 = arith.constant 0 : index
        %parallel_loop3A_480 = tpu.vector_load %arg15[%parallel_loop3A_478, %parallel_loop3A_479] {strides = array<i32>} : memref<64x128xf32, #tpu.memory_space<vmem>>, vector<1x16xf32>,
        %parallel_loop3A_481 = vector.shape_cast %parallel_loop3A_480 : vector<1x16xf32> to vector<16xf32>
        %parallel_loop3A_482 = vector.broadcast %scan3A : f32 to vector<16xf32>
        %parallel_loop3A_483 = arith.mulf %parallel_loop3A_481, %parallel_loop3A_482 : vector<16xf32>
        %parallel_loop3A_484 = arith.index_cast %parallel_loop3A_477 : i32 to index
        %parallel_loop3A_485 = arith.constant 0 : index
        %parallel_loop3A_486 = tpu.vector_load %arg15[%parallel_loop3A_484, %parallel_loop3A_485] {strides = array<i32>} : memref<64x128xf32, #tpu.memory_space<vmem>>, vector<1x16xf32>,
        %parallel_loop3A_487 = vector.shape_cast %parallel_loop3A_486 : vector<1x16xf32> to vector<16xf32>
        %parallel_loop3A_488 = vector.shape_cast %parallel_loop3A_483 : vector<16xf32> to vector<1x16xf32>
        tpu.vector_store %arg15[%parallel_loop3A_484, %parallel_loop3A_485], %parallel_loop3A_488 {strides = array<i32>} : memref<64x128xf32, #tpu.memory_space<vmem>>, vector<1x16xf32>,
        %parallel_loop3A_489 = arith.index_cast %parallel_loop3A_477 : i32 to index
        %parallel_loop3A_490 = arith.constant 16 : index
        %parallel_loop3A_491 = tpu.vector_load %arg15[%parallel_loop3A_489, %parallel_loop3A_490] {strides = array<i32>} : memref<64x128xf32, #tpu.memory_space<vmem>>, vector<1x16xf32>,
        %parallel_loop3A_492 = vector.shape_cast %parallel_loop3A_491 : vector<1x16xf32> to vector<16xf32>
        %parallel_loop3A_493 = vector.broadcast %scan3A : f32 to vector<16xf32>
        %parallel_loop3A_494 = arith.mulf %parallel_loop3A_492, %parallel_loop3A_493 : vector<16xf32>
        %parallel_loop3A_495 = arith.index_cast %parallel_loop3A_477 : i32 to index
        %parallel_loop3A_496 = arith.constant 16 : index
        %parallel_loop3A_497 = tpu.vector_load %arg15[%parallel_loop3A_495, %parallel_loop3A_496] {strides = array<i32>} : memref<64x128xf32, #tpu.memory_space<vmem>>, vector<1x16xf32>,
        %parallel_loop3A_498 = vector.shape_cast %parallel_loop3A_497 : vector<1x16xf32> to vector<16xf32>
        %parallel_loop3A_499 = vector.shape_cast %parallel_loop3A_494 : vector<16xf32> to vector<1x16xf32>
        tpu.vector_store %arg15[%parallel_loop3A_495, %parallel_loop3A_496], %parallel_loop3A_499 {strides = array<i32>} : memref<64x128xf32, #tpu.memory_space<vmem>>, vector<1x16xf32>,
        %parallel_loop3A_500 = arith.index_cast %parallel_loop3A_477 : i32 to index
        %parallel_loop3A_501 = arith.constant 32 : index
        %parallel_loop3A_502 = tpu.vector_load %arg15[%parallel_loop3A_500, %parallel_loop3A_501] {strides = array<i32>} : memref<64x128xf32, #tpu.memory_space<vmem>>, vector<1x16xf32>,
        %parallel_loop3A_503 = vector.shape_cast %parallel_loop3A_502 : vector<1x16xf32> to vector<16xf32>
        %parallel_loop3A_504 = vector.broadcast %scan3A : f32 to vector<16xf32>
        %parallel_loop3A_505 = arith.mulf %parallel_loop3A_503, %parallel_loop3A_504 : vector<16xf32>
        %parallel_loop3A_506 = arith.index_cast %parallel_loop3A_477 : i32 to index
        %parallel_loop3A_507 = arith.constant 32 : index
        %parallel_loop3A_508 = tpu.vector_load %arg15[%parallel_loop3A_506, %parallel_loop3A_507] {strides = array<i32>} : memref<64x128xf32, #tpu.memory_space<vmem>>, vector<1x16xf32>,
        %parallel_loop3A_509 = vector.shape_cast %parallel_loop3A_508 : vector<1x16xf32> to vector<16xf32>
        %parallel_loop3A_510 = vector.shape_cast %parallel_loop3A_505 : vector<16xf32> to vector<1x16xf32>
        tpu.vector_store %arg15[%parallel_loop3A_506, %parallel_loop3A_507], %parallel_loop3A_510 {strides = array<i32>} : memref<64x128xf32, #tpu.memory_space<vmem>>, vector<1x16xf32>,
        %parallel_loop3A_511 = arith.index_cast %parallel_loop3A_477 : i32 to index
        %parallel_loop3A_512 = arith.constant 48 : index
        %parallel_loop3A_513 = tpu.vector_load %arg15[%parallel_loop3A_511, %parallel_loop3A_512] {strides = array<i32>} : memref<64x128xf32, #tpu.memory_space<vmem>>, vector<1x16xf32>,
        %parallel_loop3A_514 = vector.shape_cast %parallel_loop3A_513 : vector<1x16xf32> to vector<16xf32>
        %parallel_loop3A_515 = vector.broadcast %scan3A : f32 to vector<16xf32>
        %parallel_loop3A_516 = arith.mulf %parallel_loop3A_514, %parallel_loop3A_515 : vector<16xf32>
        %parallel_loop3A_517 = arith.index_cast %parallel_loop3A_477 : i32 to index
        %parallel_loop3A_518 = arith.constant 48 : index
        %parallel_loop3A_519 = tpu.vector_load %arg15[%parallel_loop3A_517, %parallel_loop3A_518] {strides = array<i32>} : memref<64x128xf32, #tpu.memory_space<vmem>>, vector<1x16xf32>,
        %parallel_loop3A_520 = vector.shape_cast %parallel_loop3A_519 : vector<1x16xf32> to vector<16xf32>
        %parallel_loop3A_521 = vector.shape_cast %parallel_loop3A_516 : vector<16xf32> to vector<1x16xf32>
        tpu.vector_store %arg15[%parallel_loop3A_517, %parallel_loop3A_518], %parallel_loop3A_521 {strides = array<i32>} : memref<64x128xf32, #tpu.memory_space<vmem>>, vector<1x16xf32>,
        %parallel_loop3A_522 = arith.index_cast %parallel_loop3A_477 : i32 to index
        %parallel_loop3A_523 = arith.constant 64 : index
        %parallel_loop3A_524 = tpu.vector_load %arg15[%parallel_loop3A_522, %parallel_loop3A_523] {strides = array<i32>} : memref<64x128xf32, #tpu.memory_space<vmem>>, vector<1x16xf32>,
        %parallel_loop3A_525 = vector.shape_cast %parallel_loop3A_524 : vector<1x16xf32> to vector<16xf32>
        %parallel_loop3A_526 = vector.broadcast %scan3A : f32 to vector<16xf32>
        %parallel_loop3A_527 = arith.mulf %parallel_loop3A_525, %parallel_loop3A_526 : vector<16xf32>
        %parallel_loop3A_528 = arith.index_cast %parallel_loop3A_477 : i32 to index
        %parallel_loop3A_529 = arith.constant 64 : index
        %parallel_loop3A_530 = tpu.vector_load %arg15[%parallel_loop3A_528, %parallel_loop3A_529] {strides = array<i32>} : memref<64x128xf32, #tpu.memory_space<vmem>>, vector<1x16xf32>,
        %parallel_loop3A_531 = vector.shape_cast %parallel_loop3A_530 : vector<1x16xf32> to vector<16xf32>
        %parallel_loop3A_532 = vector.shape_cast %parallel_loop3A_527 : vector<16xf32> to vector<1x16xf32>
        tpu.vector_store %arg15[%parallel_loop3A_528, %parallel_loop3A_529], %parallel_loop3A_532 {strides = array<i32>} : memref<64x128xf32, #tpu.memory_space<vmem>>, vector<1x16xf32>,
        %parallel_loop3A_533 = arith.index_cast %parallel_loop3A_477 : i32 to index
        %parallel_loop3A_534 = arith.constant 80 : index
        %parallel_loop3A_535 = tpu.vector_load %arg15[%parallel_loop3A_533, %parallel_loop3A_534] {strides = array<i32>} : memref<64x128xf32, #tpu.memory_space<vmem>>, vector<1x16xf32>,
        %parallel_loop3A_536 = vector.shape_cast %parallel_loop3A_535 : vector<1x16xf32> to vector<16xf32>
        %parallel_loop3A_537 = vector.broadcast %scan3A : f32 to vector<16xf32>
        %parallel_loop3A_538 = arith.mulf %parallel_loop3A_536, %parallel_loop3A_537 : vector<16xf32>
        %parallel_loop3A_539 = arith.index_cast %parallel_loop3A_477 : i32 to index
        %parallel_loop3A_540 = arith.constant 80 : index
        %parallel_loop3A_541 = tpu.vector_load %arg15[%parallel_loop3A_539, %parallel_loop3A_540] {strides = array<i32>} : memref<64x128xf32, #tpu.memory_space<vmem>>, vector<1x16xf32>,
        %parallel_loop3A_542 = vector.shape_cast %parallel_loop3A_541 : vector<1x16xf32> to vector<16xf32>
        %parallel_loop3A_543 = vector.shape_cast %parallel_loop3A_538 : vector<16xf32> to vector<1x16xf32>
        tpu.vector_store %arg15[%parallel_loop3A_539, %parallel_loop3A_540], %parallel_loop3A_543 {strides = array<i32>} : memref<64x128xf32, #tpu.memory_space<vmem>>, vector<1x16xf32>,
        %parallel_loop3A_544 = arith.index_cast %parallel_loop3A_477 : i32 to index
        %parallel_loop3A_545 = arith.constant 96 : index
        %parallel_loop3A_546 = tpu.vector_load %arg15[%parallel_loop3A_544, %parallel_loop3A_545] {strides = array<i32>} : memref<64x128xf32, #tpu.memory_space<vmem>>, vector<1x16xf32>,
        %parallel_loop3A_547 = vector.shape_cast %parallel_loop3A_546 : vector<1x16xf32> to vector<16xf32>
        %parallel_loop3A_548 = vector.broadcast %scan3A : f32 to vector<16xf32>
        %parallel_loop3A_549 = arith.mulf %parallel_loop3A_547, %parallel_loop3A_548 : vector<16xf32>
        %parallel_loop3A_550 = arith.index_cast %parallel_loop3A_477 : i32 to index
        %parallel_loop3A_551 = arith.constant 96 : index
        %parallel_loop3A_552 = tpu.vector_load %arg15[%parallel_loop3A_550, %parallel_loop3A_551] {strides = array<i32>} : memref<64x128xf32, #tpu.memory_space<vmem>>, vector<1x16xf32>,
        %parallel_loop3A_553 = vector.shape_cast %parallel_loop3A_552 : vector<1x16xf32> to vector<16xf32>
        %parallel_loop3A_554 = vector.shape_cast %parallel_loop3A_549 : vector<16xf32> to vector<1x16xf32>
        tpu.vector_store %arg15[%parallel_loop3A_550, %parallel_loop3A_551], %parallel_loop3A_554 {strides = array<i32>} : memref<64x128xf32, #tpu.memory_space<vmem>>, vector<1x16xf32>,
        %parallel_loop3A_555 = arith.index_cast %parallel_loop3A_477 : i32 to index
        %parallel_loop3A_556 = arith.constant 112 : index
        %parallel_loop3A_557 = tpu.vector_load %arg15[%parallel_loop3A_555, %parallel_loop3A_556] {strides = array<i32>} : memref<64x128xf32, #tpu.memory_space<vmem>>, vector<1x16xf32>,
        %parallel_loop3A_558 = vector.shape_cast %parallel_loop3A_557 : vector<1x16xf32> to vector<16xf32>
        %parallel_loop3A_559 = vector.broadcast %scan3A : f32 to vector<16xf32>
        %parallel_loop3A_560 = arith.mulf %parallel_loop3A_558, %parallel_loop3A_559 : vector<16xf32>
        %parallel_loop3A_561 = arith.index_cast %parallel_loop3A_477 : i32 to index
        %parallel_loop3A_562 = arith.constant 112 : index
        %parallel_loop3A_563 = tpu.vector_load %arg15[%parallel_loop3A_561, %parallel_loop3A_562] {strides = array<i32>} : memref<64x128xf32, #tpu.memory_space<vmem>>, vector<1x16xf32>,
        %parallel_loop3A_564 = vector.shape_cast %parallel_loop3A_563 : vector<1x16xf32> to vector<16xf32>
        %parallel_loop3A_565 = vector.shape_cast %parallel_loop3A_560 : vector<16xf32> to vector<1x16xf32>
        tpu.vector_store %arg15[%parallel_loop3A_561, %parallel_loop3A_562], %parallel_loop3A_565 {strides = array<i32>} : memref<64x128xf32, #tpu.memory_space<vmem>>, vector<1x16xf32>,
      } {sc.loop_unroll_factor = 2 : i64, sc.parallel_access}
      %shift_right_arithmetic3A_464 = arith.constant 1 : i32
      %shift_right_arithmetic3A_465 = arith.shrsi %add3A_444, %shift_right_arithmetic3A_464 : i32
      %and3A_466 = arith.constant 1 : i32
      %and3A_467 = arith.andi %add3A_444, %and3A_466 : i32
      %mul3A_468 = arith.constant 64 : i32
      %mul3A_469 = arith.muli %and3A_467, %mul3A_468 : i32
      %add3A_470 = arith.addi %mul3A_2, %mul3A_469 : i32
      %dma_start3A_471 = arith.constant 0 : i32
      %dma_start3A_472 = tpu.memref_slice %arg4[%shift_right_arithmetic3A_465, %add3A_470, %dma_start3A_471] : memref<50x4096x128xf32, #tpu.memory_space<hbm>> -> memref<1x64x128xf32, #tpu.memory_space<hbm>>
      %dma_start3A_473 = tpu.memref_squeeze %dma_start3A_472 : memref<1x64x128xf32, #tpu.memory_space<hbm>> -> memref<64x128xf32, #tpu.memory_space<hbm>>
      %dma_start3A_474 = arith.constant 0 : i32
      %dma_start3A_475 = tpu.memref_slice %arg4[%shift_right_arithmetic3A_465, %add3A_470, %dma_start3A_474] : memref<50x4096x128xf32, #tpu.memory_space<hbm>> -> memref<1x64x128xf32, #tpu.memory_space<hbm>>
      %dma_start3A_476 = tpu.memref_squeeze %dma_start3A_475 : memref<1x64x128xf32, #tpu.memory_space<hbm>> -> memref<64x128xf32, #tpu.memory_space<hbm>>
      tpu.enqueue_dma source(%arg15 : memref<64x128xf32, #tpu.memory_space<vmem>>) target(%dma_start3A_476 : memref<64x128xf32, #tpu.memory_space<hbm>>) target_semaphore(%arg35 : memref<!tpu.dma_semaphore, #tpu.memory_space<semaphore_mem>>)
    }
    %scan3A_69 = arith.constant 10 : i32
    %dma_wait3A = arith.constant 0 : i32
    %dma_wait3A_70 = arith.constant 0 : i32
    %dma_wait3A_71 = tpu.memref_slice %arg4[%dma_wait3A, %mul3A_2, %dma_wait3A_70] : memref<50x4096x128xf32, #tpu.memory_space<hbm>> -> memref<1x64x128xf32, #tpu.memory_space<hbm>>
    %dma_wait3A_72 = tpu.memref_squeeze %dma_wait3A_71 : memref<1x64x128xf32, #tpu.memory_space<hbm>> -> memref<64x128xf32, #tpu.memory_space<hbm>>
    %dma_wait3A_73 = arith.constant 0 : i32
    %dma_wait3A_74 = tpu.memref_slice %arg4[%dma_wait3A, %mul3A_2, %dma_wait3A_73] : memref<50x4096x128xf32, #tpu.memory_space<hbm>> -> memref<1x64x128xf32, #tpu.memory_space<hbm>>
    %dma_wait3A_75 = tpu.memref_squeeze %dma_wait3A_74 : memref<1x64x128xf32, #tpu.memory_space<hbm>> -> memref<64x128xf32, #tpu.memory_space<hbm>>
    tpu.wait_dma2 semaphore(%arg26 : memref<!tpu.dma_semaphore, #tpu.memory_space<semaphore_mem>>) src(%arg6 : memref<64x128xf32, #tpu.memory_space<vmem>>) dst(%dma_wait3A_75 : memref<64x128xf32, #tpu.memory_space<hbm>>)
    %dma_wait3A_76 = arith.constant 0 : i32
    %dma_wait3A_77 = arith.constant 0 : i32
    %dma_wait3A_78 = tpu.memref_slice %arg4[%dma_wait3A_76, %mul3A_2, %dma_wait3A_77] : memref<50x4096x128xf32, #tpu.memory_space<hbm>> -> memref<1x64x128xf32, #tpu.memory_space<hbm>>
    %dma_wait3A_79 = tpu.memref_squeeze %dma_wait3A_78 : memref<1x64x128xf32, #tpu.memory_space<hbm>> -> memref<64x128xf32, #tpu.memory_space<hbm>>
    %dma_wait3A_80 = arith.constant 0 : i32
    %dma_wait3A_81 = tpu.memref_slice %arg4[%dma_wait3A_76, %mul3A_2, %dma_wait3A_80] : memref<50x4096x128xf32, #tpu.memory_space<hbm>> -> memref<1x64x128xf32, #tpu.memory_space<hbm>>
    %dma_wait3A_82 = tpu.memref_squeeze %dma_wait3A_81 : memref<1x64x128xf32, #tpu.memory_space<hbm>> -> memref<64x128xf32, #tpu.memory_space<hbm>>
    tpu.wait_dma2 semaphore(%arg27 : memref<!tpu.dma_semaphore, #tpu.memory_space<semaphore_mem>>) src(%arg7 : memref<64x128xf32, #tpu.memory_space<vmem>>) dst(%dma_wait3A_82 : memref<64x128xf32, #tpu.memory_space<hbm>>)
    %dma_wait3A_83 = arith.constant 0 : i32
    %dma_wait3A_84 = arith.constant 0 : i32
    %dma_wait3A_85 = tpu.memref_slice %arg4[%dma_wait3A_83, %mul3A_2, %dma_wait3A_84] : memref<50x4096x128xf32, #tpu.memory_space<hbm>> -> memref<1x64x128xf32, #tpu.memory_space<hbm>>
    %dma_wait3A_86 = tpu.memref_squeeze %dma_wait3A_85 : memref<1x64x128xf32, #tpu.memory_space<hbm>> -> memref<64x128xf32, #tpu.memory_space<hbm>>
    %dma_wait3A_87 = arith.constant 0 : i32
    %dma_wait3A_88 = tpu.memref_slice %arg4[%dma_wait3A_83, %mul3A_2, %dma_wait3A_87] : memref<50x4096x128xf32, #tpu.memory_space<hbm>> -> memref<1x64x128xf32, #tpu.memory_space<hbm>>
    %dma_wait3A_89 = tpu.memref_squeeze %dma_wait3A_88 : memref<1x64x128xf32, #tpu.memory_space<hbm>> -> memref<64x128xf32, #tpu.memory_space<hbm>>
    tpu.wait_dma2 semaphore(%arg28 : memref<!tpu.dma_semaphore, #tpu.memory_space<semaphore_mem>>) src(%arg8 : memref<64x128xf32, #tpu.memory_space<vmem>>) dst(%dma_wait3A_89 : memref<64x128xf32, #tpu.memory_space<hbm>>)
    %dma_wait3A_90 = arith.constant 0 : i32
    %dma_wait3A_91 = arith.constant 0 : i32
    %dma_wait3A_92 = tpu.memref_slice %arg4[%dma_wait3A_90, %mul3A_2, %dma_wait3A_91] : memref<50x4096x128xf32, #tpu.memory_space<hbm>> -> memref<1x64x128xf32, #tpu.memory_space<hbm>>
    %dma_wait3A_93 = tpu.memref_squeeze %dma_wait3A_92 : memref<1x64x128xf32, #tpu.memory_space<hbm>> -> memref<64x128xf32, #tpu.memory_space<hbm>>
    %dma_wait3A_94 = arith.constant 0 : i32
    %dma_wait3A_95 = tpu.memref_slice %arg4[%dma_wait3A_90, %mul3A_2, %dma_wait3A_94] : memref<50x4096x128xf32, #tpu.memory_space<hbm>> -> memref<1x64x128xf32, #tpu.memory_space<hbm>>
    %dma_wait3A_96 = tpu.memref_squeeze %dma_wait3A_95 : memref<1x64x128xf32, #tpu.memory_space<hbm>> -> memref<64x128xf32, #tpu.memory_space<hbm>>
    tpu.wait_dma2 semaphore(%arg29 : memref<!tpu.dma_semaphore, #tpu.memory_space<semaphore_mem>>) src(%arg9 : memref<64x128xf32, #tpu.memory_space<vmem>>) dst(%dma_wait3A_96 : memref<64x128xf32, #tpu.memory_space<hbm>>)
    %dma_wait3A_97 = arith.constant 0 : i32
    %dma_wait3A_98 = arith.constant 0 : i32
    %dma_wait3A_99 = tpu.memref_slice %arg4[%dma_wait3A_97, %mul3A_2, %dma_wait3A_98] : memref<50x4096x128xf32, #tpu.memory_space<hbm>> -> memref<1x64x128xf32, #tpu.memory_space<hbm>>
    %dma_wait3A_100 = tpu.memref_squeeze %dma_wait3A_99 : memref<1x64x128xf32, #tpu.memory_space<hbm>> -> memref<64x128xf32, #tpu.memory_space<hbm>>
    %dma_wait3A_101 = arith.constant 0 : i32
    %dma_wait3A_102 = tpu.memref_slice %arg4[%dma_wait3A_97, %mul3A_2, %dma_wait3A_101] : memref<50x4096x128xf32, #tpu.memory_space<hbm>> -> memref<1x64x128xf32, #tpu.memory_space<hbm>>
    %dma_wait3A_103 = tpu.memref_squeeze %dma_wait3A_102 : memref<1x64x128xf32, #tpu.memory_space<hbm>> -> memref<64x128xf32, #tpu.memory_space<hbm>>
    tpu.wait_dma2 semaphore(%arg30 : memref<!tpu.dma_semaphore, #tpu.memory_space<semaphore_mem>>) src(%arg10 : memref<64x128xf32, #tpu.memory_space<vmem>>) dst(%dma_wait3A_103 : memref<64x128xf32, #tpu.memory_space<hbm>>)
    %dma_wait3A_104 = arith.constant 0 : i32
    %dma_wait3A_105 = arith.constant 0 : i32
    %dma_wait3A_106 = tpu.memref_slice %arg4[%dma_wait3A_104, %mul3A_2, %dma_wait3A_105] : memref<50x4096x128xf32, #tpu.memory_space<hbm>> -> memref<1x64x128xf32, #tpu.memory_space<hbm>>
    %dma_wait3A_107 = tpu.memref_squeeze %dma_wait3A_106 : memref<1x64x128xf32, #tpu.memory_space<hbm>> -> memref<64x128xf32, #tpu.memory_space<hbm>>
    %dma_wait3A_108 = arith.constant 0 : i32
    %dma_wait3A_109 = tpu.memref_slice %arg4[%dma_wait3A_104, %mul3A_2, %dma_wait3A_108] : memref<50x4096x128xf32, #tpu.memory_space<hbm>> -> memref<1x64x128xf32, #tpu.memory_space<hbm>>
    %dma_wait3A_110 = tpu.memref_squeeze %dma_wait3A_109 : memref<1x64x128xf32, #tpu.memory_space<hbm>> -> memref<64x128xf32, #tpu.memory_space<hbm>>
    tpu.wait_dma2 semaphore(%arg31 : memref<!tpu.dma_semaphore, #tpu.memory_space<semaphore_mem>>) src(%arg11 : memref<64x128xf32, #tpu.memory_space<vmem>>) dst(%dma_wait3A_110 : memref<64x128xf32, #tpu.memory_space<hbm>>)
    %dma_wait3A_111 = arith.constant 0 : i32
    %dma_wait3A_112 = arith.constant 0 : i32
    %dma_wait3A_113 = tpu.memref_slice %arg4[%dma_wait3A_111, %mul3A_2, %dma_wait3A_112] : memref<50x4096x128xf32, #tpu.memory_space<hbm>> -> memref<1x64x128xf32, #tpu.memory_space<hbm>>
    %dma_wait3A_114 = tpu.memref_squeeze %dma_wait3A_113 : memref<1x64x128xf32, #tpu.memory_space<hbm>> -> memref<64x128xf32, #tpu.memory_space<hbm>>
    %dma_wait3A_115 = arith.constant 0 : i32
    %dma_wait3A_116 = tpu.memref_slice %arg4[%dma_wait3A_111, %mul3A_2, %dma_wait3A_115] : memref<50x4096x128xf32, #tpu.memory_space<hbm>> -> memref<1x64x128xf32, #tpu.memory_space<hbm>>
    %dma_wait3A_117 = tpu.memref_squeeze %dma_wait3A_116 : memref<1x64x128xf32, #tpu.memory_space<hbm>> -> memref<64x128xf32, #tpu.memory_space<hbm>>
    tpu.wait_dma2 semaphore(%arg32 : memref<!tpu.dma_semaphore, #tpu.memory_space<semaphore_mem>>) src(%arg12 : memref<64x128xf32, #tpu.memory_space<vmem>>) dst(%dma_wait3A_117 : memref<64x128xf32, #tpu.memory_space<hbm>>)
    %dma_wait3A_118 = arith.constant 0 : i32
    %dma_wait3A_119 = arith.constant 0 : i32
    %dma_wait3A_120 = tpu.memref_slice %arg4[%dma_wait3A_118, %mul3A_2, %dma_wait3A_119] : memref<50x4096x128xf32, #tpu.memory_space<hbm>> -> memref<1x64x128xf32, #tpu.memory_space<hbm>>
    %dma_wait3A_121 = tpu.memref_squeeze %dma_wait3A_120 : memref<1x64x128xf32, #tpu.memory_space<hbm>> -> memref<64x128xf32, #tpu.memory_space<hbm>>
    %dma_wait3A_122 = arith.constant 0 : i32
    %dma_wait3A_123 = tpu.memref_slice %arg4[%dma_wait3A_118, %mul3A_2, %dma_wait3A_122] : memref<50x4096x128xf32, #tpu.memory_space<hbm>> -> memref<1x64x128xf32, #tpu.memory_space<hbm>>
    %dma_wait3A_124 = tpu.memref_squeeze %dma_wait3A_123 : memref<1x64x128xf32, #tpu.memory_space<hbm>> -> memref<64x128xf32, #tpu.memory_space<hbm>>
    tpu.wait_dma2 semaphore(%arg33 : memref<!tpu.dma_semaphore, #tpu.memory_space<semaphore_mem>>) src(%arg13 : memref<64x128xf32, #tpu.memory_space<vmem>>) dst(%dma_wait3A_124 : memref<64x128xf32, #tpu.memory_space<hbm>>)
    %dma_wait3A_125 = arith.constant 0 : i32
    %dma_wait3A_126 = arith.constant 0 : i32
    %dma_wait3A_127 = tpu.memref_slice %arg4[%dma_wait3A_125, %mul3A_2, %dma_wait3A_126] : memref<50x4096x128xf32, #tpu.memory_space<hbm>> -> memref<1x64x128xf32, #tpu.memory_space<hbm>>
    %dma_wait3A_128 = tpu.memref_squeeze %dma_wait3A_127 : memref<1x64x128xf32, #tpu.memory_space<hbm>> -> memref<64x128xf32, #tpu.memory_space<hbm>>
    %dma_wait3A_129 = arith.constant 0 : i32
    %dma_wait3A_130 = tpu.memref_slice %arg4[%dma_wait3A_125, %mul3A_2, %dma_wait3A_129] : memref<50x4096x128xf32, #tpu.memory_space<hbm>> -> memref<1x64x128xf32, #tpu.memory_space<hbm>>
    %dma_wait3A_131 = tpu.memref_squeeze %dma_wait3A_130 : memref<1x64x128xf32, #tpu.memory_space<hbm>> -> memref<64x128xf32, #tpu.memory_space<hbm>>
    tpu.wait_dma2 semaphore(%arg34 : memref<!tpu.dma_semaphore, #tpu.memory_space<semaphore_mem>>) src(%arg14 : memref<64x128xf32, #tpu.memory_space<vmem>>) dst(%dma_wait3A_131 : memref<64x128xf32, #tpu.memory_space<hbm>>)
    %dma_wait3A_132 = arith.constant 0 : i32
    %dma_wait3A_133 = arith.constant 0 : i32
    %dma_wait3A_134 = tpu.memref_slice %arg4[%dma_wait3A_132, %mul3A_2, %dma_wait3A_133] : memref<50x4096x128xf32, #tpu.memory_space<hbm>> -> memref<1x64x128xf32, #tpu.memory_space<hbm>>
    %dma_wait3A_135 = tpu.memref_squeeze %dma_wait3A_134 : memref<1x64x128xf32, #tpu.memory_space<hbm>> -> memref<64x128xf32, #tpu.memory_space<hbm>>
    %dma_wait3A_136 = arith.constant 0 : i32
    %dma_wait3A_137 = tpu.memref_slice %arg4[%dma_wait3A_132, %mul3A_2, %dma_wait3A_136] : memref<50x4096x128xf32, #tpu.memory_space<hbm>> -> memref<1x64x128xf32, #tpu.memory_space<hbm>>
    %dma_wait3A_138 = tpu.memref_squeeze %dma_wait3A_137 : memref<1x64x128xf32, #tpu.memory_space<hbm>> -> memref<64x128xf32, #tpu.memory_space<hbm>>
    tpu.wait_dma2 semaphore(%arg35 : memref<!tpu.dma_semaphore, #tpu.memory_space<semaphore_mem>>) src(%arg15 : memref<64x128xf32, #tpu.memory_space<vmem>>) dst(%dma_wait3A_138 : memref<64x128xf32, #tpu.memory_space<hbm>>)
    return
  }
}

</mosaic_0001>

<sc_bundles>
// kernel: kernel.3.cloned.1.call-start
scs
__scs_entry_jumppad:
0x0: {  	(pc) =	sbr.rel $0x88, $3  }
0x1: {  	(tag) =	ssettag $0x0;
	lr =	simm.s32 $0x1  }
0x2: {  	[smem:$0x3F9F] =	sst lr;
	_ =	strace $0xD0000000  }
0x3: {  	_ = 	snop  }
0x4: {  	_ = 	snop  }
0x5: {  	_ = 	snop  }
0x6: {  	_ = 	snop  }
0x7: {  	_ = 	snop  }
__scs_overlays_trampoline_lowered:
0x8: {  	[smem:$0x3FAE] =	sst s0  }
0x9: {  	[smem:$0x3FAF] =	sst s1  }
0xa: {  	[smem:$0x3FB0] =	sst s2  }
0xb: {  	[smem:$0x3FB1] =	sst s3  }
0xc: {  	[smem:$0x3FB2] =	sst s4  }
0xd: {  	[smem:$0x3FB3] =	sst s5  }
0xe: {  	[smem:$0x3FB4] =	sst s6  }
0xf: {  	[smem:$0x3FB5] =	sst s7  }
0x10: {  	[smem:$0x3FB6] =	sst s8  }
0x11: {  	[smem:$0x3FB7] =	sst s9;
	s0 =	simm.s32 @!p0 $0x0  }
0x12: {  	s1 =	sld [smem:$0x3F9D];
	s0 =	simm.s32 @p0 $0x1  }
0x13: {  	[smem:$0x3FB8] =	sst s0;
	s0 =	simm.s32 @!p1 $0x0  }
0x14: {  	s2 =	sld [smem:$0x3F9C];
	s0 =	simm.s32 @p1 $0x1  }
0x15: {  	[smem:$0x3FB9] =	sst s0;
	s0 =	simm.s32 @!p2 $0x0  }
0x16: {  	s3 =	sld [smem:$0x3FDB];
	s0 =	simm.s32 @p2 $0x1  }
0x17: {  	s4 =	simm.s32 $0x1BF5;
	[smem:$0x3FBB] =	sst s0  }
0x18: {  	s0 =	sld [smem:$0x3F9E];
	_ =	swait.ge [sflag:s4], $0x0  }
0x19: {  	s7 =	sld [smem:$0x3F9F]  }
0x1a: {  	s8 =	sadd.s32 $0xFFFFE003, lr  }
0x1b: {  	s9 =	sadd.s32 $0xFFFFFEF7, lr;
	s5 =	simm.s32 $0xFFFFFFFF;
	p2 =	slt.u32 s8, $0xFFFFF086  }
0x1c: {  	p1 =	slt.u32 s9, $0xF7A;
	s5 =	simm.s32 @!p2 $0x0  }
0x1d: {  	s5 =	simm.s32 @p1 $0x1;
	p0 =	seq.s32 s7, s2  }
0x1e: {  	s7 =	smul.u32 @!p0 $0xF7A, s2;
	p2 =	seq.s32 @!p0 s5, $0x0  }
0x1f: {  	s9 =	smul.u32 $0xF7A, s1;
	s8 =	simm.s32 @!p0 $0x1BF5;
	p2 =	por !p2, p0  }
0x20: {  	[sflag:s8] =	ssyncset.s32 @!p0 $0xFFFFF086;
	s6 =	sadd.s32 @!p0 s3, s7;
	s7 =	simm.s32 @!p0 $0x108  }
0x21: {  	s3 =	sadd.s32 s3, s9;
	s6 =	sadd.s32 @!p0 $0x88, s6;
	s7 =	simm.s32 @p2 $0x1082  }
0x22: {  	[simem:s7], [sflag:s8] =	dma.local @!p0 [hbm:s6], $0xF7A  }
0x23: {  	s9 =	sor.u32 $0xD0000000, s2;
	s6 =	simm.s32 $0x108;
	_ =	swait.ge @!p0 [sflag:s8], $0x0  }
0x24: {  	s3 =	sadd.s32 $0x88, s3;
	s6 =	simm.s32 @!p1 $0x1082;
	[sflag:s4] =	ssyncset.s32 $0xFFFFF086  }
0x25: {  	[simem:s6], [sflag:s4] =	dma.local [hbm:s3], $0xF7A  }
0x26: {  	[smem:$0x3F9F] =	sst s1;
	(tag) =	ssettag s2;
	_ =	strace s9  }
0x27: {  	s1 =	sld [smem:$0x3FAF]  }
0x28: {  	s2 =	sld [smem:$0x3FB0]  }
0x29: {  	s4 =	sld [smem:$0x3FB2]  }
0x2a: {  	p0 =	seq.s32 s5, $0x0;
	s5 =	sld [smem:$0x3FB3]  }
0x2b: {  	s6 =	sld [smem:$0x3FB4]  }
0x2c: {  	s7 =	sld [smem:$0x3FB5]  }
0x2d: {  	s3 =	simm.s32 $0x108;
	s8 =	sld [smem:$0x3FB6]  }
0x2e: {  	s3 =	simm.s32 @!p0 $0x1082;
	s9 =	sld [smem:$0x3FB7]  }
0x2f: {  	lr =	sadd.s32 s0, s3;
	s0 =	sld [smem:$0x3FAE]  }
0x30: {  	s3 =	sld [smem:$0x3FB1]  }
0x31: {  	[smem:$0x3FBA] =	sst s10  }
0x32: {  	s10 =	sld [smem:$0x3FB8];
	_ =	sdelay $0x3  }
0x33: {  	p0 =	seq.s32 s10, $0x1;
	s10 =	sld [smem:$0x3FBA];
	_ =	sdelay $0x3  }
0x34: {  	[smem:$0x3FBA] =	sst s10  }
0x35: {  	s10 =	sld [smem:$0x3FB9];
	_ =	sdelay $0x3  }
0x36: {  	p1 =	seq.s32 s10, $0x1;
	s10 =	sld [smem:$0x3FBA];
	_ =	sdelay $0x3  }
0x37: {  	[smem:$0x3FBA] =	sst s10  }
0x38: {  	s10 =	sld [smem:$0x3FBB]  }
0x39: {  	_ = 	snop;
	(pc) =	sbr.ind lr, $3  }
0x3a: {  	_ = 	snop  }
0x3b: {  	_ = 	snop  }
0x3c: {  	p2 =	seq.s32 s10, $0x1;
	s10 =	sld [smem:$0x3FBA]  }
0x3d: {  	_ =	shalt  }
0x3e: {  	_ =	shalt  }
0x3f: {  	_ =	shalt  }
0x40: {  	_ =	shalt  }
0x41: {  	_ =	shalt  }
0x42: {  	_ =	shalt  }
0x43: {  	_ =	shalt  }
0x44: {  	_ =	shalt  }
0x45: {  	_ =	shalt  }
0x46: {  	_ =	shalt  }
0x47: {  	_ =	shalt  }
0x48: {  	_ =	shalt  }
0x49: {  	_ =	shalt  }
0x4a: {  	_ =	shalt  }
0x4b: {  	_ =	shalt  }
0x4c: {  	_ =	shalt  }
0x4d: {  	_ =	shalt  }
0x4e: {  	_ =	shalt  }
0x4f: {  	_ =	shalt  }
0x50: {  	_ =	shalt  }
0x51: {  	_ =	shalt  }
0x52: {  	_ =	shalt  }
0x53: {  	_ =	shalt  }
0x54: {  	_ =	shalt  }
0x55: {  	_ =	shalt  }
0x56: {  	_ =	shalt  }
0x57: {  	_ =	shalt  }
0x58: {  	_ =	shalt  }
0x59: {  	_ =	shalt  }
0x5a: {  	_ =	shalt  }
0x5b: {  	_ =	shalt  }
0x5c: {  	_ =	shalt  }
0x5d: {  	_ =	shalt  }
0x5e: {  	_ =	shalt  }
0x5f: {  	_ =	shalt  }
0x60: {  	_ =	shalt  }
0x61: {  	_ =	shalt  }
0x62: {  	_ =	shalt  }
0x63: {  	_ =	shalt  }
0x64: {  	_ =	shalt  }
0x65: {  	_ =	shalt  }
0x66: {  	_ =	shalt  }
0x67: {  	_ =	shalt  }
0x68: {  	_ =	shalt  }
0x69: {  	_ =	shalt  }
0x6a: {  	_ =	shalt  }
0x6b: {  	_ =	shalt  }
0x6c: {  	_ =	shalt  }
0x6d: {  	_ =	shalt  }
0x6e: {  	_ =	shalt  }
0x6f: {  	_ =	shalt  }
0x70: {  	_ =	shalt  }
0x71: {  	_ =	shalt  }
0x72: {  	_ =	shalt  }
0x73: {  	_ =	shalt  }
0x74: {  	_ =	shalt  }
0x75: {  	_ =	shalt  }
0x76: {  	_ =	shalt  }
0x77: {  	_ =	shalt  }
0x78: {  	_ =	shalt  }
0x79: {  	_ =	shalt  }
0x7a: {  	_ =	shalt  }
0x7b: {  	_ =	shalt  }
0x7c: {  	_ =	shalt  }
0x7d: {  	_ =	shalt  }
0x7e: {  	_ =	shalt  }
0x7f: {  	_ =	shalt  }
0x80: {  	_ =	shalt  }
0x81: {  	_ =	shalt  }
0x82: {  	_ =	shalt  }
0x83: {  	_ =	shalt  }
0x84: {  	_ =	shalt  }
0x85: {  	_ =	shalt  }
0x86: {  	_ =	shalt  }
0x87: {  	_ =	shalt  }
.Lfunc_end0:
.L_simem_size_0:
called_computation_lowered:
.L_overlay_start_0:
0x88: {  	s2 =	sld [smem:$0x3FD9]  }
0x89: {  	s3 =	sld [smem:$0x3FFE];
	_ =	sdelay $0x1  }
0x8a: {  	s1 =	srdreg.scid  }
0x8b: {  	s0 =	sand.u32 $0x1, s1  }
0x8c: {  	s18 =	sshll.u32 s0, $0xA;
	s2 =	sadd.s32 s3, s2  }
0x8d: {  	s2 =	sadd.s32 s2, s18  }
0x8e: {  	[smem:$0x3FC6] =	sst s2  }
0x8f: {  	_ = 	snop  }
0x90: {  	s2 =	sld [smem:$0x3FC9]  }
0x91: {  	s19 =	sld [smem:$0x3FC8]  }
0x92: {  	s4 =	sld [smem:$0x3FD0];
	(tm) =	ssettm $0x1  }
0x93: {  	s5 =	sld [smem:$0x3FFB];
	_ =	sdelay $0x3  }
0x94: {  	_ =	strace s5  }
0x95: {  	s5 =	sld [smem:$0x3FFC];
	_ =	sdelay $0x3  }
0x96: {  	_ =	strace s5  }
0x97: {  	s5 =	sld [smem:$0x3FFD];
	_ =	sdelay $0x3  }
0x98: {  	_ =	strace s5  }
0x99: {  	_ =	strace $0x8FFFFFFF  }
0x9a: {  	s20 =	sld [smem:$0x3FDB];
	_ =	sdelay $0x1  }
0x9b: {  	s6 =	simm.s32 $_scs_section_size  }
0x9c: {  	s7 =	simm.s32 $_size__tile_overlayer_lowered;
	s8 =	simm.s32 $_tile_overlayer_lowered  }
0x9d: {  	s23 =	simm.s32 $0x1BFF;
	s22 =	sshll.u32 s8, $0x1;
	s5 =	sadd.s32 s6, s20  }
0x9e: {  	s9 =	simm.s32 $0x0;
	s21 =	sshll.u32 s7, $0x1;
	s7 =	sadd.s32 s22, s5  }
0x9f: {  	[timem:s9], [sflag:s23] =	dma.local [hbm:s7], s21  }
0xa0: {  	_ =	swait.ge [sflag:s23], s21  }
0xa1: {  	s6 =	ssub.s32 $0x0, s21;
	[sflag:s23] =	ssyncset.done $0x0  }
0xa2: {  	[sflag:s23] =	ssyncadd.s32 s6;
	_ =	sdelay $0x1  }
0xa3: {  	s24 =	simm.s32 $0x1B8B  }
0xa4: {  	_ =	swait.ge [sflag:s24], $0x1  }
0xa5: {  	[sflag:s24] =	ssyncset.done $0x0  }
0xa6: {  	s25 =	simm.s32 $0x1B8E;
	[sflag:s24] =	ssyncadd.s32 $0xFFFFFFFF  }
0xa7: {  	s26 =	simm.s32 $execute0_lowered;
	[smem:$0x3FD2] =	sst s25  }
0xa8: {  	s6 =	sshll.u32 s26, $0x1;
	_ =	strace $0x80000046;
	[dreg:$0x1] =	wrdreg $0xFFFFFFFF  }
0xa9: {  	s28 =	simm.s32 $_size_execute0_lowered;
	s5 =	sadd.s32 s5, s6;
	[dreg:$0x0] =	wrdreg $0x0  }
0xaa: {  	s6 =	sshll.u32 s28, $0x1;
	[dreg:$0x2] =	wrdreg s5  }
0xab: {  	[dreg:$0x3] =	wrdreg s6  }
0xac: {  	[dreg:$0x4] =	wrdreg $0xC0  }
0xad: {  	_ =	task [dreg:s9], $0x5FFFF  }
0xae: {  	[dreg:$0x1] =	wrdreg $0xFFFFFFFF  }
0xaf: {  	[dreg:$0x0] =	wrdreg $0x60  }
0xb0: {  	[dreg:$0x2] =	wrdreg s2  }
0xb1: {  	[dreg:$0x3] =	wrdreg s19  }
0xb2: {  	[dreg:$0x4] =	wrdreg s4  }
0xb3: {  	[dreg:$0x5] =	wrdreg $0x9  }
0xb4: {  	_ =	task.clear_ibuf [dreg:s9], $0x6FFFF;
	_ =	strace $0x90000046  }
0xb5: {  	s29 =	simm.s32 $0x9;
	_ =	strace $0x80000048  }
0xb6: {  	_ =	swait.ge [sflag:s29], $0x1  }
0xb7: {  	[sflag:s29] =	ssyncadd.s32 $0xFFFFFFFF  }
0xb8: {  	_ =	strace $0x90000048  }
0xb9: {  	_ =	sfence  }
0xba: {  	s30 =	sld [smem:$0x0];
	_ =	sdelay $0x2  }
0xbb: {  	s31 =	sshll.u32 s1, $0xD;
	s1 =	sshrl.u32 s1, $0x2  }
0xbc: {  	s3 =	sand.u32 $0x4000, s31;
	s1 =	sadd.s32 s1, s30  }
0xbd: {  	s0 =	sor.u32 s3, s0;
	s1 =	sshll.u32 s1, $0x11  }
0xbe: {  	s0 =	sor.u32 s1, s0  }
0xbf: {  	s0 =	sadd.s32 $0x8F2B, s0  }
0xc0: {  	[sflag:s0] =	ssyncadd.remote.s32 $0x1  }
0xc1: {  	_ =	sfence.sel $0xFFFF  }
0xc2: {  	[dreg:$0x0] =	wrdreg $0xFFFFFFFF;
	(pc) =	sbr.abs _section_cstart, $3  }
0xc3: {  	[dreg:$0x1] =	wrdreg $0xFFFFFFFF  }
0xc4: {  	_ =	task.clear_ibuf [dreg:s9], $0x2FFFF;
	_ =	strace $0x9FFFFFFF  }
0xc5: {  	(tm) =	ssettm $0x7FFFFFFF  }
tec
execute0_lowered:
.L_overlay_start_1:
0x0: {  	(tag) =	ssettag $0x1  }
0x1: {  	s0 =	rddreg [dreg:$0x0]  }
0x2: {  	s1 =	rddreg [dreg:$0x1]  }
0x3: {  	s3 =	rddreg [dreg:$0x2];
	s2 =	srdreg.scid;
	s4 =	simm.s32 $0x0  }
0x4: {  	s6 =	stileid.u32;
	s16 =	simm.s32 $0x40;
	s29 =	simm.s32 $0xDC00  }
0x5: {  	s31 =	simm.s32 $0xFC00;
	s12 =	simm.s32 $0x13C00;
	s13 =	simm.s32 $0x1  }
0x6: {  	s14 =	simm.s32 $0x2;
	s19 =	simm.s32 $0x3;
	s21 =	simm.s32 $0x4  }
0x7: {  	s23 =	simm.s32 $0x5;
	s28 =	simm.s32 $0x7;
	s30 =	simm.s32 $0x8  }
0x8: {  	s15 =	simm.s32 $0x0;
	s2 =	sand.u32 $0x1, s2;
	s6 =	sshll.u32 s6, $0x8  }
0x9: {  	[smem:$0x7FF] =	sst s4;
	s5 =	ssub.s32 $0x2, s2;
	s2 =	sshll.u32 s2, $0x7  }
0xa: {  	_ =	strace $0x80000047;
	s7 =	sshrl.u32 s5, $0x1;
	s2 =	sor.u32 s2, s6  }
0xb: {  	s6 =	simm.s32 $0xA;
	s5 =	ssub.s32 s5, s7;
	s0 =	sadd.s32 s0, s2  }
0xc: {  	s7 =	sshll.u32 s2, $0x7;
	s25 =	sshll.u32 s2, $0x4;
	s2 =	simm.s32 $0x11C00  }
0xd: {  	[dreg:$0x4] =	wrdreg s0;
	s0 =	sadd.s32 $0x6000, s0;
	s8 =	sor.u32 $0x2000, s7  }
0xe: {  	s9 =	sor.u32 $0x200000, s7;
	s26 =	smax.u32 s5, $0x1;
	[dreg:$0x5] =	wrdreg s0  }
0xf: {  	s0 =	sadd.s32 s25, s3;
	[dreg:$0x6] =	wrdreg s26;
	s26 =	simm.s32 $0xBC00  }
0x10: {  	s25 =	simm.s32 $0x6;
	s10 =	sadd.s32 $0x400, s0;
	s0 =	simm.s32 $0x9  }
.LBB2_1:
0x11: {  	[dreg:$0x7] =	wrdreg s15  }
0x12: {  	s5 =	rddreg [dreg:$0x4];
	s11 =	simm.s32 $0x400;
	s20 =	simm.s32 $0x8000  }
0x13: {  	[tilespmem:s4], [sflag:$0x15] =	stream.strided.gather [hbm4b:s5+s11], $0x1800, s20, s11, $0x38;
	[tilespmem:$0x15C00] =	vst v63  }
0x14: {  	s22 =	rddreg [dreg:$0x5];
	s24 =	simm.s32 $0x1800;
	s11 =	simm.s32 $0x15  }
0x15: {  	[tilespmem:s24], [sflag:$0x15] =	stream.linear.gather [hbm4b:s22+s4], $0x100, $0x38;
	[tilespmem:$0x15C00] =	vst v63  }
0x16: {  	_ =	swait.ge [sflag:s11], $0x1900  }
0x17: {  	[sflag:s11] =	ssyncset.done $0x0  }
0x18: {  	s15 =	simm.s32 $0x1C00;
	[sflag:s11] =	ssyncadd.s32 $0xFFFFE700  }
0x19: {  	[tilespmem:s15], [sflag:$0x1] =	stream.indirect.gather [hbm4b:s1+s16], $0x80, s4, s16, $0xb8;
	[tilespmem:$0x15C00] =	vst v63  }
0x1a: {  	s17 =	simm.s32 $0x3C00  }
0x1b: {  	[tilespmem:s17], [sflag:$0x2] =	stream.indirect.gather [hbm4b:s1+s16], $0x80, s16, s16, $0xb8;
	[tilespmem:$0x15C00] =	vst v63  }
0x1c: {  	s18 =	simm.s32 $0x80;
	s20 =	simm.s32 $0x5C00  }
0x1d: {  	[tilespmem:s20], [sflag:$0x3] =	stream.indirect.gather [hbm4b:s1+s16], $0x80, s18, s16, $0xb8;
	[tilespmem:$0x15C00] =	vst v63  }
0x1e: {  	s22 =	simm.s32 $0xC0;
	s24 =	simm.s32 $0x7C00  }
0x1f: {  	[tilespmem:s24], [sflag:$0x4] =	stream.indirect.gather [hbm4b:s1+s16], $0x80, s22, s16, $0xb8;
	[tilespmem:$0x15C00] =	vst v63  }
0x20: {  	s15 =	simm.s32 $0x100;
	s17 =	simm.s32 $0x9C00  }
0x21: {  	[tilespmem:s17], [sflag:$0x5] =	stream.indirect.gather [hbm4b:s1+s16], $0x80, s15, s16, $0xb8;
	[tilespmem:$0x15C00] =	vst v63  }
0x22: {  	s18 =	simm.s32 $0x140  }
0x23: {  	[tilespmem:s26], [sflag:$0x6] =	stream.indirect.gather [hbm4b:s1+s16], $0x80, s18, s16, $0xb8;
	[tilespmem:$0x15C00] =	vst v63  }
0x24: {  	s20 =	simm.s32 $0x180  }
0x25: {  	[tilespmem:s29], [sflag:$0x7] =	stream.indirect.gather [hbm4b:s1+s16], $0x80, s20, s16, $0xb8;
	[tilespmem:$0x15C00] =	vst v63  }
0x26: {  	s22 =	simm.s32 $0x1C0  }
0x27: {  	[tilespmem:s31], [sflag:$0x8] =	stream.indirect.gather [hbm4b:s1+s16], $0x80, s22, s16, $0xb8;
	[tilespmem:$0x15C00] =	vst v63  }
0x28: {  	s24 =	simm.s32 $0x200;
	s15 =	simm.s32 $0x0  }
0x29: {  	[tilespmem:s2], [sflag:$0x9] =	stream.indirect.gather [hbm4b:s1+s16], $0x80, s24, s16, $0xb8;
	[tilespmem:$0x15C00] =	vst v63  }
.LBB2_2:
0x2a: {  	s5 =	smul.u32 $0xA, s15;
	p0 =	seq.s32 s15, $0x0  }
0x2b: {  	s17 =	simm.s32 @!p0 $0x14  }
0x2c: {  	s11 =	sadd.s32 $0x9, s5;
	_ =	swait.ge @!p0 [sflag:s17], $0x2000  }
0x2d: {  	[sflag:s17] =	ssyncset.done @!p0 $0x0;
	s5 =	sshll.u32 s11, $0x6  }
0x2e: {  	[sflag:s17] =	ssyncadd.s32 @!p0 $0xFFFFE000;
	s5 =	sand.u32 $0x3FFFFFC0, s5  }
0x2f: {  	[tilespmem:s12], [sflag:$0xA] =	stream.indirect.gather [hbm4b:s1+s16], $0x80, s5, s16, $0xb8;
	[tilespmem:$0x15C00] =	vst v63  }
0x30: {  	_ =	swait.ge [sflag:s13], $0x2000  }
0x31: {  	[sflag:s13] =	ssyncset.done $0x0  }
0x32: {  	s17 =	simm.s32 $0x1C80;
	[sflag:s13] =	ssyncadd.s32 $0xFFFFE000  }
0x33: {  	v0 =	vld [tilespmem:s17+$0x70]  }
0x34: {  	v1 =	vld [tilespmem:s17+$0xFFFFFF90]  }
0x35: {  	v2 =	vld [tilespmem:s17+$0xFFFFFFA0]  }
0x36: {  	v3 =	vld [tilespmem:s17+$0xFFFFFFB0]  }
0x37: {  	v4 =	vld [tilespmem:s17+$0xFFFFFFC0]  }
0x38: {  	v5 =	vld [tilespmem:s17+$0xFFFFFFD0];
	v0 =	vmul.f32 $1.131370830e+01, v0  }
0x39: {  	v6 =	vld [tilespmem:s17+$0xFFFFFFE0];
	v1 =	vmul.f32 $1.131370830e+01, v1  }
0x3a: {  	v7 =	vld [tilespmem:s17+$0xFFFFFFF0];
	v2 =	vmul.f32 $1.131370830e+01, v2;
	[tilespmem:s17+$0x70] =	vst v0  }
0x3b: {  	[tilespmem:s17+$0xFFFFFF90] =	vst v1;
	v0 =	vmul.f32 $1.131370830e+01, v3;
	v3 =	vld [tilespmem:s17+$0x0]  }
0x3c: {  	[tilespmem:s17+$0xFFFFFFA0] =	vst v2;
	v1 =	vmul.f32 $1.131370830e+01, v4;
	v4 =	vld [tilespmem:s17+$0x10]  }
0x3d: {  	v8 =	vld [tilespmem:s17+$0x20];
	v2 =	vmul.f32 $1.131370830e+01, v5;
	[tilespmem:s17+$0xFFFFFFB0] =	vst v0  }
0x3e: {  	v5 =	vmul.f32 $1.131370830e+01, v6;
	[tilespmem:s17+$0xFFFFFFC0] =	vst v1;
	v0 =	vld [tilespmem:s17+$0x30]  }
0x3f: {  	[tilespmem:s17+$0xFFFFFFD0] =	vst v2;
	v2 =	vmul.f32 $1.131370830e+01, v7;
	v1 =	vld [tilespmem:s17+$0x40]  }
0x40: {  	[tilespmem:s17+$0xFFFFFFE0] =	vst v5;
	v6 =	vmul.f32 $1.131370830e+01, v3;
	v3 =	vld [tilespmem:s17+$0x50]  }
0x41: {  	[tilespmem:s17+$0xFFFFFFF0] =	vst v2;
	v2 =	vld [tilespmem:s17+$0x60];
	v5 =	vmul.f32 $1.131370830e+01, v4  }
0x42: {  	s18 =	simm.s32 $0x1D80;
	s5 =	simm.s32 $0x0;
	v4 =	vld [tilespmem:s17+$0xFFFFFF80];
	[tilespmem:s17+$0x0] =	vst v6;
	v6 =	vmul.f32 $1.131370830e+01, v8  }
.LBB2_3:
0x43: {  	v7 =	vld [tilespmem:s18+$0x70];
	s5 =	sadd.s32 $0x2, s5;
	[tilespmem:s17+$0x10] =	vst v5;
	v0 =	vmul.f32 $1.131370830e+01, v0  }
0x44: {  	v5 =	vld [tilespmem:s18+$0xFFFFFF90];
	p0 =	slt.u32 s5, $0x3E;
	[tilespmem:s17+$0x20] =	vst v6;
	v1 =	vmul.f32 $1.131370830e+01, v1  }
0x45: {  	v6 =	vld [tilespmem:s18+$0xFFFFFFA0];
	[tilespmem:s17+$0x30] =	vst v0;
	v0 =	vmul.f32 $1.131370830e+01, v3  }
0x46: {  	v3 =	vld [tilespmem:s18+$0xFFFFFFB0];
	[tilespmem:s17+$0x40] =	vst v1;
	v1 =	vmul.f32 $1.131370830e+01, v2  }
0x47: {  	v2 =	vld [tilespmem:s18+$0xFFFFFFC0];
	v4 =	vmul.f32 $1.131370830e+01, v4;
	[tilespmem:s17+$0x50] =	vst v0  }
0x48: {  	v0 =	vld [tilespmem:s18+$0xFFFFFFD0];
	v7 =	vmul.f32 $1.131370830e+01, v7;
	[tilespmem:s17+$0x60] =	vst v1  }
0x49: {  	v1 =	vmul.f32 $1.131370830e+01, v5;
	v5 =	vld [tilespmem:s18+$0xFFFFFFE0];
	[tilespmem:s17+$0xFFFFFF80] =	vst v4;
	s17 =	smov.u32 s18  }
0x4a: {  	v4 =	vmul.f32 $1.131370830e+01, v6;
	v6 =	vld [tilespmem:s18+$0xFFFFFFF0];
	[tilespmem:s18+$0x70] =	vst v7  }
0x4b: {  	[tilespmem:s18+$0xFFFFFF90] =	vst v1;
	v1 =	vmul.f32 $1.131370830e+01, v3;
	v3 =	vld [tilespmem:s18+$0x0]  }
0x4c: {  	[tilespmem:s18+$0xFFFFFFA0] =	vst v4;
	v2 =	vmul.f32 $1.131370830e+01, v2;
	v4 =	vld [tilespmem:s18+$0x10]  }
0x4d: {  	[tilespmem:s18+$0xFFFFFFB0] =	vst v1;
	v1 =	vmul.f32 $1.131370830e+01, v0;
	v7 =	vld [tilespmem:s18+$0x20]  }
.Ltmp0:
0x4e: {  	[tilespmem:s18+$0xFFFFFFC0] =	vst v2;
	v2 =	vmul.f32 $1.131370830e+01, v5;
	v0 =	vld [tilespmem:s18+$0x30];
	(pc) =	sbr.rel @p0 .LBB2_3-.Ltmp0, $4  }
0x4f: {  	[tilespmem:s18+$0xFFFFFFD0] =	vst v1;
	v5 =	vmul.f32 $1.131370830e+01, v6;
	v1 =	vld [tilespmem:s18+$0x40]  }
0x50: {  	[tilespmem:s18+$0xFFFFFFE0] =	vst v2;
	v6 =	vmul.f32 $1.131370830e+01, v3;
	v3 =	vld [tilespmem:s18+$0x50]  }
0x51: {  	[tilespmem:s18+$0xFFFFFFF0] =	vst v5;
	v5 =	vmul.f32 $1.131370830e+01, v4;
	v2 =	vld [tilespmem:s18+$0x60]  }
0x52: {  	s18 =	sadd.s32 $0x100, s18;
	v4 =	vld [tilespmem:s17+$0xFFFFFF80];
	[tilespmem:s17+$0x0] =	vst v6;
	v6 =	vmul.f32 $1.131370830e+01, v7  }
0x53: {  	[tilespmem:s17+$0x10] =	vst v5;
	v0 =	vmul.f32 $1.131370830e+01, v0  }
0x54: {  	[tilespmem:s17+$0x20] =	vst v6;
	v1 =	vmul.f32 $1.131370830e+01, v1  }
0x55: {  	s5 =	smul.u32 $0x280000, s15;
	[tilespmem:s17+$0x30] =	vst v0;
	v0 =	vmul.f32 $1.131370830e+01, v3  }
0x56: {  	[tilespmem:s17+$0x40] =	vst v1;
	v1 =	vmul.f32 $1.131370830e+01, v2  }
0x57: {  	s18 =	sor.u32 s7, s5;
	v2 =	vmul.f32 $1.131370830e+01, v4;
	[tilespmem:s17+$0x50] =	vst v0  }
0x58: {  	p0 =	seq.s32 s15, $0x9;
	s18 =	sshrl.u32 s18, $0x3;
	[tilespmem:s17+$0x60] =	vst v1  }
0x59: {  	s24 =	simm.s32 $0x1C00;
	s22 =	sadd.s32 s3, s18;
	[tilespmem:s17+$0xFFFFFF80] =	vst v2;
	s17 =	simm.s32 @!p0 $0xB  }
0x5a: {  	[hbm4b:s22+s4] =	stream.linear.scatter [tilespmem:s24], [sflag:$0xB], $0x2000, $0x38;
	[tilespmem:$0x15C00] =	vst v63  }
0x5b: {  	s18 =	smul.u32 @!p0 $0xA00, s15;
	_ =	swait.ge @!p0 [sflag:s17], $0x2000  }
0x5c: {  	[sflag:s17] =	ssyncset.done @!p0 $0x0  }
0x5d: {  	[sflag:s17] =	ssyncadd.s32 @!p0 $0xFFFFE000;
	s17 =	sshra.s32 @!p0 s18, $0x2  }
0x5e: {  	s20 =	simm.s32 @!p0 $0x40;
	s22 =	simm.s32 @!p0 $0x1C00;
	s18 =	sadd.s32 @!p0 $0x280, s17  }
0x5f: {  	[tilespmem:s22], [sflag:$0x1] =	stream.indirect.gather @!p0 [hbm4b:s1+s20], $0x80, s18, s20, $0xb8;
	[tilespmem:$0x15C00] =	vst v63  }
0x60: {  	_ =	swait.ge [sflag:s14], $0x2000  }
0x61: {  	[sflag:s14] =	ssyncset.done $0x0  }
0x62: {  	s18 =	simm.s32 $0x3C80;
	[sflag:s14] =	ssyncadd.s32 $0xFFFFE000  }
0x63: {  	v0 =	vld [tilespmem:s18+$0x70]  }
0x64: {  	v1 =	vld [tilespmem:s18+$0xFFFFFF90]  }
0x65: {  	v2 =	vld [tilespmem:s18+$0xFFFFFFA0]  }
0x66: {  	v3 =	vld [tilespmem:s18+$0xFFFFFFB0]  }
0x67: {  	v4 =	vld [tilespmem:s18+$0xFFFFFFC0]  }
0x68: {  	v5 =	vld [tilespmem:s18+$0xFFFFFFD0];
	v0 =	vmul.f32 $1.131370830e+01, v0  }
0x69: {  	v6 =	vld [tilespmem:s18+$0xFFFFFFE0];
	v1 =	vmul.f32 $1.131370830e+01, v1  }
0x6a: {  	v7 =	vld [tilespmem:s18+$0xFFFFFFF0];
	v2 =	vmul.f32 $1.131370830e+01, v2;
	[tilespmem:s18+$0x70] =	vst v0  }
0x6b: {  	[tilespmem:s18+$0xFFFFFF90] =	vst v1;
	v0 =	vmul.f32 $1.131370830e+01, v3;
	v3 =	vld [tilespmem:s18+$0x0]  }
0x6c: {  	[tilespmem:s18+$0xFFFFFFA0] =	vst v2;
	v1 =	vmul.f32 $1.131370830e+01, v4;
	v4 =	vld [tilespmem:s18+$0x10]  }
0x6d: {  	v8 =	vld [tilespmem:s18+$0x20];
	v2 =	vmul.f32 $1.131370830e+01, v5;
	[tilespmem:s18+$0xFFFFFFB0] =	vst v0  }
0x6e: {  	v5 =	vmul.f32 $1.131370830e+01, v6;
	[tilespmem:s18+$0xFFFFFFC0] =	vst v1;
	v0 =	vld [tilespmem:s18+$0x30]  }
0x6f: {  	v6 =	vmul.f32 $1.131370830e+01, v7;
	[tilespmem:s18+$0xFFFFFFD0] =	vst v2;
	v1 =	vld [tilespmem:s18+$0x40]  }
0x70: {  	[tilespmem:s18+$0xFFFFFFE0] =	vst v5;
	v2 =	vld [tilespmem:s18+$0x50];
	v7 =	vmul.f32 $1.131370830e+01, v3  }
0x71: {  	[tilespmem:s18+$0xFFFFFFF0] =	vst v6;
	v3 =	vld [tilespmem:s18+$0x60];
	v5 =	vmul.f32 $1.131370830e+01, v4  }
0x72: {  	s20 =	simm.s32 $0x0;
	s22 =	simm.s32 $0x3D80;
	v6 =	vmul.f32 $1.131370830e+01, v8;
	v4 =	vld [tilespmem:s18+$0xFFFFFF80];
	[tilespmem:s18+$0x0] =	vst v7  }
.LBB2_5:
0x73: {  	v7 =	vld [tilespmem:s22+$0x70];
	s20 =	sadd.s32 $0x2, s20;
	[tilespmem:s18+$0x10] =	vst v5;
	v0 =	vmul.f32 $1.131370830e+01, v0  }
0x74: {  	v5 =	vld [tilespmem:s22+$0xFFFFFF90];
	p1 =	slt.u32 s20, $0x3E;
	[tilespmem:s18+$0x20] =	vst v6;
	v1 =	vmul.f32 $1.131370830e+01, v1  }
0x75: {  	v6 =	vld [tilespmem:s22+$0xFFFFFFA0];
	[tilespmem:s18+$0x30] =	vst v0;
	v0 =	vmul.f32 $1.131370830e+01, v2  }
0x76: {  	v2 =	vld [tilespmem:s22+$0xFFFFFFB0];
	[tilespmem:s18+$0x40] =	vst v1;
	v1 =	vmul.f32 $1.131370830e+01, v3  }
0x77: {  	v3 =	vld [tilespmem:s22+$0xFFFFFFC0];
	v4 =	vmul.f32 $1.131370830e+01, v4;
	[tilespmem:s18+$0x50] =	vst v0  }
0x78: {  	v0 =	vld [tilespmem:s22+$0xFFFFFFD0];
	v7 =	vmul.f32 $1.131370830e+01, v7;
	[tilespmem:s18+$0x60] =	vst v1  }
0x79: {  	v1 =	vmul.f32 $1.131370830e+01, v5;
	v5 =	vld [tilespmem:s22+$0xFFFFFFE0];
	[tilespmem:s18+$0xFFFFFF80] =	vst v4;
	s18 =	smov.u32 s22  }
0x7a: {  	v4 =	vmul.f32 $1.131370830e+01, v6;
	v6 =	vld [tilespmem:s22+$0xFFFFFFF0];
	[tilespmem:s22+$0x70] =	vst v7  }
0x7b: {  	[tilespmem:s22+$0xFFFFFF90] =	vst v1;
	v1 =	vmul.f32 $1.131370830e+01, v2;
	v2 =	vld [tilespmem:s22+$0x0]  }
0x7c: {  	[tilespmem:s22+$0xFFFFFFA0] =	vst v4;
	v3 =	vmul.f32 $1.131370830e+01, v3;
	v4 =	vld [tilespmem:s22+$0x10]  }
0x7d: {  	[tilespmem:s22+$0xFFFFFFB0] =	vst v1;
	v1 =	vmul.f32 $1.131370830e+01, v0;
	v7 =	vld [tilespmem:s22+$0x20]  }
.Ltmp1:
0x7e: {  	[tilespmem:s22+$0xFFFFFFC0] =	vst v3;
	v3 =	vmul.f32 $1.131370830e+01, v5;
	v0 =	vld [tilespmem:s22+$0x30];
	(pc) =	sbr.rel @p1 .LBB2_5-.Ltmp1, $4  }
0x7f: {  	[tilespmem:s22+$0xFFFFFFD0] =	vst v1;
	v5 =	vmul.f32 $1.131370830e+01, v6;
	v1 =	vld [tilespmem:s22+$0x40]  }
0x80: {  	[tilespmem:s22+$0xFFFFFFE0] =	vst v3;
	v6 =	vmul.f32 $1.131370830e+01, v2;
	v2 =	vld [tilespmem:s22+$0x50]  }
0x81: {  	[tilespmem:s22+$0xFFFFFFF0] =	vst v5;
	v5 =	vmul.f32 $1.131370830e+01, v4;
	v3 =	vld [tilespmem:s22+$0x60]  }
0x82: {  	s22 =	sadd.s32 $0x100, s22;
	v4 =	vld [tilespmem:s18+$0xFFFFFF80];
	[tilespmem:s18+$0x0] =	vst v6;
	v6 =	vmul.f32 $1.131370830e+01, v7  }
0x83: {  	[tilespmem:s18+$0x10] =	vst v5;
	v0 =	vmul.f32 $1.131370830e+01, v0  }
0x84: {  	[tilespmem:s18+$0x20] =	vst v6;
	v1 =	vmul.f32 $1.131370830e+01, v1  }
0x85: {  	[tilespmem:s18+$0x30] =	vst v0;
	v0 =	vmul.f32 $1.131370830e+01, v2  }
0x86: {  	[tilespmem:s18+$0x40] =	vst v1;
	v1 =	vmul.f32 $1.131370830e+01, v3  }
0x87: {  	s20 =	sor.u32 s8, s5;
	v2 =	vmul.f32 $1.131370830e+01, v4;
	[tilespmem:s18+$0x50] =	vst v0  }
0x88: {  	s20 =	sshrl.u32 s20, $0x3;
	[tilespmem:s18+$0x60] =	vst v1  }
0x89: {  	s24 =	simm.s32 $0x3C00;
	s22 =	sadd.s32 s3, s20;
	[tilespmem:s18+$0xFFFFFF80] =	vst v2;
	s18 =	simm.s32 @!p0 $0xC  }
0x8a: {  	[hbm4b:s22+s4] =	stream.linear.scatter [tilespmem:s24], [sflag:$0xC], $0x2000, $0x38;
	[tilespmem:$0x15C00] =	vst v63  }
0x8b: {  	_ =	swait.ge @!p0 [sflag:s18], $0x2000  }
0x8c: {  	s20 =	simm.s32 @!p0 $0x40;
	[sflag:s18] =	ssyncset.done @!p0 $0x0  }
0x8d: {  	s22 =	simm.s32 @!p0 $0x3C00;
	[sflag:s18] =	ssyncadd.s32 @!p0 $0xFFFFE000;
	s18 =	sadd.s32 @!p0 $0x2C0, s17  }
0x8e: {  	[tilespmem:s22], [sflag:$0x2] =	stream.indirect.gather @!p0 [hbm4b:s1+s20], $0x80, s18, s20, $0xb8;
	[tilespmem:$0x15C00] =	vst v63  }
0x8f: {  	_ =	swait.ge [sflag:s19], $0x2000  }
0x90: {  	[sflag:s19] =	ssyncset.done $0x0  }
0x91: {  	s20 =	simm.s32 $0x5C80;
	[sflag:s19] =	ssyncadd.s32 $0xFFFFE000  }
0x92: {  	v0 =	vld [tilespmem:s20+$0x70]  }
0x93: {  	v1 =	vld [tilespmem:s20+$0xFFFFFF90]  }
0x94: {  	v2 =	vld [tilespmem:s20+$0xFFFFFFA0]  }
0x95: {  	v3 =	vld [tilespmem:s20+$0xFFFFFFB0]  }
0x96: {  	v4 =	vld [tilespmem:s20+$0xFFFFFFC0]  }
0x97: {  	v5 =	vld [tilespmem:s20+$0xFFFFFFD0];
	v0 =	vmul.f32 $1.131370830e+01, v0  }
0x98: {  	v6 =	vld [tilespmem:s20+$0xFFFFFFE0];
	v1 =	vmul.f32 $1.131370830e+01, v1  }
0x99: {  	v7 =	vld [tilespmem:s20+$0xFFFFFFF0];
	v2 =	vmul.f32 $1.131370830e+01, v2;
	[tilespmem:s20+$0x70] =	vst v0  }
0x9a: {  	[tilespmem:s20+$0xFFFFFF90] =	vst v1;
	v0 =	vmul.f32 $1.131370830e+01, v3;
	v3 =	vld [tilespmem:s20+$0x0]  }
0x9b: {  	[tilespmem:s20+$0xFFFFFFA0] =	vst v2;
	v1 =	vmul.f32 $1.131370830e+01, v4;
	v4 =	vld [tilespmem:s20+$0x10]  }
0x9c: {  	v8 =	vld [tilespmem:s20+$0x20];
	v2 =	vmul.f32 $1.131370830e+01, v5;
	[tilespmem:s20+$0xFFFFFFB0] =	vst v0  }
0x9d: {  	v5 =	vmul.f32 $1.131370830e+01, v6;
	[tilespmem:s20+$0xFFFFFFC0] =	vst v1;
	v0 =	vld [tilespmem:s20+$0x30]  }
0x9e: {  	v6 =	vmul.f32 $1.131370830e+01, v7;
	[tilespmem:s20+$0xFFFFFFD0] =	vst v2;
	v1 =	vld [tilespmem:s20+$0x40]  }
0x9f: {  	[tilespmem:s20+$0xFFFFFFE0] =	vst v5;
	v2 =	vld [tilespmem:s20+$0x50];
	v7 =	vmul.f32 $1.131370830e+01, v3  }
0xa0: {  	[tilespmem:s20+$0xFFFFFFF0] =	vst v6;
	v3 =	vld [tilespmem:s20+$0x60];
	v5 =	vmul.f32 $1.131370830e+01, v4  }
0xa1: {  	s18 =	simm.s32 $0x0;
	s22 =	simm.s32 $0x5D80;
	v6 =	vmul.f32 $1.131370830e+01, v8;
	v4 =	vld [tilespmem:s20+$0xFFFFFF80];
	[tilespmem:s20+$0x0] =	vst v7  }
.LBB2_7:
0xa2: {  	v7 =	vld [tilespmem:s22+$0x70];
	s18 =	sadd.s32 $0x2, s18;
	[tilespmem:s20+$0x10] =	vst v5;
	v0 =	vmul.f32 $1.131370830e+01, v0  }
0xa3: {  	v5 =	vld [tilespmem:s22+$0xFFFFFF90];
	p1 =	slt.u32 s18, $0x3E;
	[tilespmem:s20+$0x20] =	vst v6;
	v1 =	vmul.f32 $1.131370830e+01, v1  }
0xa4: {  	v6 =	vld [tilespmem:s22+$0xFFFFFFA0];
	[tilespmem:s20+$0x30] =	vst v0;
	v0 =	vmul.f32 $1.131370830e+01, v2  }
0xa5: {  	v2 =	vld [tilespmem:s22+$0xFFFFFFB0];
	[tilespmem:s20+$0x40] =	vst v1;
	v1 =	vmul.f32 $1.131370830e+01, v3  }
0xa6: {  	v3 =	vld [tilespmem:s22+$0xFFFFFFC0];
	v4 =	vmul.f32 $1.131370830e+01, v4;
	[tilespmem:s20+$0x50] =	vst v0  }
0xa7: {  	v0 =	vld [tilespmem:s22+$0xFFFFFFD0];
	v7 =	vmul.f32 $1.131370830e+01, v7;
	[tilespmem:s20+$0x60] =	vst v1  }
0xa8: {  	v1 =	vmul.f32 $1.131370830e+01, v5;
	v5 =	vld [tilespmem:s22+$0xFFFFFFE0];
	[tilespmem:s20+$0xFFFFFF80] =	vst v4;
	s20 =	smov.u32 s22  }
0xa9: {  	v4 =	vmul.f32 $1.131370830e+01, v6;
	v6 =	vld [tilespmem:s22+$0xFFFFFFF0];
	[tilespmem:s22+$0x70] =	vst v7  }
0xaa: {  	[tilespmem:s22+$0xFFFFFF90] =	vst v1;
	v1 =	vmul.f32 $1.131370830e+01, v2;
	v2 =	vld [tilespmem:s22+$0x0]  }
0xab: {  	[tilespmem:s22+$0xFFFFFFA0] =	vst v4;
	v3 =	vmul.f32 $1.131370830e+01, v3;
	v4 =	vld [tilespmem:s22+$0x10]  }
0xac: {  	[tilespmem:s22+$0xFFFFFFB0] =	vst v1;
	v1 =	vmul.f32 $1.131370830e+01, v0;
	v7 =	vld [tilespmem:s22+$0x20]  }
.Ltmp2:
0xad: {  	[tilespmem:s22+$0xFFFFFFC0] =	vst v3;
	v3 =	vmul.f32 $1.131370830e+01, v5;
	v0 =	vld [tilespmem:s22+$0x30];
	(pc) =	sbr.rel @p1 .LBB2_7-.Ltmp2, $4  }
0xae: {  	[tilespmem:s22+$0xFFFFFFD0] =	vst v1;
	v5 =	vmul.f32 $1.131370830e+01, v6;
	v1 =	vld [tilespmem:s22+$0x40]  }
0xaf: {  	[tilespmem:s22+$0xFFFFFFE0] =	vst v3;
	v6 =	vmul.f32 $1.131370830e+01, v2;
	v2 =	vld [tilespmem:s22+$0x50]  }
0xb0: {  	[tilespmem:s22+$0xFFFFFFF0] =	vst v5;
	v5 =	vmul.f32 $1.131370830e+01, v4;
	v3 =	vld [tilespmem:s22+$0x60]  }
0xb1: {  	s22 =	sadd.s32 $0x100, s22;
	v4 =	vld [tilespmem:s20+$0xFFFFFF80];
	[tilespmem:s20+$0x0] =	vst v6;
	v6 =	vmul.f32 $1.131370830e+01, v7  }
0xb2: {  	[tilespmem:s20+$0x10] =	vst v5;
	v0 =	vmul.f32 $1.131370830e+01, v0  }
0xb3: {  	[tilespmem:s20+$0x20] =	vst v6;
	v1 =	vmul.f32 $1.131370830e+01, v1  }
0xb4: {  	[tilespmem:s20+$0x30] =	vst v0;
	v0 =	vmul.f32 $1.131370830e+01, v2  }
0xb5: {  	s18 =	sadd.s32 $0x80000, s5;
	[tilespmem:s20+$0x40] =	vst v1;
	v1 =	vmul.f32 $1.131370830e+01, v3  }
0xb6: {  	s22 =	sor.u32 s7, s18;
	v2 =	vmul.f32 $1.131370830e+01, v4;
	[tilespmem:s20+$0x50] =	vst v0  }
0xb7: {  	s22 =	sshrl.u32 s22, $0x3;
	[tilespmem:s20+$0x60] =	vst v1  }
0xb8: {  	s24 =	simm.s32 $0x5C00;
	s22 =	sadd.s32 s3, s22;
	[tilespmem:s20+$0xFFFFFF80] =	vst v2;
	s20 =	simm.s32 @!p0 $0xD  }
0xb9: {  	[hbm4b:s22+s4] =	stream.linear.scatter [tilespmem:s24], [sflag:$0xD], $0x2000, $0x38;
	[tilespmem:$0x15C00] =	vst v63  }
0xba: {  	_ =	swait.ge @!p0 [sflag:s20], $0x2000  }
0xbb: {  	s22 =	simm.s32 @!p0 $0x40;
	[sflag:s20] =	ssyncset.done @!p0 $0x0  }
0xbc: {  	s24 =	simm.s32 @!p0 $0x5C00;
	[sflag:s20] =	ssyncadd.s32 @!p0 $0xFFFFE000;
	s20 =	sadd.s32 @!p0 $0x300, s17  }
0xbd: {  	[tilespmem:s24], [sflag:$0x3] =	stream.indirect.gather @!p0 [hbm4b:s1+s22], $0x80, s20, s22, $0xb8;
	[tilespmem:$0x15C00] =	vst v63  }
0xbe: {  	_ =	swait.ge [sflag:s21], $0x2000  }
0xbf: {  	[sflag:s21] =	ssyncset.done $0x0  }
0xc0: {  	s20 =	simm.s32 $0x7C80;
	[sflag:s21] =	ssyncadd.s32 $0xFFFFE000  }
0xc1: {  	v0 =	vld [tilespmem:s20+$0x70]  }
0xc2: {  	v1 =	vld [tilespmem:s20+$0xFFFFFF90]  }
0xc3: {  	v2 =	vld [tilespmem:s20+$0xFFFFFFA0]  }
0xc4: {  	v3 =	vld [tilespmem:s20+$0xFFFFFFB0]  }
0xc5: {  	v4 =	vld [tilespmem:s20+$0xFFFFFFC0]  }
0xc6: {  	v5 =	vld [tilespmem:s20+$0xFFFFFFD0];
	v0 =	vmul.f32 $1.131370830e+01, v0  }
0xc7: {  	v6 =	vld [tilespmem:s20+$0xFFFFFFE0];
	v1 =	vmul.f32 $1.131370830e+01, v1  }
0xc8: {  	v7 =	vld [tilespmem:s20+$0xFFFFFFF0];
	v2 =	vmul.f32 $1.131370830e+01, v2;
	[tilespmem:s20+$0x70] =	vst v0  }
0xc9: {  	[tilespmem:s20+$0xFFFFFF90] =	vst v1;
	v0 =	vmul.f32 $1.131370830e+01, v3;
	v3 =	vld [tilespmem:s20+$0x0]  }
0xca: {  	[tilespmem:s20+$0xFFFFFFA0] =	vst v2;
	v1 =	vmul.f32 $1.131370830e+01, v4;
	v4 =	vld [tilespmem:s20+$0x10]  }
0xcb: {  	v8 =	vld [tilespmem:s20+$0x20];
	v2 =	vmul.f32 $1.131370830e+01, v5;
	[tilespmem:s20+$0xFFFFFFB0] =	vst v0  }
0xcc: {  	v5 =	vmul.f32 $1.131370830e+01, v6;
	[tilespmem:s20+$0xFFFFFFC0] =	vst v1;
	v0 =	vld [tilespmem:s20+$0x30]  }
0xcd: {  	v6 =	vmul.f32 $1.131370830e+01, v7;
	[tilespmem:s20+$0xFFFFFFD0] =	vst v2;
	v1 =	vld [tilespmem:s20+$0x40]  }
0xce: {  	[tilespmem:s20+$0xFFFFFFE0] =	vst v5;
	v2 =	vld [tilespmem:s20+$0x50];
	v7 =	vmul.f32 $1.131370830e+01, v3  }
0xcf: {  	[tilespmem:s20+$0xFFFFFFF0] =	vst v6;
	v3 =	vld [tilespmem:s20+$0x60];
	v5 =	vmul.f32 $1.131370830e+01, v4  }
0xd0: {  	s22 =	simm.s32 $0x0;
	s24 =	simm.s32 $0x7D80;
	v6 =	vmul.f32 $1.131370830e+01, v8;
	v4 =	vld [tilespmem:s20+$0xFFFFFF80];
	[tilespmem:s20+$0x0] =	vst v7  }
.LBB2_9:
0xd1: {  	v7 =	vld [tilespmem:s24+$0x70];
	s22 =	sadd.s32 $0x2, s22;
	[tilespmem:s20+$0x10] =	vst v5;
	v0 =	vmul.f32 $1.131370830e+01, v0  }
0xd2: {  	v5 =	vld [tilespmem:s24+$0xFFFFFF90];
	p1 =	slt.u32 s22, $0x3E;
	[tilespmem:s20+$0x20] =	vst v6;
	v1 =	vmul.f32 $1.131370830e+01, v1  }
0xd3: {  	v6 =	vld [tilespmem:s24+$0xFFFFFFA0];
	[tilespmem:s20+$0x30] =	vst v0;
	v0 =	vmul.f32 $1.131370830e+01, v2  }
0xd4: {  	v2 =	vld [tilespmem:s24+$0xFFFFFFB0];
	[tilespmem:s20+$0x40] =	vst v1;
	v1 =	vmul.f32 $1.131370830e+01, v3  }
0xd5: {  	v3 =	vld [tilespmem:s24+$0xFFFFFFC0];
	v4 =	vmul.f32 $1.131370830e+01, v4;
	[tilespmem:s20+$0x50] =	vst v0  }
0xd6: {  	v0 =	vld [tilespmem:s24+$0xFFFFFFD0];
	v7 =	vmul.f32 $1.131370830e+01, v7;
	[tilespmem:s20+$0x60] =	vst v1  }
0xd7: {  	v1 =	vmul.f32 $1.131370830e+01, v5;
	v5 =	vld [tilespmem:s24+$0xFFFFFFE0];
	[tilespmem:s20+$0xFFFFFF80] =	vst v4;
	s20 =	smov.u32 s24  }
0xd8: {  	v4 =	vmul.f32 $1.131370830e+01, v6;
	v6 =	vld [tilespmem:s24+$0xFFFFFFF0];
	[tilespmem:s24+$0x70] =	vst v7  }
0xd9: {  	[tilespmem:s24+$0xFFFFFF90] =	vst v1;
	v1 =	vmul.f32 $1.131370830e+01, v2;
	v2 =	vld [tilespmem:s24+$0x0]  }
0xda: {  	[tilespmem:s24+$0xFFFFFFA0] =	vst v4;
	v3 =	vmul.f32 $1.131370830e+01, v3;
	v4 =	vld [tilespmem:s24+$0x10]  }
0xdb: {  	[tilespmem:s24+$0xFFFFFFB0] =	vst v1;
	v1 =	vmul.f32 $1.131370830e+01, v0;
	v7 =	vld [tilespmem:s24+$0x20]  }
.Ltmp3:
0xdc: {  	[tilespmem:s24+$0xFFFFFFC0] =	vst v3;
	v3 =	vmul.f32 $1.131370830e+01, v5;
	v0 =	vld [tilespmem:s24+$0x30];
	(pc) =	sbr.rel @p1 .LBB2_9-.Ltmp3, $4  }
0xdd: {  	[tilespmem:s24+$0xFFFFFFD0] =	vst v1;
	v5 =	vmul.f32 $1.131370830e+01, v6;
	v1 =	vld [tilespmem:s24+$0x40]  }
0xde: {  	[tilespmem:s24+$0xFFFFFFE0] =	vst v3;
	v6 =	vmul.f32 $1.131370830e+01, v2;
	v2 =	vld [tilespmem:s24+$0x50]  }
0xdf: {  	[tilespmem:s24+$0xFFFFFFF0] =	vst v5;
	v5 =	vmul.f32 $1.131370830e+01, v4;
	v3 =	vld [tilespmem:s24+$0x60]  }
0xe0: {  	s24 =	sadd.s32 $0x100, s24;
	v4 =	vld [tilespmem:s20+$0xFFFFFF80];
	[tilespmem:s20+$0x0] =	vst v6;
	v6 =	vmul.f32 $1.131370830e+01, v7  }
0xe1: {  	[tilespmem:s20+$0x10] =	vst v5;
	v0 =	vmul.f32 $1.131370830e+01, v0  }
0xe2: {  	[tilespmem:s20+$0x20] =	vst v6;
	v1 =	vmul.f32 $1.131370830e+01, v1  }
0xe3: {  	[tilespmem:s20+$0x30] =	vst v0;
	v0 =	vmul.f32 $1.131370830e+01, v2  }
0xe4: {  	[tilespmem:s20+$0x40] =	vst v1;
	v1 =	vmul.f32 $1.131370830e+01, v3  }
0xe5: {  	s18 =	sor.u32 s8, s18;
	v2 =	vmul.f32 $1.131370830e+01, v4;
	[tilespmem:s20+$0x50] =	vst v0  }
0xe6: {  	s18 =	sshrl.u32 s18, $0x3;
	[tilespmem:s20+$0x60] =	vst v1  }
0xe7: {  	s24 =	simm.s32 $0x7C00;
	s18 =	sadd.s32 s3, s18;
	[tilespmem:s20+$0xFFFFFF80] =	vst v2  }
0xe8: {  	[hbm4b:s18+s4] =	stream.linear.scatter [tilespmem:s24], [sflag:$0xE], $0x2000, $0x38;
	[tilespmem:$0x15C00] =	vst v63  }
0xe9: {  	s18 =	simm.s32 @!p0 $0xE  }
0xea: {  	_ =	swait.ge @!p0 [sflag:s18], $0x2000  }
0xeb: {  	s22 =	simm.s32 @!p0 $0x7C00;
	[sflag:s18] =	ssyncset.done @!p0 $0x0  }
0xec: {  	s20 =	simm.s32 @!p0 $0x40;
	[sflag:s18] =	ssyncadd.s32 @!p0 $0xFFFFE000;
	s18 =	sadd.s32 @!p0 $0x340, s17  }
0xed: {  	[tilespmem:s22], [sflag:$0x4] =	stream.indirect.gather @!p0 [hbm4b:s1+s20], $0x80, s18, s20, $0xb8;
	[tilespmem:$0x15C00] =	vst v63  }
0xee: {  	_ =	swait.ge [sflag:s23], $0x2000  }
0xef: {  	[sflag:s23] =	ssyncset.done $0x0  }
0xf0: {  	s20 =	simm.s32 $0x9C80;
	[sflag:s23] =	ssyncadd.s32 $0xFFFFE000  }
0xf1: {  	v0 =	vld [tilespmem:s20+$0x70]  }
0xf2: {  	v1 =	vld [tilespmem:s20+$0xFFFFFF90]  }
0xf3: {  	v2 =	vld [tilespmem:s20+$0xFFFFFFA0]  }
0xf4: {  	v3 =	vld [tilespmem:s20+$0xFFFFFFB0]  }
0xf5: {  	v4 =	vld [tilespmem:s20+$0xFFFFFFC0]  }
0xf6: {  	v5 =	vld [tilespmem:s20+$0xFFFFFFD0];
	v0 =	vmul.f32 $1.131370830e+01, v0  }
0xf7: {  	v6 =	vld [tilespmem:s20+$0xFFFFFFE0];
	v1 =	vmul.f32 $1.131370830e+01, v1  }
0xf8: {  	v7 =	vld [tilespmem:s20+$0xFFFFFFF0];
	v2 =	vmul.f32 $1.131370830e+01, v2;
	[tilespmem:s20+$0x70] =	vst v0  }
0xf9: {  	[tilespmem:s20+$0xFFFFFF90] =	vst v1;
	v0 =	vmul.f32 $1.131370830e+01, v3;
	v3 =	vld [tilespmem:s20+$0x0]  }
0xfa: {  	[tilespmem:s20+$0xFFFFFFA0] =	vst v2;
	v1 =	vmul.f32 $1.131370830e+01, v4;
	v4 =	vld [tilespmem:s20+$0x10]  }
0xfb: {  	v8 =	vld [tilespmem:s20+$0x20];
	v2 =	vmul.f32 $1.131370830e+01, v5;
	[tilespmem:s20+$0xFFFFFFB0] =	vst v0  }
0xfc: {  	v5 =	vmul.f32 $1.131370830e+01, v6;
	[tilespmem:s20+$0xFFFFFFC0] =	vst v1;
	v0 =	vld [tilespmem:s20+$0x30]  }
0xfd: {  	v6 =	vmul.f32 $1.131370830e+01, v7;
	[tilespmem:s20+$0xFFFFFFD0] =	vst v2;
	v1 =	vld [tilespmem:s20+$0x40]  }
0xfe: {  	[tilespmem:s20+$0xFFFFFFE0] =	vst v5;
	v2 =	vld [tilespmem:s20+$0x50];
	v7 =	vmul.f32 $1.131370830e+01, v3  }
0xff: {  	[tilespmem:s20+$0xFFFFFFF0] =	vst v6;
	v3 =	vld [tilespmem:s20+$0x60];
	v5 =	vmul.f32 $1.131370830e+01, v4  }
0x100: {  	s18 =	simm.s32 $0x0;
	s22 =	simm.s32 $0x9D80;
	v6 =	vmul.f32 $1.131370830e+01, v8;
	v4 =	vld [tilespmem:s20+$0xFFFFFF80];
	[tilespmem:s20+$0x0] =	vst v7  }
.LBB2_11:
0x101: {  	v7 =	vld [tilespmem:s22+$0x70];
	s18 =	sadd.s32 $0x2, s18;
	[tilespmem:s20+$0x10] =	vst v5;
	v0 =	vmul.f32 $1.131370830e+01, v0  }
0x102: {  	v5 =	vld [tilespmem:s22+$0xFFFFFF90];
	p1 =	slt.u32 s18, $0x3E;
	[tilespmem:s20+$0x20] =	vst v6;
	v1 =	vmul.f32 $1.131370830e+01, v1  }
0x103: {  	v6 =	vld [tilespmem:s22+$0xFFFFFFA0];
	[tilespmem:s20+$0x30] =	vst v0;
	v0 =	vmul.f32 $1.131370830e+01, v2  }
0x104: {  	v2 =	vld [tilespmem:s22+$0xFFFFFFB0];
	[tilespmem:s20+$0x40] =	vst v1;
	v1 =	vmul.f32 $1.131370830e+01, v3  }
0x105: {  	v3 =	vld [tilespmem:s22+$0xFFFFFFC0];
	v4 =	vmul.f32 $1.131370830e+01, v4;
	[tilespmem:s20+$0x50] =	vst v0  }
0x106: {  	v0 =	vld [tilespmem:s22+$0xFFFFFFD0];
	v7 =	vmul.f32 $1.131370830e+01, v7;
	[tilespmem:s20+$0x60] =	vst v1  }
0x107: {  	v1 =	vmul.f32 $1.131370830e+01, v5;
	v5 =	vld [tilespmem:s22+$0xFFFFFFE0];
	[tilespmem:s20+$0xFFFFFF80] =	vst v4;
	s20 =	smov.u32 s22  }
0x108: {  	v4 =	vmul.f32 $1.131370830e+01, v6;
	v6 =	vld [tilespmem:s22+$0xFFFFFFF0];
	[tilespmem:s22+$0x70] =	vst v7  }
0x109: {  	[tilespmem:s22+$0xFFFFFF90] =	vst v1;
	v1 =	vmul.f32 $1.131370830e+01, v2;
	v2 =	vld [tilespmem:s22+$0x0]  }
0x10a: {  	[tilespmem:s22+$0xFFFFFFA0] =	vst v4;
	v3 =	vmul.f32 $1.131370830e+01, v3;
	v4 =	vld [tilespmem:s22+$0x10]  }
0x10b: {  	[tilespmem:s22+$0xFFFFFFB0] =	vst v1;
	v1 =	vmul.f32 $1.131370830e+01, v0;
	v7 =	vld [tilespmem:s22+$0x20]  }
.Ltmp4:
0x10c: {  	[tilespmem:s22+$0xFFFFFFC0] =	vst v3;
	v3 =	vmul.f32 $1.131370830e+01, v5;
	v0 =	vld [tilespmem:s22+$0x30];
	(pc) =	sbr.rel @p1 .LBB2_11-.Ltmp4, $4  }
0x10d: {  	[tilespmem:s22+$0xFFFFFFD0] =	vst v1;
	v5 =	vmul.f32 $1.131370830e+01, v6;
	v1 =	vld [tilespmem:s22+$0x40]  }
0x10e: {  	[tilespmem:s22+$0xFFFFFFE0] =	vst v3;
	v6 =	vmul.f32 $1.131370830e+01, v2;
	v2 =	vld [tilespmem:s22+$0x50]  }
0x10f: {  	[tilespmem:s22+$0xFFFFFFF0] =	vst v5;
	v5 =	vmul.f32 $1.131370830e+01, v4;
	v3 =	vld [tilespmem:s22+$0x60]  }
0x110: {  	s22 =	sadd.s32 $0x100, s22;
	v4 =	vld [tilespmem:s20+$0xFFFFFF80];
	[tilespmem:s20+$0x0] =	vst v6;
	v6 =	vmul.f32 $1.131370830e+01, v7  }
0x111: {  	[tilespmem:s20+$0x10] =	vst v5;
	v0 =	vmul.f32 $1.131370830e+01, v0  }
0x112: {  	[tilespmem:s20+$0x20] =	vst v6;
	v1 =	vmul.f32 $1.131370830e+01, v1  }
0x113: {  	[tilespmem:s20+$0x30] =	vst v0;
	v0 =	vmul.f32 $1.131370830e+01, v2  }
0x114: {  	s18 =	sadd.s32 $0x100000, s5;
	[tilespmem:s20+$0x40] =	vst v1;
	v1 =	vmul.f32 $1.131370830e+01, v3  }
0x115: {  	s22 =	sor.u32 s7, s18;
	v2 =	vmul.f32 $1.131370830e+01, v4;
	[tilespmem:s20+$0x50] =	vst v0  }
0x116: {  	s22 =	sshrl.u32 s22, $0x3;
	[tilespmem:s20+$0x60] =	vst v1  }
0x117: {  	s24 =	simm.s32 $0x9C00;
	s22 =	sadd.s32 s3, s22;
	[tilespmem:s20+$0xFFFFFF80] =	vst v2;
	s20 =	simm.s32 @!p0 $0xF  }
0x118: {  	[hbm4b:s22+s4] =	stream.linear.scatter [tilespmem:s24], [sflag:$0xF], $0x2000, $0x38;
	[tilespmem:$0x15C00] =	vst v63  }
0x119: {  	_ =	swait.ge @!p0 [sflag:s20], $0x2000  }
0x11a: {  	s22 =	simm.s32 @!p0 $0x40;
	[sflag:s20] =	ssyncset.done @!p0 $0x0  }
0x11b: {  	s24 =	simm.s32 @!p0 $0x9C00;
	[sflag:s20] =	ssyncadd.s32 @!p0 $0xFFFFE000;
	s20 =	sadd.s32 @!p0 $0x380, s17  }
0x11c: {  	[tilespmem:s24], [sflag:$0x5] =	stream.indirect.gather @!p0 [hbm4b:s1+s22], $0x80, s20, s22, $0xb8;
	[tilespmem:$0x15C00] =	vst v63  }
0x11d: {  	_ =	swait.ge [sflag:s25], $0x2000  }
0x11e: {  	[sflag:s25] =	ssyncset.done $0x0  }
0x11f: {  	s20 =	simm.s32 $0xBC80;
	[sflag:s25] =	ssyncadd.s32 $0xFFFFE000  }
0x120: {  	v0 =	vld [tilespmem:s20+$0x70]  }
0x121: {  	v1 =	vld [tilespmem:s20+$0xFFFFFF90]  }
0x122: {  	v2 =	vld [tilespmem:s20+$0xFFFFFFA0]  }
0x123: {  	v3 =	vld [tilespmem:s20+$0xFFFFFFB0]  }
0x124: {  	v4 =	vld [tilespmem:s20+$0xFFFFFFC0]  }
0x125: {  	v5 =	vld [tilespmem:s20+$0xFFFFFFD0];
	v0 =	vmul.f32 $1.131370830e+01, v0  }
0x126: {  	v6 =	vld [tilespmem:s20+$0xFFFFFFE0];
	v1 =	vmul.f32 $1.131370830e+01, v1  }
0x127: {  	v7 =	vld [tilespmem:s20+$0xFFFFFFF0];
	v2 =	vmul.f32 $1.131370830e+01, v2;
	[tilespmem:s20+$0x70] =	vst v0  }
0x128: {  	[tilespmem:s20+$0xFFFFFF90] =	vst v1;
	v0 =	vmul.f32 $1.131370830e+01, v3;
	v3 =	vld [tilespmem:s20+$0x0]  }
0x129: {  	[tilespmem:s20+$0xFFFFFFA0] =	vst v2;
	v1 =	vmul.f32 $1.131370830e+01, v4;
	v4 =	vld [tilespmem:s20+$0x10]  }
0x12a: {  	v8 =	vld [tilespmem:s20+$0x20];
	v2 =	vmul.f32 $1.131370830e+01, v5;
	[tilespmem:s20+$0xFFFFFFB0] =	vst v0  }
0x12b: {  	v5 =	vmul.f32 $1.131370830e+01, v6;
	[tilespmem:s20+$0xFFFFFFC0] =	vst v1;
	v0 =	vld [tilespmem:s20+$0x30]  }
0x12c: {  	v6 =	vmul.f32 $1.131370830e+01, v7;
	[tilespmem:s20+$0xFFFFFFD0] =	vst v2;
	v1 =	vld [tilespmem:s20+$0x40]  }
0x12d: {  	[tilespmem:s20+$0xFFFFFFE0] =	vst v5;
	v2 =	vld [tilespmem:s20+$0x50];
	v7 =	vmul.f32 $1.131370830e+01, v3  }
0x12e: {  	[tilespmem:s20+$0xFFFFFFF0] =	vst v6;
	v3 =	vld [tilespmem:s20+$0x60];
	v5 =	vmul.f32 $1.131370830e+01, v4  }
0x12f: {  	s22 =	simm.s32 $0x0;
	s24 =	simm.s32 $0xBD80;
	v6 =	vmul.f32 $1.131370830e+01, v8;
	v4 =	vld [tilespmem:s20+$0xFFFFFF80];
	[tilespmem:s20+$0x0] =	vst v7  }
.LBB2_13:
0x130: {  	v7 =	vld [tilespmem:s24+$0x70];
	s22 =	sadd.s32 $0x2, s22;
	[tilespmem:s20+$0x10] =	vst v5;
	v0 =	vmul.f32 $1.131370830e+01, v0  }
0x131: {  	v5 =	vld [tilespmem:s24+$0xFFFFFF90];
	p1 =	slt.u32 s22, $0x3E;
	[tilespmem:s20+$0x20] =	vst v6;
	v1 =	vmul.f32 $1.131370830e+01, v1  }
0x132: {  	v6 =	vld [tilespmem:s24+$0xFFFFFFA0];
	[tilespmem:s20+$0x30] =	vst v0;
	v0 =	vmul.f32 $1.131370830e+01, v2  }
0x133: {  	v2 =	vld [tilespmem:s24+$0xFFFFFFB0];
	[tilespmem:s20+$0x40] =	vst v1;
	v1 =	vmul.f32 $1.131370830e+01, v3  }
0x134: {  	v3 =	vld [tilespmem:s24+$0xFFFFFFC0];
	v4 =	vmul.f32 $1.131370830e+01, v4;
	[tilespmem:s20+$0x50] =	vst v0  }
0x135: {  	v0 =	vld [tilespmem:s24+$0xFFFFFFD0];
	v7 =	vmul.f32 $1.131370830e+01, v7;
	[tilespmem:s20+$0x60] =	vst v1  }
0x136: {  	v1 =	vmul.f32 $1.131370830e+01, v5;
	v5 =	vld [tilespmem:s24+$0xFFFFFFE0];
	[tilespmem:s20+$0xFFFFFF80] =	vst v4;
	s20 =	smov.u32 s24  }
0x137: {  	v4 =	vmul.f32 $1.131370830e+01, v6;
	v6 =	vld [tilespmem:s24+$0xFFFFFFF0];
	[tilespmem:s24+$0x70] =	vst v7  }
0x138: {  	[tilespmem:s24+$0xFFFFFF90] =	vst v1;
	v1 =	vmul.f32 $1.131370830e+01, v2;
	v2 =	vld [tilespmem:s24+$0x0]  }
0x139: {  	[tilespmem:s24+$0xFFFFFFA0] =	vst v4;
	v3 =	vmul.f32 $1.131370830e+01, v3;
	v4 =	vld [tilespmem:s24+$0x10]  }
0x13a: {  	[tilespmem:s24+$0xFFFFFFB0] =	vst v1;
	v1 =	vmul.f32 $1.131370830e+01, v0;
	v7 =	vld [tilespmem:s24+$0x20]  }
.Ltmp5:
0x13b: {  	[tilespmem:s24+$0xFFFFFFC0] =	vst v3;
	v3 =	vmul.f32 $1.131370830e+01, v5;
	v0 =	vld [tilespmem:s24+$0x30];
	(pc) =	sbr.rel @p1 .LBB2_13-.Ltmp5, $4  }
0x13c: {  	[tilespmem:s24+$0xFFFFFFD0] =	vst v1;
	v5 =	vmul.f32 $1.131370830e+01, v6;
	v1 =	vld [tilespmem:s24+$0x40]  }
0x13d: {  	[tilespmem:s24+$0xFFFFFFE0] =	vst v3;
	v6 =	vmul.f32 $1.131370830e+01, v2;
	v2 =	vld [tilespmem:s24+$0x50]  }
0x13e: {  	[tilespmem:s24+$0xFFFFFFF0] =	vst v5;
	v5 =	vmul.f32 $1.131370830e+01, v4;
	v3 =	vld [tilespmem:s24+$0x60]  }
0x13f: {  	s24 =	sadd.s32 $0x100, s24;
	v4 =	vld [tilespmem:s20+$0xFFFFFF80];
	[tilespmem:s20+$0x0] =	vst v6;
	v6 =	vmul.f32 $1.131370830e+01, v7  }
0x140: {  	[tilespmem:s20+$0x10] =	vst v5;
	v0 =	vmul.f32 $1.131370830e+01, v0  }
0x141: {  	[tilespmem:s20+$0x20] =	vst v6;
	v1 =	vmul.f32 $1.131370830e+01, v1  }
0x142: {  	[tilespmem:s20+$0x30] =	vst v0;
	v0 =	vmul.f32 $1.131370830e+01, v2  }
0x143: {  	[tilespmem:s20+$0x40] =	vst v1;
	v1 =	vmul.f32 $1.131370830e+01, v3  }
0x144: {  	s18 =	sor.u32 s8, s18;
	v2 =	vmul.f32 $1.131370830e+01, v4;
	[tilespmem:s20+$0x50] =	vst v0  }
0x145: {  	s18 =	sshrl.u32 s18, $0x3;
	[tilespmem:s20+$0x60] =	vst v1  }
0x146: {  	s18 =	sadd.s32 s3, s18;
	[tilespmem:s20+$0xFFFFFF80] =	vst v2  }
0x147: {  	[hbm4b:s18+s4] =	stream.linear.scatter [tilespmem:s26], [sflag:$0x10], $0x2000, $0x38;
	[tilespmem:$0x15C00] =	vst v63  }
0x148: {  	s18 =	simm.s32 @!p0 $0x10  }
0x149: {  	_ =	swait.ge @!p0 [sflag:s18], $0x2000  }
0x14a: {  	s22 =	simm.s32 @!p0 $0xBC00;
	[sflag:s18] =	ssyncset.done @!p0 $0x0  }
0x14b: {  	s20 =	simm.s32 @!p0 $0x40;
	[sflag:s18] =	ssyncadd.s32 @!p0 $0xFFFFE000;
	s18 =	sadd.s32 @!p0 $0x3C0, s17  }
0x14c: {  	[tilespmem:s22], [sflag:$0x6] =	stream.indirect.gather @!p0 [hbm4b:s1+s20], $0x80, s18, s20, $0xb8;
	[tilespmem:$0x15C00] =	vst v63  }
0x14d: {  	_ =	swait.ge [sflag:s28], $0x2000  }
0x14e: {  	[sflag:s28] =	ssyncset.done $0x0  }
0x14f: {  	s20 =	simm.s32 $0xDC80;
	[sflag:s28] =	ssyncadd.s32 $0xFFFFE000  }
0x150: {  	v0 =	vld [tilespmem:s20+$0x70]  }
0x151: {  	v1 =	vld [tilespmem:s20+$0xFFFFFF90]  }
0x152: {  	v2 =	vld [tilespmem:s20+$0xFFFFFFA0]  }
0x153: {  	v3 =	vld [tilespmem:s20+$0xFFFFFFB0]  }
0x154: {  	v4 =	vld [tilespmem:s20+$0xFFFFFFC0]  }
0x155: {  	v5 =	vld [tilespmem:s20+$0xFFFFFFD0];
	v0 =	vmul.f32 $1.131370830e+01, v0  }
0x156: {  	v6 =	vld [tilespmem:s20+$0xFFFFFFE0];
	v1 =	vmul.f32 $1.131370830e+01, v1  }
0x157: {  	v7 =	vld [tilespmem:s20+$0xFFFFFFF0];
	v2 =	vmul.f32 $1.131370830e+01, v2;
	[tilespmem:s20+$0x70] =	vst v0  }
0x158: {  	[tilespmem:s20+$0xFFFFFF90] =	vst v1;
	v0 =	vmul.f32 $1.131370830e+01, v3;
	v3 =	vld [tilespmem:s20+$0x0]  }
0x159: {  	[tilespmem:s20+$0xFFFFFFA0] =	vst v2;
	v1 =	vmul.f32 $1.131370830e+01, v4;
	v4 =	vld [tilespmem:s20+$0x10]  }
0x15a: {  	v8 =	vld [tilespmem:s20+$0x20];
	v2 =	vmul.f32 $1.131370830e+01, v5;
	[tilespmem:s20+$0xFFFFFFB0] =	vst v0  }
0x15b: {  	v5 =	vmul.f32 $1.131370830e+01, v6;
	[tilespmem:s20+$0xFFFFFFC0] =	vst v1;
	v0 =	vld [tilespmem:s20+$0x30]  }
0x15c: {  	v6 =	vmul.f32 $1.131370830e+01, v7;
	[tilespmem:s20+$0xFFFFFFD0] =	vst v2;
	v1 =	vld [tilespmem:s20+$0x40]  }
0x15d: {  	[tilespmem:s20+$0xFFFFFFE0] =	vst v5;
	v2 =	vld [tilespmem:s20+$0x50];
	v7 =	vmul.f32 $1.131370830e+01, v3  }
0x15e: {  	[tilespmem:s20+$0xFFFFFFF0] =	vst v6;
	v3 =	vld [tilespmem:s20+$0x60];
	v5 =	vmul.f32 $1.131370830e+01, v4  }
0x15f: {  	s18 =	simm.s32 $0x0;
	s22 =	simm.s32 $0xDD80;
	v6 =	vmul.f32 $1.131370830e+01, v8;
	v4 =	vld [tilespmem:s20+$0xFFFFFF80];
	[tilespmem:s20+$0x0] =	vst v7  }
.LBB2_15:
0x160: {  	v7 =	vld [tilespmem:s22+$0x70];
	s18 =	sadd.s32 $0x2, s18;
	[tilespmem:s20+$0x10] =	vst v5;
	v0 =	vmul.f32 $1.131370830e+01, v0  }
0x161: {  	v5 =	vld [tilespmem:s22+$0xFFFFFF90];
	p1 =	slt.u32 s18, $0x3E;
	[tilespmem:s20+$0x20] =	vst v6;
	v1 =	vmul.f32 $1.131370830e+01, v1  }
0x162: {  	v6 =	vld [tilespmem:s22+$0xFFFFFFA0];
	[tilespmem:s20+$0x30] =	vst v0;
	v0 =	vmul.f32 $1.131370830e+01, v2  }
0x163: {  	v2 =	vld [tilespmem:s22+$0xFFFFFFB0];
	[tilespmem:s20+$0x40] =	vst v1;
	v1 =	vmul.f32 $1.131370830e+01, v3  }
0x164: {  	v3 =	vld [tilespmem:s22+$0xFFFFFFC0];
	v4 =	vmul.f32 $1.131370830e+01, v4;
	[tilespmem:s20+$0x50] =	vst v0  }
0x165: {  	v0 =	vld [tilespmem:s22+$0xFFFFFFD0];
	v7 =	vmul.f32 $1.131370830e+01, v7;
	[tilespmem:s20+$0x60] =	vst v1  }
0x166: {  	v1 =	vmul.f32 $1.131370830e+01, v5;
	v5 =	vld [tilespmem:s22+$0xFFFFFFE0];
	[tilespmem:s20+$0xFFFFFF80] =	vst v4;
	s20 =	smov.u32 s22  }
0x167: {  	v4 =	vmul.f32 $1.131370830e+01, v6;
	v6 =	vld [tilespmem:s22+$0xFFFFFFF0];
	[tilespmem:s22+$0x70] =	vst v7  }
0x168: {  	[tilespmem:s22+$0xFFFFFF90] =	vst v1;
	v1 =	vmul.f32 $1.131370830e+01, v2;
	v2 =	vld [tilespmem:s22+$0x0]  }
0x169: {  	[tilespmem:s22+$0xFFFFFFA0] =	vst v4;
	v3 =	vmul.f32 $1.131370830e+01, v3;
	v4 =	vld [tilespmem:s22+$0x10]  }
0x16a: {  	[tilespmem:s22+$0xFFFFFFB0] =	vst v1;
	v1 =	vmul.f32 $1.131370830e+01, v0;
	v7 =	vld [tilespmem:s22+$0x20]  }
.Ltmp6:
0x16b: {  	[tilespmem:s22+$0xFFFFFFC0] =	vst v3;
	v3 =	vmul.f32 $1.131370830e+01, v5;
	v0 =	vld [tilespmem:s22+$0x30];
	(pc) =	sbr.rel @p1 .LBB2_15-.Ltmp6, $4  }
0x16c: {  	[tilespmem:s22+$0xFFFFFFD0] =	vst v1;
	v5 =	vmul.f32 $1.131370830e+01, v6;
	v1 =	vld [tilespmem:s22+$0x40]  }
0x16d: {  	[tilespmem:s22+$0xFFFFFFE0] =	vst v3;
	v6 =	vmul.f32 $1.131370830e+01, v2;
	v2 =	vld [tilespmem:s22+$0x50]  }
0x16e: {  	[tilespmem:s22+$0xFFFFFFF0] =	vst v5;
	v5 =	vmul.f32 $1.131370830e+01, v4;
	v3 =	vld [tilespmem:s22+$0x60]  }
0x16f: {  	s22 =	sadd.s32 $0x100, s22;
	v4 =	vld [tilespmem:s20+$0xFFFFFF80];
	[tilespmem:s20+$0x0] =	vst v6;
	v6 =	vmul.f32 $1.131370830e+01, v7  }
0x170: {  	[tilespmem:s20+$0x10] =	vst v5;
	v0 =	vmul.f32 $1.131370830e+01, v0  }
0x171: {  	[tilespmem:s20+$0x20] =	vst v6;
	v1 =	vmul.f32 $1.131370830e+01, v1  }
0x172: {  	[tilespmem:s20+$0x30] =	vst v0;
	v0 =	vmul.f32 $1.131370830e+01, v2  }
0x173: {  	s18 =	sadd.s32 $0x180000, s5;
	[tilespmem:s20+$0x40] =	vst v1;
	v1 =	vmul.f32 $1.131370830e+01, v3  }
0x174: {  	s22 =	sor.u32 s7, s18;
	v2 =	vmul.f32 $1.131370830e+01, v4;
	[tilespmem:s20+$0x50] =	vst v0  }
0x175: {  	s22 =	sshrl.u32 s22, $0x3;
	[tilespmem:s20+$0x60] =	vst v1  }
0x176: {  	s24 =	sadd.s32 s3, s22;
	[tilespmem:s20+$0xFFFFFF80] =	vst v2;
	s20 =	simm.s32 @!p0 $0x11  }
0x177: {  	[hbm4b:s24+s4] =	stream.linear.scatter [tilespmem:s29], [sflag:$0x11], $0x2000, $0x38;
	[tilespmem:$0x15C00] =	vst v63  }
0x178: {  	_ =	swait.ge @!p0 [sflag:s20], $0x2000  }
0x179: {  	s22 =	simm.s32 @!p0 $0x40;
	[sflag:s20] =	ssyncset.done @!p0 $0x0  }
0x17a: {  	s24 =	simm.s32 @!p0 $0xDC00;
	[sflag:s20] =	ssyncadd.s32 @!p0 $0xFFFFE000;
	s20 =	sadd.s32 @!p0 $0x400, s17  }
0x17b: {  	[tilespmem:s24], [sflag:$0x7] =	stream.indirect.gather @!p0 [hbm4b:s1+s22], $0x80, s20, s22, $0xb8;
	[tilespmem:$0x15C00] =	vst v63  }
0x17c: {  	_ =	swait.ge [sflag:s30], $0x2000  }
0x17d: {  	[sflag:s30] =	ssyncset.done $0x0  }
0x17e: {  	s20 =	simm.s32 $0xFC80;
	[sflag:s30] =	ssyncadd.s32 $0xFFFFE000  }
0x17f: {  	v0 =	vld [tilespmem:s20+$0x70]  }
0x180: {  	v1 =	vld [tilespmem:s20+$0xFFFFFF90]  }
0x181: {  	v2 =	vld [tilespmem:s20+$0xFFFFFFA0]  }
0x182: {  	v3 =	vld [tilespmem:s20+$0xFFFFFFB0]  }
0x183: {  	v4 =	vld [tilespmem:s20+$0xFFFFFFC0]  }
0x184: {  	v5 =	vld [tilespmem:s20+$0xFFFFFFD0];
	v0 =	vmul.f32 $1.131370830e+01, v0  }
0x185: {  	v6 =	vld [tilespmem:s20+$0xFFFFFFE0];
	v1 =	vmul.f32 $1.131370830e+01, v1  }
0x186: {  	v7 =	vld [tilespmem:s20+$0xFFFFFFF0];
	v2 =	vmul.f32 $1.131370830e+01, v2;
	[tilespmem:s20+$0x70] =	vst v0  }
0x187: {  	[tilespmem:s20+$0xFFFFFF90] =	vst v1;
	v0 =	vmul.f32 $1.131370830e+01, v3;
	v3 =	vld [tilespmem:s20+$0x0]  }
0x188: {  	[tilespmem:s20+$0xFFFFFFA0] =	vst v2;
	v1 =	vmul.f32 $1.131370830e+01, v4;
	v4 =	vld [tilespmem:s20+$0x10]  }
0x189: {  	v8 =	vld [tilespmem:s20+$0x20];
	v2 =	vmul.f32 $1.131370830e+01, v5;
	[tilespmem:s20+$0xFFFFFFB0] =	vst v0  }
0x18a: {  	v5 =	vmul.f32 $1.131370830e+01, v6;
	[tilespmem:s20+$0xFFFFFFC0] =	vst v1;
	v0 =	vld [tilespmem:s20+$0x30]  }
0x18b: {  	v6 =	vmul.f32 $1.131370830e+01, v7;
	[tilespmem:s20+$0xFFFFFFD0] =	vst v2;
	v1 =	vld [tilespmem:s20+$0x40]  }
0x18c: {  	[tilespmem:s20+$0xFFFFFFE0] =	vst v5;
	v2 =	vld [tilespmem:s20+$0x50];
	v7 =	vmul.f32 $1.131370830e+01, v3  }
0x18d: {  	[tilespmem:s20+$0xFFFFFFF0] =	vst v6;
	v3 =	vld [tilespmem:s20+$0x60];
	v5 =	vmul.f32 $1.131370830e+01, v4  }
0x18e: {  	s22 =	simm.s32 $0x0;
	s24 =	simm.s32 $0xFD80;
	v6 =	vmul.f32 $1.131370830e+01, v8;
	v4 =	vld [tilespmem:s20+$0xFFFFFF80];
	[tilespmem:s20+$0x0] =	vst v7  }
.LBB2_17:
0x18f: {  	v7 =	vld [tilespmem:s24+$0x70];
	s22 =	sadd.s32 $0x2, s22;
	[tilespmem:s20+$0x10] =	vst v5;
	v0 =	vmul.f32 $1.131370830e+01, v0  }
0x190: {  	v5 =	vld [tilespmem:s24+$0xFFFFFF90];
	p1 =	slt.u32 s22, $0x3E;
	[tilespmem:s20+$0x20] =	vst v6;
	v1 =	vmul.f32 $1.131370830e+01, v1  }
0x191: {  	v6 =	vld [tilespmem:s24+$0xFFFFFFA0];
	[tilespmem:s20+$0x30] =	vst v0;
	v0 =	vmul.f32 $1.131370830e+01, v2  }
0x192: {  	v2 =	vld [tilespmem:s24+$0xFFFFFFB0];
	[tilespmem:s20+$0x40] =	vst v1;
	v1 =	vmul.f32 $1.131370830e+01, v3  }
0x193: {  	v3 =	vld [tilespmem:s24+$0xFFFFFFC0];
	v4 =	vmul.f32 $1.131370830e+01, v4;
	[tilespmem:s20+$0x50] =	vst v0  }
0x194: {  	v0 =	vld [tilespmem:s24+$0xFFFFFFD0];
	v7 =	vmul.f32 $1.131370830e+01, v7;
	[tilespmem:s20+$0x60] =	vst v1  }
0x195: {  	v1 =	vmul.f32 $1.131370830e+01, v5;
	v5 =	vld [tilespmem:s24+$0xFFFFFFE0];
	[tilespmem:s20+$0xFFFFFF80] =	vst v4;
	s20 =	smov.u32 s24  }
0x196: {  	v4 =	vmul.f32 $1.131370830e+01, v6;
	v6 =	vld [tilespmem:s24+$0xFFFFFFF0];
	[tilespmem:s24+$0x70] =	vst v7  }
0x197: {  	[tilespmem:s24+$0xFFFFFF90] =	vst v1;
	v1 =	vmul.f32 $1.131370830e+01, v2;
	v2 =	vld [tilespmem:s24+$0x0]  }
0x198: {  	[tilespmem:s24+$0xFFFFFFA0] =	vst v4;
	v3 =	vmul.f32 $1.131370830e+01, v3;
	v4 =	vld [tilespmem:s24+$0x10]  }
0x199: {  	[tilespmem:s24+$0xFFFFFFB0] =	vst v1;
	v1 =	vmul.f32 $1.131370830e+01, v0;
	v7 =	vld [tilespmem:s24+$0x20]  }
.Ltmp7:
0x19a: {  	[tilespmem:s24+$0xFFFFFFC0] =	vst v3;
	v3 =	vmul.f32 $1.131370830e+01, v5;
	v0 =	vld [tilespmem:s24+$0x30];
	(pc) =	sbr.rel @p1 .LBB2_17-.Ltmp7, $4  }
0x19b: {  	[tilespmem:s24+$0xFFFFFFD0] =	vst v1;
	v5 =	vmul.f32 $1.131370830e+01, v6;
	v1 =	vld [tilespmem:s24+$0x40]  }
0x19c: {  	[tilespmem:s24+$0xFFFFFFE0] =	vst v3;
	v6 =	vmul.f32 $1.131370830e+01, v2;
	v2 =	vld [tilespmem:s24+$0x50]  }
0x19d: {  	[tilespmem:s24+$0xFFFFFFF0] =	vst v5;
	v5 =	vmul.f32 $1.131370830e+01, v4;
	v3 =	vld [tilespmem:s24+$0x60]  }
0x19e: {  	s24 =	sadd.s32 $0x100, s24;
	v4 =	vld [tilespmem:s20+$0xFFFFFF80];
	[tilespmem:s20+$0x0] =	vst v6;
	v6 =	vmul.f32 $1.131370830e+01, v7  }
0x19f: {  	[tilespmem:s20+$0x10] =	vst v5;
	v0 =	vmul.f32 $1.131370830e+01, v0  }
0x1a0: {  	[tilespmem:s20+$0x20] =	vst v6;
	v1 =	vmul.f32 $1.131370830e+01, v1  }
0x1a1: {  	[tilespmem:s20+$0x30] =	vst v0;
	v0 =	vmul.f32 $1.131370830e+01, v2  }
0x1a2: {  	[tilespmem:s20+$0x40] =	vst v1;
	v1 =	vmul.f32 $1.131370830e+01, v3  }
0x1a3: {  	s18 =	sor.u32 s8, s18;
	v2 =	vmul.f32 $1.131370830e+01, v4;
	[tilespmem:s20+$0x50] =	vst v0  }
0x1a4: {  	s18 =	sshrl.u32 s18, $0x3;
	[tilespmem:s20+$0x60] =	vst v1  }
0x1a5: {  	s18 =	sadd.s32 s3, s18;
	[tilespmem:s20+$0xFFFFFF80] =	vst v2  }
0x1a6: {  	[hbm4b:s18+s4] =	stream.linear.scatter [tilespmem:s31], [sflag:$0x12], $0x2000, $0x38;
	[tilespmem:$0x15C00] =	vst v63  }
0x1a7: {  	s18 =	simm.s32 @!p0 $0x12  }
0x1a8: {  	_ =	swait.ge @!p0 [sflag:s18], $0x2000  }
0x1a9: {  	s22 =	simm.s32 @!p0 $0xFC00;
	[sflag:s18] =	ssyncset.done @!p0 $0x0  }
0x1aa: {  	s20 =	simm.s32 @!p0 $0x40;
	[sflag:s18] =	ssyncadd.s32 @!p0 $0xFFFFE000;
	s18 =	sadd.s32 @!p0 $0x440, s17  }
0x1ab: {  	[tilespmem:s22], [sflag:$0x8] =	stream.indirect.gather @!p0 [hbm4b:s1+s20], $0x80, s18, s20, $0xb8;
	[tilespmem:$0x15C00] =	vst v63  }
0x1ac: {  	_ =	swait.ge [sflag:s0], $0x2000  }
0x1ad: {  	[sflag:s0] =	ssyncset.done $0x0  }
0x1ae: {  	s18 =	simm.s32 $0x11C80;
	[sflag:s0] =	ssyncadd.s32 $0xFFFFE000  }
0x1af: {  	v0 =	vld [tilespmem:s18+$0x70]  }
0x1b0: {  	v1 =	vld [tilespmem:s18+$0xFFFFFF90]  }
0x1b1: {  	v2 =	vld [tilespmem:s18+$0xFFFFFFA0]  }
0x1b2: {  	v3 =	vld [tilespmem:s18+$0xFFFFFFB0]  }
0x1b3: {  	v4 =	vld [tilespmem:s18+$0xFFFFFFC0]  }
0x1b4: {  	v5 =	vld [tilespmem:s18+$0xFFFFFFD0];
	v0 =	vmul.f32 $1.131370830e+01, v0  }
0x1b5: {  	v6 =	vld [tilespmem:s18+$0xFFFFFFE0];
	v1 =	vmul.f32 $1.131370830e+01, v1  }
0x1b6: {  	v7 =	vld [tilespmem:s18+$0xFFFFFFF0];
	v2 =	vmul.f32 $1.131370830e+01, v2;
	[tilespmem:s18+$0x70] =	vst v0  }
0x1b7: {  	[tilespmem:s18+$0xFFFFFF90] =	vst v1;
	v0 =	vmul.f32 $1.131370830e+01, v3;
	v3 =	vld [tilespmem:s18+$0x0]  }
0x1b8: {  	[tilespmem:s18+$0xFFFFFFA0] =	vst v2;
	v1 =	vmul.f32 $1.131370830e+01, v4;
	v4 =	vld [tilespmem:s18+$0x10]  }
0x1b9: {  	v8 =	vld [tilespmem:s18+$0x20];
	v2 =	vmul.f32 $1.131370830e+01, v5;
	[tilespmem:s18+$0xFFFFFFB0] =	vst v0  }
0x1ba: {  	v5 =	vmul.f32 $1.131370830e+01, v6;
	[tilespmem:s18+$0xFFFFFFC0] =	vst v1;
	v0 =	vld [tilespmem:s18+$0x30]  }
0x1bb: {  	v6 =	vmul.f32 $1.131370830e+01, v7;
	[tilespmem:s18+$0xFFFFFFD0] =	vst v2;
	v1 =	vld [tilespmem:s18+$0x40]  }
0x1bc: {  	[tilespmem:s18+$0xFFFFFFE0] =	vst v5;
	v2 =	vld [tilespmem:s18+$0x50];
	v7 =	vmul.f32 $1.131370830e+01, v3  }
0x1bd: {  	[tilespmem:s18+$0xFFFFFFF0] =	vst v6;
	v3 =	vld [tilespmem:s18+$0x60];
	v5 =	vmul.f32 $1.131370830e+01, v4  }
0x1be: {  	s20 =	simm.s32 $0x0;
	s22 =	simm.s32 $0x11D80;
	v6 =	vmul.f32 $1.131370830e+01, v8;
	v4 =	vld [tilespmem:s18+$0xFFFFFF80];
	[tilespmem:s18+$0x0] =	vst v7  }
.LBB2_19:
0x1bf: {  	v7 =	vld [tilespmem:s22+$0x70];
	s20 =	sadd.s32 $0x2, s20;
	[tilespmem:s18+$0x10] =	vst v5;
	v0 =	vmul.f32 $1.131370830e+01, v0  }
0x1c0: {  	v5 =	vld [tilespmem:s22+$0xFFFFFF90];
	p1 =	slt.u32 s20, $0x3E;
	[tilespmem:s18+$0x20] =	vst v6;
	v1 =	vmul.f32 $1.131370830e+01, v1  }
0x1c1: {  	v6 =	vld [tilespmem:s22+$0xFFFFFFA0];
	[tilespmem:s18+$0x30] =	vst v0;
	v0 =	vmul.f32 $1.131370830e+01, v2  }
0x1c2: {  	v2 =	vld [tilespmem:s22+$0xFFFFFFB0];
	[tilespmem:s18+$0x40] =	vst v1;
	v1 =	vmul.f32 $1.131370830e+01, v3  }
0x1c3: {  	v3 =	vld [tilespmem:s22+$0xFFFFFFC0];
	v4 =	vmul.f32 $1.131370830e+01, v4;
	[tilespmem:s18+$0x50] =	vst v0  }
0x1c4: {  	v0 =	vld [tilespmem:s22+$0xFFFFFFD0];
	v7 =	vmul.f32 $1.131370830e+01, v7;
	[tilespmem:s18+$0x60] =	vst v1  }
0x1c5: {  	v1 =	vmul.f32 $1.131370830e+01, v5;
	v5 =	vld [tilespmem:s22+$0xFFFFFFE0];
	[tilespmem:s18+$0xFFFFFF80] =	vst v4;
	s18 =	smov.u32 s22  }
0x1c6: {  	v4 =	vmul.f32 $1.131370830e+01, v6;
	v6 =	vld [tilespmem:s22+$0xFFFFFFF0];
	[tilespmem:s22+$0x70] =	vst v7  }
0x1c7: {  	[tilespmem:s22+$0xFFFFFF90] =	vst v1;
	v1 =	vmul.f32 $1.131370830e+01, v2;
	v2 =	vld [tilespmem:s22+$0x0]  }
0x1c8: {  	[tilespmem:s22+$0xFFFFFFA0] =	vst v4;
	v3 =	vmul.f32 $1.131370830e+01, v3;
	v4 =	vld [tilespmem:s22+$0x10]  }
0x1c9: {  	[tilespmem:s22+$0xFFFFFFB0] =	vst v1;
	v1 =	vmul.f32 $1.131370830e+01, v0;
	v7 =	vld [tilespmem:s22+$0x20]  }
.Ltmp8:
0x1ca: {  	[tilespmem:s22+$0xFFFFFFC0] =	vst v3;
	v3 =	vmul.f32 $1.131370830e+01, v5;
	v0 =	vld [tilespmem:s22+$0x30];
	(pc) =	sbr.rel @p1 .LBB2_19-.Ltmp8, $4  }
0x1cb: {  	[tilespmem:s22+$0xFFFFFFD0] =	vst v1;
	v5 =	vmul.f32 $1.131370830e+01, v6;
	v1 =	vld [tilespmem:s22+$0x40]  }
0x1cc: {  	[tilespmem:s22+$0xFFFFFFE0] =	vst v3;
	v6 =	vmul.f32 $1.131370830e+01, v2;
	v2 =	vld [tilespmem:s22+$0x50]  }
0x1cd: {  	[tilespmem:s22+$0xFFFFFFF0] =	vst v5;
	v5 =	vmul.f32 $1.131370830e+01, v4;
	v3 =	vld [tilespmem:s22+$0x60]  }
0x1ce: {  	s22 =	sadd.s32 $0x100, s22;
	v4 =	vld [tilespmem:s18+$0xFFFFFF80];
	[tilespmem:s18+$0x0] =	vst v6;
	v6 =	vmul.f32 $1.131370830e+01, v7  }
0x1cf: {  	[tilespmem:s18+$0x10] =	vst v5;
	v0 =	vmul.f32 $1.131370830e+01, v0  }
0x1d0: {  	[tilespmem:s18+$0x20] =	vst v6;
	v1 =	vmul.f32 $1.131370830e+01, v1  }
0x1d1: {  	[tilespmem:s18+$0x30] =	vst v0;
	v0 =	vmul.f32 $1.131370830e+01, v2  }
0x1d2: {  	[tilespmem:s18+$0x40] =	vst v1;
	v1 =	vmul.f32 $1.131370830e+01, v3  }
0x1d3: {  	s5 =	sadd.s32 s9, s5;
	v2 =	vmul.f32 $1.131370830e+01, v4;
	[tilespmem:s18+$0x50] =	vst v0  }
0x1d4: {  	s5 =	sshrl.u32 s5, $0x3;
	[tilespmem:s18+$0x60] =	vst v1  }
0x1d5: {  	s5 =	sadd.s32 s3, s5;
	[tilespmem:s18+$0xFFFFFF80] =	vst v2  }
0x1d6: {  	[hbm4b:s5+s4] =	stream.linear.scatter [tilespmem:s2], [sflag:$0x13], $0x2000, $0x38;
	[tilespmem:$0x15C00] =	vst v63  }
0x1d7: {  	s5 =	simm.s32 @!p0 $0x13  }
0x1d8: {  	_ =	swait.ge @!p0 [sflag:s5], $0x2000  }
0x1d9: {  	s18 =	simm.s32 @!p0 $0x11C00;
	[sflag:s5] =	ssyncset.done @!p0 $0x0  }
0x1da: {  	[sflag:s5] =	ssyncadd.s32 @!p0 $0xFFFFE000;
	s5 =	sadd.s32 @!p0 $0x480, s17;
	s17 =	simm.s32 @!p0 $0x40  }
0x1db: {  	[tilespmem:s18], [sflag:$0x9] =	stream.indirect.gather @!p0 [hbm4b:s1+s17], $0x80, s5, s17, $0xb8;
	[tilespmem:$0x15C00] =	vst v63  }
0x1dc: {  	_ =	swait.ge [sflag:s6], $0x2000  }
0x1dd: {  	[sflag:s6] =	ssyncset.done $0x0  }
0x1de: {  	s5 =	simm.s32 $0x13C80;
	[sflag:s6] =	ssyncadd.s32 $0xFFFFE000  }
0x1df: {  	v0 =	vld [tilespmem:s5+$0x70]  }
0x1e0: {  	v1 =	vld [tilespmem:s5+$0xFFFFFF90]  }
0x1e1: {  	v2 =	vld [tilespmem:s5+$0xFFFFFFA0]  }
0x1e2: {  	v3 =	vld [tilespmem:s5+$0xFFFFFFB0]  }
0x1e3: {  	v4 =	vld [tilespmem:s5+$0xFFFFFFC0]  }
0x1e4: {  	v5 =	vld [tilespmem:s5+$0xFFFFFFD0];
	v0 =	vmul.f32 $1.131370830e+01, v0  }
0x1e5: {  	v6 =	vld [tilespmem:s5+$0xFFFFFFE0];
	v1 =	vmul.f32 $1.131370830e+01, v1  }
0x1e6: {  	v7 =	vld [tilespmem:s5+$0xFFFFFFF0];
	v2 =	vmul.f32 $1.131370830e+01, v2;
	[tilespmem:s5+$0x70] =	vst v0  }
0x1e7: {  	[tilespmem:s5+$0xFFFFFF90] =	vst v1;
	v0 =	vmul.f32 $1.131370830e+01, v3;
	v3 =	vld [tilespmem:s5+$0x0]  }
0x1e8: {  	[tilespmem:s5+$0xFFFFFFA0] =	vst v2;
	v1 =	vmul.f32 $1.131370830e+01, v4;
	v4 =	vld [tilespmem:s5+$0x10]  }
0x1e9: {  	v8 =	vld [tilespmem:s5+$0x20];
	v2 =	vmul.f32 $1.131370830e+01, v5;
	[tilespmem:s5+$0xFFFFFFB0] =	vst v0  }
0x1ea: {  	v5 =	vmul.f32 $1.131370830e+01, v6;
	[tilespmem:s5+$0xFFFFFFC0] =	vst v1;
	v0 =	vld [tilespmem:s5+$0x30]  }
0x1eb: {  	v6 =	vmul.f32 $1.131370830e+01, v7;
	[tilespmem:s5+$0xFFFFFFD0] =	vst v2;
	v1 =	vld [tilespmem:s5+$0x40]  }
0x1ec: {  	[tilespmem:s5+$0xFFFFFFE0] =	vst v5;
	v2 =	vld [tilespmem:s5+$0x50];
	v7 =	vmul.f32 $1.131370830e+01, v3  }
0x1ed: {  	[tilespmem:s5+$0xFFFFFFF0] =	vst v6;
	v3 =	vld [tilespmem:s5+$0x60];
	v5 =	vmul.f32 $1.131370830e+01, v4  }
0x1ee: {  	s17 =	simm.s32 $0x0;
	s18 =	simm.s32 $0x13D80;
	v6 =	vmul.f32 $1.131370830e+01, v8;
	v4 =	vld [tilespmem:s5+$0xFFFFFF80];
	[tilespmem:s5+$0x0] =	vst v7  }
.LBB2_21:
0x1ef: {  	v7 =	vld [tilespmem:s18+$0x70];
	s17 =	sadd.s32 $0x2, s17;
	[tilespmem:s5+$0x10] =	vst v5;
	v0 =	vmul.f32 $1.131370830e+01, v0  }
0x1f0: {  	v5 =	vld [tilespmem:s18+$0xFFFFFF90];
	p0 =	slt.u32 s17, $0x3E;
	[tilespmem:s5+$0x20] =	vst v6;
	v1 =	vmul.f32 $1.131370830e+01, v1  }
0x1f1: {  	v6 =	vld [tilespmem:s18+$0xFFFFFFA0];
	[tilespmem:s5+$0x30] =	vst v0;
	v0 =	vmul.f32 $1.131370830e+01, v2  }
0x1f2: {  	v2 =	vld [tilespmem:s18+$0xFFFFFFB0];
	[tilespmem:s5+$0x40] =	vst v1;
	v1 =	vmul.f32 $1.131370830e+01, v3  }
0x1f3: {  	v3 =	vld [tilespmem:s18+$0xFFFFFFC0];
	v4 =	vmul.f32 $1.131370830e+01, v4;
	[tilespmem:s5+$0x50] =	vst v0  }
0x1f4: {  	v0 =	vld [tilespmem:s18+$0xFFFFFFD0];
	v7 =	vmul.f32 $1.131370830e+01, v7;
	[tilespmem:s5+$0x60] =	vst v1  }
0x1f5: {  	v1 =	vmul.f32 $1.131370830e+01, v5;
	v5 =	vld [tilespmem:s18+$0xFFFFFFE0];
	[tilespmem:s5+$0xFFFFFF80] =	vst v4;
	s5 =	smov.u32 s18  }
0x1f6: {  	v4 =	vmul.f32 $1.131370830e+01, v6;
	v6 =	vld [tilespmem:s18+$0xFFFFFFF0];
	[tilespmem:s18+$0x70] =	vst v7  }
0x1f7: {  	[tilespmem:s18+$0xFFFFFF90] =	vst v1;
	v1 =	vmul.f32 $1.131370830e+01, v2;
	v2 =	vld [tilespmem:s18+$0x0]  }
0x1f8: {  	[tilespmem:s18+$0xFFFFFFA0] =	vst v4;
	v3 =	vmul.f32 $1.131370830e+01, v3;
	v4 =	vld [tilespmem:s18+$0x10]  }
0x1f9: {  	[tilespmem:s18+$0xFFFFFFB0] =	vst v1;
	v1 =	vmul.f32 $1.131370830e+01, v0;
	v7 =	vld [tilespmem:s18+$0x20]  }
.Ltmp9:
0x1fa: {  	[tilespmem:s18+$0xFFFFFFC0] =	vst v3;
	v3 =	vmul.f32 $1.131370830e+01, v5;
	v0 =	vld [tilespmem:s18+$0x30];
	(pc) =	sbr.rel @p0 .LBB2_21-.Ltmp9, $4  }
0x1fb: {  	[tilespmem:s18+$0xFFFFFFD0] =	vst v1;
	v5 =	vmul.f32 $1.131370830e+01, v6;
	v1 =	vld [tilespmem:s18+$0x40]  }
0x1fc: {  	[tilespmem:s18+$0xFFFFFFE0] =	vst v3;
	v6 =	vmul.f32 $1.131370830e+01, v2;
	v2 =	vld [tilespmem:s18+$0x50]  }
0x1fd: {  	[tilespmem:s18+$0xFFFFFFF0] =	vst v5;
	v5 =	vmul.f32 $1.131370830e+01, v4;
	v3 =	vld [tilespmem:s18+$0x60]  }
0x1fe: {  	s18 =	sadd.s32 $0x100, s18;
	v4 =	vld [tilespmem:s5+$0xFFFFFF80];
	[tilespmem:s5+$0x0] =	vst v6;
	v6 =	vmul.f32 $1.131370830e+01, v7  }
0x1ff: {  	[tilespmem:s5+$0x10] =	vst v5;
	v0 =	vmul.f32 $1.131370830e+01, v0  }
0x200: {  	s15 =	sadd.s32 $0x1, s15;
	[tilespmem:s5+$0x20] =	vst v6;
	v1 =	vmul.f32 $1.131370830e+01, v1  }
0x201: {  	p0 =	sne.s32 s15, $0xA;
	[tilespmem:s5+$0x30] =	vst v0;
	v61 =	vmul.f32 $1.131370830e+01, v2  }
.Ltmp10:
0x202: {  	[tilespmem:s5+$0x40] =	vst v1;
	v62 =	vmul.f32 $1.131370830e+01, v3;
	(pc) =	sbr.rel @p0 .LBB2_2-.Ltmp10, $4  }
0x203: {  	s11 =	sshll.u32 s11, $0xF;
	v63 =	vmul.f32 $1.131370830e+01, v4;
	[tilespmem:s5+$0x50] =	vst v61  }
0x204: {  	s11 =	sand.u32 $0xFF0000, s11;
	[tilespmem:s5+$0x60] =	vst v62  }
0x205: {  	s24 =	sadd.s32 s11, s10;
	[tilespmem:s5+$0xFFFFFF80] =	vst v63  }
0x206: {  	[hbm4b:s24+s4] =	stream.linear.scatter [tilespmem:s12], [sflag:$0x14], $0x2000, $0x38;
	[tilespmem:$0x15C00] =	vst v63  }
0x207: {  	s5 =	simm.s32 $0xB  }
0x208: {  	_ =	swait.ge [sflag:s5], $0x2000  }
0x209: {  	[sflag:s5] =	ssyncset.done $0x0  }
0x20a: {  	s22 =	simm.s32 $0xC;
	[sflag:s5] =	ssyncadd.s32 $0xFFFFE000  }
0x20b: {  	_ =	swait.ge [sflag:s22], $0x2000  }
0x20c: {  	[sflag:s22] =	ssyncset.done $0x0  }
0x20d: {  	s24 =	simm.s32 $0xD;
	[sflag:s22] =	ssyncadd.s32 $0xFFFFE000  }
0x20e: {  	_ =	swait.ge [sflag:s24], $0x2000  }
0x20f: {  	[sflag:s24] =	ssyncset.done $0x0  }
0x210: {  	s11 =	simm.s32 $0xE;
	[sflag:s24] =	ssyncadd.s32 $0xFFFFE000  }
0x211: {  	_ =	swait.ge [sflag:s11], $0x2000  }
0x212: {  	[sflag:s11] =	ssyncset.done $0x0  }
0x213: {  	s15 =	simm.s32 $0xF;
	[sflag:s11] =	ssyncadd.s32 $0xFFFFE000  }
0x214: {  	_ =	swait.ge [sflag:s15], $0x2000  }
0x215: {  	[sflag:s15] =	ssyncset.done $0x0  }
0x216: {  	s17 =	simm.s32 $0x10;
	[sflag:s15] =	ssyncadd.s32 $0xFFFFE000  }
0x217: {  	_ =	swait.ge [sflag:s17], $0x2000  }
0x218: {  	[sflag:s17] =	ssyncset.done $0x0  }
0x219: {  	s18 =	simm.s32 $0x11;
	[sflag:s17] =	ssyncadd.s32 $0xFFFFE000  }
0x21a: {  	_ =	swait.ge [sflag:s18], $0x2000  }
0x21b: {  	[sflag:s18] =	ssyncset.done $0x0  }
0x21c: {  	s20 =	simm.s32 $0x12;
	[sflag:s18] =	ssyncadd.s32 $0xFFFFE000  }
0x21d: {  	_ =	swait.ge [sflag:s20], $0x2000  }
0x21e: {  	[sflag:s20] =	ssyncset.done $0x0  }
0x21f: {  	s22 =	simm.s32 $0x13;
	[sflag:s20] =	ssyncadd.s32 $0xFFFFE000  }
0x220: {  	_ =	swait.ge [sflag:s22], $0x2000  }
0x221: {  	[sflag:s22] =	ssyncset.done $0x0  }
0x222: {  	s11 =	simm.s32 $0x14;
	[sflag:s22] =	ssyncadd.s32 $0xFFFFE000  }
0x223: {  	_ =	swait.ge [sflag:s11], $0x2000  }
0x224: {  	s15 =	rddreg [dreg:$0x7]  }
0x225: {  	s24 =	rddreg [dreg:$0x6];
	s15 =	sadd.s32 $0x1, s15  }
0x226: {  	p0 =	sne.s32 s15, s24  }
.Ltmp11:
0x227: {  	_ = 	snop;
	(pc) =	sbr.rel @p0 .LBB2_1-.Ltmp11, $3  }
0x228: {  	_ =	sdelay $0x1  }
0x229: {  	[sflag:s11] =	ssyncset.done $0x0  }
0x22a: {  	[sflag:s11] =	ssyncadd.s32 $0xFFFFE000  }
0x22b: {  	_ =	sfence.sel $0x180000  }
0x22c: {  	[bflag:$0x0] =	sbarrier.arrive $0xFFFF  }
0x22d: {  	_ =	strace $0x90000047  }
0x22e: {  	s0 =	stileid.u32;
	[bflag:$0x2] =	sbarrier.arrive $0xFFFF  }
0x22f: {  	p0 =	sne.s32 s0, $0x0;
	s0 =	rddreg [dreg:$0x3]  }
0x230: {  	s0 =	sadd.s32 @!p0 $0x100000, s0  }
0x231: {  	[sflag:s0] =	ssyncadd.tile.s32 @!p0 $0x1;
	_ =	shalt  }
.Lfunc_end2:
_tile_overlayer_lowered:
.L_overlay_start_2:
0x232: {  	(tag) =	ssettag $0x2  }
0x233: {  	s0 =	rddreg [dreg:$0x0];
	s2 =	stileid.u32  }
0x234: {  	s1 =	rddreg [dreg:$0x1];
	p0 =	sne.s32 s2, $0x0  }
0x235: {  	s3 =	rddreg [dreg:$0x2];
	[bflag:$0x3] =	sbarrier.arrive $0xFFFF;
	s2 =	simm.s32 @!p0 $0x1C15  }
0x236: {  	[timem:s3], [sflag:s2] =	dma.local @!p0 [hbm:s0], s1  }
0x237: {  	s0 =	simm.s32 @!p0 $0x15  }
0x238: {  	_ =	swait.ge @!p0 [sflag:s0], s1  }
0x239: {  	s1 =	ssub.s32 @!p0 $0x0, s1;
	[sflag:s0] =	ssyncset.done @!p0 $0x0  }
0x23a: {  	[sflag:s0] =	ssyncadd.s32 @!p0 s1  }
0x23b: {  	[bflag:$0x3] =	sbarrier.arrive $0xFFFF  }
0x23c: {  	_ =	shalt  }

</sc_bundles>
